<compile_context>
chip_gen: v7x
topology: tpu7x:2x2x1
jax: 0.10.2.dev20260603
libtpu: 0.0.44.dev20260713+nightly
codegen_flags: <defaults>
</compile_context>

<pallas_src>
import functools

import jax
import jax.numpy as jnp
from jax import lax
from jax.experimental import pallas as pl
from jax.experimental.pallas import tpu as pltpu
from jax.experimental.pallas import tpu_sc as plsc

N = 10000
E = 320000
M = 2000
NC = 2
NS = 16
NW = NC * NS
CE = 4096
EP = 327680
FW = 4
NACC = 10240


def _make_sc_spmm(D, weighted):
    ng = D // FW
    np_ = NW // ng
    epp = EP // np_
    nchk = epp // CE
    mesh = plsc.VectorSubcoreMesh(core_axis_name="c", subcore_axis_name="s")

    @functools.partial(
        pl.kernel,
        out_type=jax.ShapeDtypeStruct((np_, D, NACC), jnp.float32),
        mesh=mesh,
        compiler_params=pltpu.CompilerParams(use_tc_tiling_on_sc=False,
                                             needs_layout_passes=False),
        scratch_types=[
            pltpu.VMEM((FW, NACC), jnp.float32),
            pltpu.VMEM((FW, NACC), jnp.float32),
            pltpu.VMEM((2, CE), jnp.int32),
            pltpu.VMEM((2, CE), jnp.int32),
            pltpu.VMEM((2, CE), jnp.float32),
            [pltpu.SemaphoreType.DMA] * 2,
            pltpu.SemaphoreType.DMA,
        ],
    )
    def k(ht_hbm, src_hbm, dst_hbm, w_hbm, out_hbm,
          ht_v, acc_v, srcb, dstb, wb, esems, hsem):
        cid = lax.axis_index("c")
        sid = lax.axis_index("s")
        wid = sid * NC + cid
        g = wid % ng
        p = wid // ng
        ebase = p * epp

        hdma = pltpu.async_copy(ht_hbm.at[pl.ds(g * FW, FW)], ht_v, hsem)

        def fire_chunk(c, j):
            off = ebase + c * CE
            pltpu.async_copy(src_hbm.at[pl.ds(off, CE)], srcb.at[j], esems[j])
            pltpu.async_copy(dst_hbm.at[pl.ds(off, CE)], dstb.at[j], esems[j])
            if weighted:
                pltpu.async_copy(w_hbm.at[pl.ds(off, CE)], wb.at[j], esems[j])

        def wait_chunk(j):
            pltpu.make_async_copy(src_hbm.at[pl.ds(0, CE)], srcb.at[j],
                                  esems[j]).wait()
            pltpu.make_async_copy(dst_hbm.at[pl.ds(0, CE)], dstb.at[j],
                                  esems[j]).wait()
            if weighted:
                pltpu.make_async_copy(w_hbm.at[pl.ds(0, CE)], wb.at[j],
                                      esems[j]).wait()

        fire_chunk(0, 0)

        zv = jnp.zeros((16,), jnp.float32)

        def zero_body(r, _):
            for f in range(FW):
                acc_v[f, pl.ds(r * 16, 16)] = zv
            return 0
        lax.fori_loop(0, NACC // 16, zero_body, 0)
        hdma.wait()

        def chunk_body(c, j):
            wait_chunk(j)

            @pl.when(c + 1 < nchk)
            def _():
                fire_chunk(c + 1, 1 - j)

            @plsc.parallel_loop(0, CE // 16, step=1, unroll=4)
            def _(i):
                sl = pl.ds(i * 16, 16)
                srcv = srcb[j, sl]
                dstv = dstb[j, sl]
                if weighted:
                    wv = wb[j, sl]
                for f in range(FW):
                    hv = plsc.load_gather(ht_v.at[f], [srcv])
                    if weighted:
                        hv = hv * wv
                    plsc.addupdate_scatter(acc_v.at[f], [dstv], hv)

        def iter_body(cc, _):
            chunk_body(cc * 2, 0)
            chunk_body(cc * 2 + 1, 1)
            return 0
        lax.fori_loop(0, nchk // 2, iter_body, 0)

        pltpu.sync_copy(acc_v, out_hbm.at[p, pl.ds(g * FW, FW)])

    return k


_sc_spmm_64w = _make_sc_spmm(64, True)
_sc_spmm_32w = _make_sc_spmm(32, True)
_sc_spmm_32u = _make_sc_spmm(32, False)



def _lin1_body(xt_ref, w1t_ref, b1_ref, o_ref):
    o_ref[...] = (jnp.dot(w1t_ref[...], xt_ref[...],
                          preferred_element_type=jnp.float32)
                  + b1_ref[...])


def _tc_lin1(xt, W1T, b1):
    return pl.pallas_call(
        _lin1_body,
        out_shape=jax.ShapeDtypeStruct((64, NACC), jnp.float32),
    )(xt, W1T, b1[:, None])


def _comb1_body(p_ref, w2t_ref, b2_ref, o_ref):
    h = jnp.maximum(p_ref[0] + p_ref[1], 0.0)
    o_ref[...] = (jnp.dot(w2t_ref[...], h,
                          preferred_element_type=jnp.float32)
                  + b2_ref[...])


def _tc_comb1(p, W2T, b2):
    return pl.pallas_call(
        _comb1_body,
        out_shape=jax.ShapeDtypeStruct((32, NACC), jnp.float32),
    )(p, W2T, b2[:, None])


def _comb2_body(p_ref, o_ref):
    o_ref[...] = jnp.maximum(p_ref[0] + p_ref[1] + p_ref[2] + p_ref[3], 0.0)


def _tc_comb2(p):
    return pl.pallas_call(
        _comb2_body,
        out_shape=jax.ShapeDtypeStruct((32, NACC), jnp.float32),
    )(p)


def _enew_body(adj_ref, ef_ref, we_ref, o_ref):
    t = jnp.dot(ef_ref[...], we_ref[...], preferred_element_type=jnp.float32)
    o_ref[...] = jnp.maximum(
        jnp.dot(adj_ref[...], t, preferred_element_type=jnp.float32), 0.0)


def _tc_enew(adj_e, edge_features, We):
    return pl.pallas_call(
        _enew_body,
        out_shape=jax.ShapeDtypeStruct((M, 32), jnp.float32),
    )(adj_e, edge_features, We)


_NBLK = 8
_BR = NACC // _NBLK


def _final_body(p_ref, t_ref, en_ref, wv_ref, wc1_ref, bc1_ref,
                wc2_ref, bc2_ref, o_ref):
    nft = (p_ref[0] + p_ref[1] + p_ref[2] + p_ref[3]) * (1.0 / float(E))
    nf = nft.T
    shared = jnp.maximum(
        jnp.dot(nf, wv_ref[...], preferred_element_type=jnp.float32)
        + jnp.dot(t_ref[...], en_ref[...], preferred_element_type=jnp.float32),
        0.0)
    l1 = jnp.maximum(
        jnp.dot(shared, wc1_ref[...], preferred_element_type=jnp.float32)
        + bc1_ref[...], 0.0)
    logits = (jnp.dot(l1, wc2_ref[...], preferred_element_type=jnp.float32)
              + bc2_ref[...])
    m = jnp.max(logits, axis=1, keepdims=True)
    ex = jnp.exp(logits - m)
    o_ref[...] = ex / jnp.sum(ex, axis=1, keepdims=True)


def _tc_final(p3, T, e_new, Wv, Wc1, bc1, Wc2, bc2):
    return pl.pallas_call(
        _final_body,
        grid=(_NBLK,),
        in_specs=[
            pl.BlockSpec((4, 32, _BR), lambda i: (0, 0, i)),
            pl.BlockSpec((_BR, M), lambda i: (i, 0)),
            pl.BlockSpec((M, 32), lambda i: (0, 0)),
            pl.BlockSpec((32, 32), lambda i: (0, 0)),
            pl.BlockSpec((32, 32), lambda i: (0, 0)),
            pl.BlockSpec((1, 32), lambda i: (0, 0)),
            pl.BlockSpec((32, 2), lambda i: (0, 0)),
            pl.BlockSpec((1, 2), lambda i: (0, 0)),
        ],
        out_specs=pl.BlockSpec((_BR, 2), lambda i: (i, 0)),
        out_shape=jax.ShapeDtypeStruct((N, 2), jnp.float32),
    )(p3, T, e_new, Wv, Wc1, bc1[None, :], Wc2, bc2[None, :])


def kernel(x, edge_index, edge_weight, edge_features, adj_e, T,
           W1, b1, W2, b2, We, Wv, Wc1, bc1, Wc2, bc2):
    pad = EP - E
    src = jnp.concatenate([edge_index[0], jnp.zeros((pad,), jnp.int32)])
    dst = jnp.concatenate([edge_index[1], jnp.full((pad,), N, jnp.int32)])
    w = jnp.concatenate([edge_weight, jnp.zeros((pad,), jnp.float32)])
    xt = jnp.concatenate(
        [x.T, jnp.zeros((x.shape[1], NACC - N), jnp.float32)], axis=1)

    g1 = _tc_lin1(xt, W1.T, b1)
    p1 = _sc_spmm_64w(g1, src, dst, w)
    g2 = _tc_comb1(p1, W2.T, b2)
    p2 = _sc_spmm_32w(g2, src, dst, w)
    h2 = _tc_comb2(p2)
    p3 = _sc_spmm_32u(h2, src, dst, w)
    e_new = _tc_enew(adj_e, edge_features, We)
    return _tc_final(p3, T, e_new, Wv, Wc1, bc1, Wc2, bc2)

# --- scband reference (transcript-rebuilt; emitter-appended) ---
"""Pipeline reference for scband-hypergraph-model-56642028700408 (READ-ONLY COPY).

The authoritative reference and input builder live on the scoring server;
editing this copy changes nothing except your own understanding.
"""

import jax, jax.numpy as jnp
import numpy as np

N = 10000
E = 320000
M = 2000
D_FEAT = 128
D_EDGE = 16

def setup_inputs(seed: int = 0):
    key = jax.random.key(seed)
    ks = jax.random.split(key, 16)
    inp = {}
    inp['x'] = jax.random.normal(ks[0], (N, D_FEAT), dtype=jnp.float32)
    inp['edge_index'] = jax.random.randint(ks[1], (2, E), 0, N, dtype=jnp.int32)
    inp['edge_weight'] = jax.random.uniform(ks[2], (E,), dtype=jnp.float32)
    inp['edge_features'] = jax.random.normal(ks[3], (M, D_EDGE), dtype=jnp.float32)
    inp['adj_e'] = jax.random.uniform(ks[4], (M, M), dtype=jnp.float32)
    inp['T'] = jax.random.uniform(ks[5], (N, M), dtype=jnp.float32)
    inp['W1'] = jax.random.normal(ks[6], (D_FEAT, 64), dtype=jnp.float32) / np.sqrt(D_FEAT)
    inp['b1'] = jnp.zeros((64,), dtype=jnp.float32)
    inp['W2'] = jax.random.normal(ks[7], (64, 32), dtype=jnp.float32) / np.sqrt(64.0)
    inp['b2'] = jnp.zeros((32,), dtype=jnp.float32)
    inp['We'] = jax.random.normal(ks[8], (D_EDGE, 32), dtype=jnp.float32) / np.sqrt(float(D_EDGE))
    inp['Wv'] = jax.random.normal(ks[9], (32, 32), dtype=jnp.float32) / np.sqrt(32.0)
    inp['Wc1'] = jax.random.normal(ks[10], (32, 32), dtype=jnp.float32) / np.sqrt(32.0)
    inp['bc1'] = jnp.zeros((32,), dtype=jnp.float32)
    inp['Wc2'] = jax.random.normal(ks[11], (32, 2), dtype=jnp.float32) / np.sqrt(32.0)
    inp['bc2'] = jnp.zeros((2,), dtype=jnp.float32)
    return inp

def _hconv(x, src, dst, edge_weight, W, b):
    h = x @ W + b
    msg = edge_weight[:, None] * jnp.take(h, src, axis=0)
    return jax.ops.segment_sum(msg, dst, num_segments=N)

def reference(x, edge_index, edge_weight, edge_features, adj_e, T, W1, b1, W2, b2, We, Wv, Wc1, bc1, Wc2, bc2):
    src = edge_index[0]
    dst = edge_index[1]
    h = jax.nn.relu(_hconv(x, src, dst, edge_weight, W1, b1))
    h = jax.nn.relu(_hconv(h, src, dst, edge_weight, W2, b2))
    node_features = jax.ops.segment_sum(jnp.take(h, src, axis=0), dst, num_segments=N) / float(E)
    e_new = jax.nn.relu(adj_e @ (edge_features @ We))
    shared = jax.nn.relu(node_features @ Wv + T @ e_new)
    logits = jax.nn.relu(shared @ Wc1 + bc1) @ Wc2 + bc2
    return jax.nn.softmax(logits, axis=1)

if __name__ == "__main__":
    import jax
    _d = setup_inputs()
    print(jax.jit(kernel)(*tuple(_d.values())))

</pallas_src>

<mosaic_0001>
#map = affine_map<(d0, d1) -> (0, 0)>
#map1 = affine_map<(d0, d1) -> (0)>
#map2 = affine_map<(d0, d1) -> (0, 0, 0)>
module attributes {stable_mosaic.version = 14 : i64} {
  func.func @k(%arg0: i32, %arg1: i32, %arg2: memref<32x10240xf32, #tpu.memory_space<hbm>>, %arg3: memref<327680xi32, #tpu.memory_space<hbm>>, %arg4: memref<327680xi32, #tpu.memory_space<hbm>>, %arg5: memref<327680xf32, #tpu.memory_space<hbm>>, %arg6: memref<4x32x10240xf32, #tpu.memory_space<hbm>>, %arg7: memref<4x10240xf32, #tpu.memory_space<vmem>>, %arg8: memref<4x10240xf32, #tpu.memory_space<vmem>>, %arg9: memref<2x4096xi32, #tpu.memory_space<vmem>>, %arg10: memref<2x4096xi32, #tpu.memory_space<vmem>>, %arg11: memref<2x4096xf32, #tpu.memory_space<vmem>>, %arg12: memref<!tpu.dma_semaphore, #tpu.memory_space<semaphore_mem>>, %arg13: memref<!tpu.dma_semaphore, #tpu.memory_space<semaphore_mem>>, %arg14: memref<!tpu.dma_semaphore, #tpu.memory_space<semaphore_mem>>) attributes {dimension_semantics = [#tpu.dimension_semantics<core_parallel>, #tpu.dimension_semantics<subcore_parallel>], iteration_bounds = array<i64: 2, 16>, scalar_prefetch = 0 : i64, scratch_operands = 8 : i64, tpu.core_type = #tpu.core_type<sc_vector_subcore>, window_params = [{transform_indices = #map}, {transform_indices = #map1}, {transform_indices = #map1}, {transform_indices = #map1}, {transform_indices = #map2}]} {
    %mul3A = arith.constant 2 : i32
    %mul3A_0 = arith.muli %arg1, %mul3A : i32
    %add3A = arith.addi %mul3A_0, %arg0 : i32
    %jit3A = arith.constant 8 : i32
    %eq3A = arith.constant 0 : i32
    %eq3A_1 = arith.cmpi eq, %jit3A, %eq3A : i32
    %jit3A_2 = arith.constant 1 : i32
    %select_n3A = arith.select %eq3A_1, %jit3A_2, %jit3A : i32
    %rem3A = arith.remsi %add3A, %select_n3A : i32
    %ne3A = arith.constant 0 : i32
    %ne3A_3 = arith.cmpi ne, %rem3A, %ne3A : i32
    %lt3A = arith.constant 0 : i32
    %lt3A_4 = arith.cmpi slt, %rem3A, %lt3A : i32
    %lt3A_5 = arith.constant 0 : i32
    %lt3A_6 = arith.cmpi slt, %select_n3A, %lt3A_5 : i32
    %ne3A_7 = arith.xori %lt3A_4, %lt3A_6 : i1
    %and3A = arith.andi %ne3A_7, %ne3A_3 : i1
    %add3A_8 = arith.addi %rem3A, %select_n3A : i32
    %select_n3A_9 = arith.select %and3A, %add3A_8, %rem3A : i32
    %jit3A_10 = arith.constant 8 : i32
    %div3A = arith.divsi %add3A, %jit3A_10 : i32
    %sign3A = arith.constant 0 : i32
    %sign3A_11 = arith.cmpi sgt, %add3A, %sign3A : i32
    %sign3A_12 = arith.extui %sign3A_11 : i1 to i32
    %sign3A_13 = arith.constant 0 : i32
    %sign3A_14 = arith.cmpi slt, %add3A, %sign3A_13 : i32
    %sign3A_15 = arith.extui %sign3A_14 : i1 to i32
    %sign3A_16 = arith.subi %sign3A_12, %sign3A_15 : i32
    %sign3A_17 = arith.constant 0 : i32
    %sign3A_18 = arith.cmpi sgt, %jit3A_10, %sign3A_17 : i32
    %sign3A_19 = arith.extui %sign3A_18 : i1 to i32
    %sign3A_20 = arith.constant 0 : i32
    %sign3A_21 = arith.cmpi slt, %jit3A_10, %sign3A_20 : i32
    %sign3A_22 = arith.extui %sign3A_21 : i1 to i32
    %sign3A_23 = arith.subi %sign3A_19, %sign3A_22 : i32
    %ne3A_24 = arith.cmpi ne, %sign3A_16, %sign3A_23 : i32
    %rem3A_25 = arith.remsi %add3A, %jit3A_10 : i32
    %ne3A_26 = arith.constant 0 : i32
    %ne3A_27 = arith.cmpi ne, %rem3A_25, %ne3A_26 : i32
    %and3A_28 = arith.andi %ne3A_24, %ne3A_27 : i1
    %sub3A = arith.constant 1 : i32
    %sub3A_29 = arith.subi %div3A, %sub3A : i32
    %select_n3A_30 = arith.select %and3A_28, %sub3A_29, %div3A : i32
    %mul3A_31 = arith.constant 81920 : i32
    %mul3A_32 = arith.muli %select_n3A_30, %mul3A_31 : i32
    %mul3A_33 = arith.constant 4 : i32
    %mul3A_34 = arith.muli %select_n3A_9, %mul3A_33 : i32
    %dma_start3A = arith.constant 0 : i32
    %dma_start3A_35 = tpu.memref_slice %arg2[%mul3A_34, %dma_start3A] : memref<32x10240xf32, #tpu.memory_space<hbm>> -> memref<4x10240xf32, #tpu.memory_space<hbm>>
    %dma_start3A_36 = arith.constant 0 : i32
    %dma_start3A_37 = tpu.memref_slice %arg2[%mul3A_34, %dma_start3A_36] : memref<32x10240xf32, #tpu.memory_space<hbm>> -> memref<4x10240xf32, #tpu.memory_space<hbm>>
    tpu.enqueue_dma source(%dma_start3A_37 : memref<4x10240xf32, #tpu.memory_space<hbm>>) target(%arg7 : memref<4x10240xf32, #tpu.memory_space<vmem>>) target_semaphore(%arg14 : memref<!tpu.dma_semaphore, #tpu.memory_space<semaphore_mem>>)
    %add3A_38 = arith.constant 0 : i32
    %add3A_39 = arith.addi %mul3A_32, %add3A_38 : i32
    %dma_start3A_40 = arith.constant 0 : i32
    %dma_start3A_41 = arith.constant 0 : i32
    %dma_start3A_42 = tpu.memref_slice %arg9[%dma_start3A_40, %dma_start3A_41] : memref<2x4096xi32, #tpu.memory_space<vmem>> -> memref<1x4096xi32, #tpu.memory_space<vmem>>
    %dma_start3A_43 = tpu.memref_squeeze %dma_start3A_42 : memref<1x4096xi32, #tpu.memory_space<vmem>> -> memref<4096xi32, #tpu.memory_space<vmem>>
    %dma_start3A_44 = tpu.memref_slice %arg3[%add3A_39] : memref<327680xi32, #tpu.memory_space<hbm>> -> memref<4096xi32, #tpu.memory_space<hbm>>
    %dma_start3A_45 = arith.constant 0 : i32
    %dma_start3A_46 = tpu.memref_slice %arg9[%dma_start3A_40, %dma_start3A_45] : memref<2x4096xi32, #tpu.memory_space<vmem>> -> memref<1x4096xi32, #tpu.memory_space<vmem>>
    %dma_start3A_47 = tpu.memref_squeeze %dma_start3A_46 : memref<1x4096xi32, #tpu.memory_space<vmem>> -> memref<4096xi32, #tpu.memory_space<vmem>>
    %dma_start3A_48 = tpu.memref_slice %arg3[%add3A_39] : memref<327680xi32, #tpu.memory_space<hbm>> -> memref<4096xi32, #tpu.memory_space<hbm>>
    tpu.enqueue_dma source(%dma_start3A_48 : memref<4096xi32, #tpu.memory_space<hbm>>) target(%dma_start3A_47 : memref<4096xi32, #tpu.memory_space<vmem>>) target_semaphore(%arg12 : memref<!tpu.dma_semaphore, #tpu.memory_space<semaphore_mem>>)
    %dma_start3A_49 = arith.constant 0 : i32
    %dma_start3A_50 = arith.constant 0 : i32
    %dma_start3A_51 = tpu.memref_slice %arg10[%dma_start3A_49, %dma_start3A_50] : memref<2x4096xi32, #tpu.memory_space<vmem>> -> memref<1x4096xi32, #tpu.memory_space<vmem>>
    %dma_start3A_52 = tpu.memref_squeeze %dma_start3A_51 : memref<1x4096xi32, #tpu.memory_space<vmem>> -> memref<4096xi32, #tpu.memory_space<vmem>>
    %dma_start3A_53 = tpu.memref_slice %arg4[%add3A_39] : memref<327680xi32, #tpu.memory_space<hbm>> -> memref<4096xi32, #tpu.memory_space<hbm>>
    %dma_start3A_54 = arith.constant 0 : i32
    %dma_start3A_55 = tpu.memref_slice %arg10[%dma_start3A_49, %dma_start3A_54] : memref<2x4096xi32, #tpu.memory_space<vmem>> -> memref<1x4096xi32, #tpu.memory_space<vmem>>
    %dma_start3A_56 = tpu.memref_squeeze %dma_start3A_55 : memref<1x4096xi32, #tpu.memory_space<vmem>> -> memref<4096xi32, #tpu.memory_space<vmem>>
    %dma_start3A_57 = tpu.memref_slice %arg4[%add3A_39] : memref<327680xi32, #tpu.memory_space<hbm>> -> memref<4096xi32, #tpu.memory_space<hbm>>
    tpu.enqueue_dma source(%dma_start3A_57 : memref<4096xi32, #tpu.memory_space<hbm>>) target(%dma_start3A_56 : memref<4096xi32, #tpu.memory_space<vmem>>) target_semaphore(%arg12 : memref<!tpu.dma_semaphore, #tpu.memory_space<semaphore_mem>>)
    %dma_start3A_58 = arith.constant 0 : i32
    %dma_start3A_59 = arith.constant 0 : i32
    %dma_start3A_60 = tpu.memref_slice %arg11[%dma_start3A_58, %dma_start3A_59] : memref<2x4096xf32, #tpu.memory_space<vmem>> -> memref<1x4096xf32, #tpu.memory_space<vmem>>
    %dma_start3A_61 = tpu.memref_squeeze %dma_start3A_60 : memref<1x4096xf32, #tpu.memory_space<vmem>> -> memref<4096xf32, #tpu.memory_space<vmem>>
    %dma_start3A_62 = tpu.memref_slice %arg5[%add3A_39] : memref<327680xf32, #tpu.memory_space<hbm>> -> memref<4096xf32, #tpu.memory_space<hbm>>
    %dma_start3A_63 = arith.constant 0 : i32
    %dma_start3A_64 = tpu.memref_slice %arg11[%dma_start3A_58, %dma_start3A_63] : memref<2x4096xf32, #tpu.memory_space<vmem>> -> memref<1x4096xf32, #tpu.memory_space<vmem>>
    %dma_start3A_65 = tpu.memref_squeeze %dma_start3A_64 : memref<1x4096xf32, #tpu.memory_space<vmem>> -> memref<4096xf32, #tpu.memory_space<vmem>>
    %dma_start3A_66 = tpu.memref_slice %arg5[%add3A_39] : memref<327680xf32, #tpu.memory_space<hbm>> -> memref<4096xf32, #tpu.memory_space<hbm>>
    tpu.enqueue_dma source(%dma_start3A_66 : memref<4096xf32, #tpu.memory_space<hbm>>) target(%dma_start3A_65 : memref<4096xf32, #tpu.memory_space<vmem>>) target_semaphore(%arg12 : memref<!tpu.dma_semaphore, #tpu.memory_space<semaphore_mem>>)
    %broadcast_in_dim3A = arith.constant 0.000000e+00 : f32
    %broadcast_in_dim3A_67 = vector.broadcast %broadcast_in_dim3A : f32 to vector<16xf32>
    %scan3A = arith.constant 0 : i32
    %scan3A_68 = arith.constant 0 : i32
    %scan3A_69 = arith.constant 640 : i32
    %scan3A_70 = arith.addi %scan3A_68, %scan3A_69 : i32
    %scan3A_71 = arith.constant 1 : i32
    %scan3A_72 = scf.for %scan3A_86 = %scan3A_68 to %scan3A_70 step %scan3A_71 iter_args(%scan3A_87 = %scan3A) -> (i32)  : i32 {
      %mul3A_88 = arith.constant 16 : i32
      %mul3A_89 = arith.muli %scan3A_86, %mul3A_88 : i32
      %swap3A = arith.constant 0 : i32
      %swap3A_90 = arith.index_cast %swap3A : i32 to index
      %swap3A_91 = arith.index_cast %mul3A_89 : i32 to index
      %swap3A_92 = tpu.vector_load %arg8[%swap3A_90, %swap3A_91] {strides = array<i32>} : memref<4x10240xf32, #tpu.memory_space<vmem>>, vector<16xf32>,
      tpu.vector_store %arg8[%swap3A_90, %swap3A_91], %broadcast_in_dim3A_67 {strides = array<i32>} : memref<4x10240xf32, #tpu.memory_space<vmem>>, vector<16xf32>,
      %mul3A_93 = arith.constant 16 : i32
      %mul3A_94 = arith.muli %scan3A_86, %mul3A_93 : i32
      %swap3A_95 = arith.constant 1 : i32
      %swap3A_96 = arith.index_cast %swap3A_95 : i32 to index
      %swap3A_97 = arith.index_cast %mul3A_94 : i32 to index
      %swap3A_98 = tpu.vector_load %arg8[%swap3A_96, %swap3A_97] {strides = array<i32>} : memref<4x10240xf32, #tpu.memory_space<vmem>>, vector<16xf32>,
      tpu.vector_store %arg8[%swap3A_96, %swap3A_97], %broadcast_in_dim3A_67 {strides = array<i32>} : memref<4x10240xf32, #tpu.memory_space<vmem>>, vector<16xf32>,
      %mul3A_99 = arith.constant 16 : i32
      %mul3A_100 = arith.muli %scan3A_86, %mul3A_99 : i32
      %swap3A_101 = arith.constant 2 : i32
      %swap3A_102 = arith.index_cast %swap3A_101 : i32 to index
      %swap3A_103 = arith.index_cast %mul3A_100 : i32 to index
      %swap3A_104 = tpu.vector_load %arg8[%swap3A_102, %swap3A_103] {strides = array<i32>} : memref<4x10240xf32, #tpu.memory_space<vmem>>, vector<16xf32>,
      tpu.vector_store %arg8[%swap3A_102, %swap3A_103], %broadcast_in_dim3A_67 {strides = array<i32>} : memref<4x10240xf32, #tpu.memory_space<vmem>>, vector<16xf32>,
      %mul3A_105 = arith.constant 16 : i32
      %mul3A_106 = arith.muli %scan3A_86, %mul3A_105 : i32
      %swap3A_107 = arith.constant 3 : i32
      %swap3A_108 = arith.index_cast %swap3A_107 : i32 to index
      %swap3A_109 = arith.index_cast %mul3A_106 : i32 to index
      %swap3A_110 = tpu.vector_load %arg8[%swap3A_108, %swap3A_109] {strides = array<i32>} : memref<4x10240xf32, #tpu.memory_space<vmem>>, vector<16xf32>,
      tpu.vector_store %arg8[%swap3A_108, %swap3A_109], %broadcast_in_dim3A_67 {strides = array<i32>} : memref<4x10240xf32, #tpu.memory_space<vmem>>, vector<16xf32>,
      %scan3A_111 = arith.constant 0 : i32
      scf.yield %scan3A_111 : i32
    }
    %scan3A_73 = arith.constant 640 : i32
    %dma_wait3A = arith.constant 0 : i32
    %dma_wait3A_74 = tpu.memref_slice %arg2[%mul3A_34, %dma_wait3A] : memref<32x10240xf32, #tpu.memory_space<hbm>> -> memref<4x10240xf32, #tpu.memory_space<hbm>>
    %dma_wait3A_75 = arith.constant 0 : i32
    %dma_wait3A_76 = tpu.memref_slice %arg2[%mul3A_34, %dma_wait3A_75] : memref<32x10240xf32, #tpu.memory_space<hbm>> -> memref<4x10240xf32, #tpu.memory_space<hbm>>
    tpu.wait_dma2 semaphore(%arg14 : memref<!tpu.dma_semaphore, #tpu.memory_space<semaphore_mem>>) src(%dma_wait3A_76 : memref<4x10240xf32, #tpu.memory_space<hbm>>) dst(%arg7 : memref<4x10240xf32, #tpu.memory_space<vmem>>)
    %scan3A_77 = arith.constant 0 : i32
    %scan3A_78 = arith.constant 0 : i32
    %scan3A_79 = arith.constant 10 : i32
    %scan3A_80 = arith.addi %scan3A_78, %scan3A_79 : i32
    %scan3A_81 = arith.constant 1 : i32
    %scan3A_82 = scf.for %scan3A_86 = %scan3A_78 to %scan3A_80 step %scan3A_81 iter_args(%scan3A_87 = %scan3A_77) -> (i32)  : i32 {
      %mul3A_88 = arith.constant 2 : i32
      %mul3A_89 = arith.muli %scan3A_86, %mul3A_88 : i32
      %dma_wait3A_90 = arith.constant 0 : i32
      %dma_wait3A_91 = arith.constant 0 : i32
      %dma_wait3A_92 = tpu.memref_slice %arg9[%dma_wait3A_90, %dma_wait3A_91] : memref<2x4096xi32, #tpu.memory_space<vmem>> -> memref<1x4096xi32, #tpu.memory_space<vmem>>
      %dma_wait3A_93 = tpu.memref_squeeze %dma_wait3A_92 : memref<1x4096xi32, #tpu.memory_space<vmem>> -> memref<4096xi32, #tpu.memory_space<vmem>>
      %dma_wait3A_94 = arith.constant 0 : i32
      %dma_wait3A_95 = tpu.memref_slice %arg3[%dma_wait3A_94] : memref<327680xi32, #tpu.memory_space<hbm>> -> memref<4096xi32, #tpu.memory_space<hbm>>
      %dma_wait3A_96 = arith.constant 0 : i32
      %dma_wait3A_97 = tpu.memref_slice %arg9[%dma_wait3A_90, %dma_wait3A_96] : memref<2x4096xi32, #tpu.memory_space<vmem>> -> memref<1x4096xi32, #tpu.memory_space<vmem>>
      %dma_wait3A_98 = tpu.memref_squeeze %dma_wait3A_97 : memref<1x4096xi32, #tpu.memory_space<vmem>> -> memref<4096xi32, #tpu.memory_space<vmem>>
      %dma_wait3A_99 = arith.constant 0 : i32
      %dma_wait3A_100 = tpu.memref_slice %arg3[%dma_wait3A_99] : memref<327680xi32, #tpu.memory_space<hbm>> -> memref<4096xi32, #tpu.memory_space<hbm>>
      tpu.wait_dma2 semaphore(%arg12 : memref<!tpu.dma_semaphore, #tpu.memory_space<semaphore_mem>>) src(%dma_wait3A_100 : memref<4096xi32, #tpu.memory_space<hbm>>) dst(%dma_wait3A_98 : memref<4096xi32, #tpu.memory_space<vmem>>)
      %dma_wait3A_101 = arith.constant 0 : i32
      %dma_wait3A_102 = arith.constant 0 : i32
      %dma_wait3A_103 = tpu.memref_slice %arg10[%dma_wait3A_101, %dma_wait3A_102] : memref<2x4096xi32, #tpu.memory_space<vmem>> -> memref<1x4096xi32, #tpu.memory_space<vmem>>
      %dma_wait3A_104 = tpu.memref_squeeze %dma_wait3A_103 : memref<1x4096xi32, #tpu.memory_space<vmem>> -> memref<4096xi32, #tpu.memory_space<vmem>>
      %dma_wait3A_105 = arith.constant 0 : i32
      %dma_wait3A_106 = tpu.memref_slice %arg4[%dma_wait3A_105] : memref<327680xi32, #tpu.memory_space<hbm>> -> memref<4096xi32, #tpu.memory_space<hbm>>
      %dma_wait3A_107 = arith.constant 0 : i32
      %dma_wait3A_108 = tpu.memref_slice %arg10[%dma_wait3A_101, %dma_wait3A_107] : memref<2x4096xi32, #tpu.memory_space<vmem>> -> memref<1x4096xi32, #tpu.memory_space<vmem>>
      %dma_wait3A_109 = tpu.memref_squeeze %dma_wait3A_108 : memref<1x4096xi32, #tpu.memory_space<vmem>> -> memref<4096xi32, #tpu.memory_space<vmem>>
      %dma_wait3A_110 = arith.constant 0 : i32
      %dma_wait3A_111 = tpu.memref_slice %arg4[%dma_wait3A_110] : memref<327680xi32, #tpu.memory_space<hbm>> -> memref<4096xi32, #tpu.memory_space<hbm>>
      tpu.wait_dma2 semaphore(%arg12 : memref<!tpu.dma_semaphore, #tpu.memory_space<semaphore_mem>>) src(%dma_wait3A_111 : memref<4096xi32, #tpu.memory_space<hbm>>) dst(%dma_wait3A_109 : memref<4096xi32, #tpu.memory_space<vmem>>)
      %dma_wait3A_112 = arith.constant 0 : i32
      %dma_wait3A_113 = arith.constant 0 : i32
      %dma_wait3A_114 = tpu.memref_slice %arg11[%dma_wait3A_112, %dma_wait3A_113] : memref<2x4096xf32, #tpu.memory_space<vmem>> -> memref<1x4096xf32, #tpu.memory_space<vmem>>
      %dma_wait3A_115 = tpu.memref_squeeze %dma_wait3A_114 : memref<1x4096xf32, #tpu.memory_space<vmem>> -> memref<4096xf32, #tpu.memory_space<vmem>>
      %dma_wait3A_116 = arith.constant 0 : i32
      %dma_wait3A_117 = tpu.memref_slice %arg5[%dma_wait3A_116] : memref<327680xf32, #tpu.memory_space<hbm>> -> memref<4096xf32, #tpu.memory_space<hbm>>
      %dma_wait3A_118 = arith.constant 0 : i32
      %dma_wait3A_119 = tpu.memref_slice %arg11[%dma_wait3A_112, %dma_wait3A_118] : memref<2x4096xf32, #tpu.memory_space<vmem>> -> memref<1x4096xf32, #tpu.memory_space<vmem>>
      %dma_wait3A_120 = tpu.memref_squeeze %dma_wait3A_119 : memref<1x4096xf32, #tpu.memory_space<vmem>> -> memref<4096xf32, #tpu.memory_space<vmem>>
      %dma_wait3A_121 = arith.constant 0 : i32
      %dma_wait3A_122 = tpu.memref_slice %arg5[%dma_wait3A_121] : memref<327680xf32, #tpu.memory_space<hbm>> -> memref<4096xf32, #tpu.memory_space<hbm>>
      tpu.wait_dma2 semaphore(%arg12 : memref<!tpu.dma_semaphore, #tpu.memory_space<semaphore_mem>>) src(%dma_wait3A_122 : memref<4096xf32, #tpu.memory_space<hbm>>) dst(%dma_wait3A_120 : memref<4096xf32, #tpu.memory_space<vmem>>)
      %add3A_123 = arith.constant 1 : i32
      %add3A_124 = arith.addi %mul3A_89, %add3A_123 : i32
      %lt3A_125 = arith.constant 20 : i32
      %lt3A_126 = arith.cmpi slt, %add3A_124, %lt3A_125 : i32
      %convert_element_type3A = arith.extui %lt3A_126 : i1 to i32
      %cond3A = arith.constant 0 : i32
      %cond3A_127 = arith.cmpi ne, %convert_element_type3A, %cond3A : i32
      scf.if %cond3A_127 {
        %add3A_178 = arith.constant 1 : i32
        %add3A_179 = arith.addi %mul3A_89, %add3A_178 : i32
        %mul3A_180 = arith.constant 4096 : i32
        %mul3A_181 = arith.muli %add3A_179, %mul3A_180 : i32
        %add3A_182 = arith.addi %mul3A_32, %mul3A_181 : i32
        %dma_start3A_183 = arith.constant 1 : i32
        %dma_start3A_184 = arith.constant 0 : i32
        %dma_start3A_185 = tpu.memref_slice %arg9[%dma_start3A_183, %dma_start3A_184] : memref<2x4096xi32, #tpu.memory_space<vmem>> -> memref<1x4096xi32, #tpu.memory_space<vmem>>
        %dma_start3A_186 = tpu.memref_squeeze %dma_start3A_185 : memref<1x4096xi32, #tpu.memory_space<vmem>> -> memref<4096xi32, #tpu.memory_space<vmem>>
        %dma_start3A_187 = tpu.memref_slice %arg3[%add3A_182] : memref<327680xi32, #tpu.memory_space<hbm>> -> memref<4096xi32, #tpu.memory_space<hbm>>
        %dma_start3A_188 = arith.constant 0 : i32
        %dma_start3A_189 = tpu.memref_slice %arg9[%dma_start3A_183, %dma_start3A_188] : memref<2x4096xi32, #tpu.memory_space<vmem>> -> memref<1x4096xi32, #tpu.memory_space<vmem>>
        %dma_start3A_190 = tpu.memref_squeeze %dma_start3A_189 : memref<1x4096xi32, #tpu.memory_space<vmem>> -> memref<4096xi32, #tpu.memory_space<vmem>>
        %dma_start3A_191 = tpu.memref_slice %arg3[%add3A_182] : memref<327680xi32, #tpu.memory_space<hbm>> -> memref<4096xi32, #tpu.memory_space<hbm>>
        tpu.enqueue_dma source(%dma_start3A_191 : memref<4096xi32, #tpu.memory_space<hbm>>) target(%dma_start3A_190 : memref<4096xi32, #tpu.memory_space<vmem>>) target_semaphore(%arg13 : memref<!tpu.dma_semaphore, #tpu.memory_space<semaphore_mem>>)
        %dma_start3A_192 = arith.constant 1 : i32
        %dma_start3A_193 = arith.constant 0 : i32
        %dma_start3A_194 = tpu.memref_slice %arg10[%dma_start3A_192, %dma_start3A_193] : memref<2x4096xi32, #tpu.memory_space<vmem>> -> memref<1x4096xi32, #tpu.memory_space<vmem>>
        %dma_start3A_195 = tpu.memref_squeeze %dma_start3A_194 : memref<1x4096xi32, #tpu.memory_space<vmem>> -> memref<4096xi32, #tpu.memory_space<vmem>>
        %dma_start3A_196 = tpu.memref_slice %arg4[%add3A_182] : memref<327680xi32, #tpu.memory_space<hbm>> -> memref<4096xi32, #tpu.memory_space<hbm>>
        %dma_start3A_197 = arith.constant 0 : i32
        %dma_start3A_198 = tpu.memref_slice %arg10[%dma_start3A_192, %dma_start3A_197] : memref<2x4096xi32, #tpu.memory_space<vmem>> -> memref<1x4096xi32, #tpu.memory_space<vmem>>
        %dma_start3A_199 = tpu.memref_squeeze %dma_start3A_198 : memref<1x4096xi32, #tpu.memory_space<vmem>> -> memref<4096xi32, #tpu.memory_space<vmem>>
        %dma_start3A_200 = tpu.memref_slice %arg4[%add3A_182] : memref<327680xi32, #tpu.memory_space<hbm>> -> memref<4096xi32, #tpu.memory_space<hbm>>
        tpu.enqueue_dma source(%dma_start3A_200 : memref<4096xi32, #tpu.memory_space<hbm>>) target(%dma_start3A_199 : memref<4096xi32, #tpu.memory_space<vmem>>) target_semaphore(%arg13 : memref<!tpu.dma_semaphore, #tpu.memory_space<semaphore_mem>>)
        %dma_start3A_201 = arith.constant 1 : i32
        %dma_start3A_202 = arith.constant 0 : i32
        %dma_start3A_203 = tpu.memref_slice %arg11[%dma_start3A_201, %dma_start3A_202] : memref<2x4096xf32, #tpu.memory_space<vmem>> -> memref<1x4096xf32, #tpu.memory_space<vmem>>
        %dma_start3A_204 = tpu.memref_squeeze %dma_start3A_203 : memref<1x4096xf32, #tpu.memory_space<vmem>> -> memref<4096xf32, #tpu.memory_space<vmem>>
        %dma_start3A_205 = tpu.memref_slice %arg5[%add3A_182] : memref<327680xf32, #tpu.memory_space<hbm>> -> memref<4096xf32, #tpu.memory_space<hbm>>
        %dma_start3A_206 = arith.constant 0 : i32
        %dma_start3A_207 = tpu.memref_slice %arg11[%dma_start3A_201, %dma_start3A_206] : memref<2x4096xf32, #tpu.memory_space<vmem>> -> memref<1x4096xf32, #tpu.memory_space<vmem>>
        %dma_start3A_208 = tpu.memref_squeeze %dma_start3A_207 : memref<1x4096xf32, #tpu.memory_space<vmem>> -> memref<4096xf32, #tpu.memory_space<vmem>>
        %dma_start3A_209 = tpu.memref_slice %arg5[%add3A_182] : memref<327680xf32, #tpu.memory_space<hbm>> -> memref<4096xf32, #tpu.memory_space<hbm>>
        tpu.enqueue_dma source(%dma_start3A_209 : memref<4096xf32, #tpu.memory_space<hbm>>) target(%dma_start3A_208 : memref<4096xf32, #tpu.memory_space<vmem>>) target_semaphore(%arg13 : memref<!tpu.dma_semaphore, #tpu.memory_space<semaphore_mem>>)
      } else {
      }
      %parallel_loop3A = arith.constant 0 : i32
      %parallel_loop3A_128 = arith.constant 256 : i32
      %parallel_loop3A_129 = arith.constant 1 : i32
      scf.for %parallel_loop3A_178 = %parallel_loop3A to %parallel_loop3A_128 step %parallel_loop3A_129  : i32 {
        %parallel_loop3A_179 = arith.constant 16 : i32
        %parallel_loop3A_180 = arith.muli %parallel_loop3A_178, %parallel_loop3A_179 : i32
        %parallel_loop3A_181 = arith.constant 0 : i32
        %parallel_loop3A_182 = arith.index_cast %parallel_loop3A_181 : i32 to index
        %parallel_loop3A_183 = arith.index_cast %parallel_loop3A_180 : i32 to index
        %parallel_loop3A_184 = tpu.vector_load %arg9[%parallel_loop3A_182, %parallel_loop3A_183] {strides = array<i32>} : memref<2x4096xi32, #tpu.memory_space<vmem>>, vector<16xi32>,
        %parallel_loop3A_185 = arith.constant 0 : i32
        %parallel_loop3A_186 = arith.index_cast %parallel_loop3A_185 : i32 to index
        %parallel_loop3A_187 = arith.index_cast %parallel_loop3A_180 : i32 to index
        %parallel_loop3A_188 = tpu.vector_load %arg10[%parallel_loop3A_186, %parallel_loop3A_187] {strides = array<i32>} : memref<2x4096xi32, #tpu.memory_space<vmem>>, vector<16xi32>,
        %parallel_loop3A_189 = arith.constant 0 : i32
        %parallel_loop3A_190 = arith.index_cast %parallel_loop3A_189 : i32 to index
        %parallel_loop3A_191 = arith.index_cast %parallel_loop3A_180 : i32 to index
        %parallel_loop3A_192 = tpu.vector_load %arg11[%parallel_loop3A_190, %parallel_loop3A_191] {strides = array<i32>} : memref<2x4096xf32, #tpu.memory_space<vmem>>, vector<16xf32>,
        %parallel_loop3A_193 = arith.constant 0 : i32
        %parallel_loop3A_194 = arith.constant 0 : i32
        %parallel_loop3A_195 = tpu.memref_slice %arg7[%parallel_loop3A_193, %parallel_loop3A_194] : memref<4x10240xf32, #tpu.memory_space<vmem>> -> memref<1x10240xf32, #tpu.memory_space<vmem>>
        %parallel_loop3A_196 = tpu.memref_squeeze %parallel_loop3A_195 : memref<1x10240xf32, #tpu.memory_space<vmem>> -> memref<10240xf32, #tpu.memory_space<vmem>>
        %parallel_loop3A_197 = tpu.vector_load_idx %parallel_loop3A_196[%parallel_loop3A_184] : memref<10240xf32, #tpu.memory_space<vmem>>[vector<16xi32>], vector<16xf32>,
        %parallel_loop3A_198 = arith.mulf %parallel_loop3A_197, %parallel_loop3A_192 : vector<16xf32>
        %parallel_loop3A_199 = arith.constant 0 : i32
        %parallel_loop3A_200 = arith.constant 0 : i32
        %parallel_loop3A_201 = tpu.memref_slice %arg8[%parallel_loop3A_199, %parallel_loop3A_200] : memref<4x10240xf32, #tpu.memory_space<vmem>> -> memref<1x10240xf32, #tpu.memory_space<vmem>>
        %parallel_loop3A_202 = tpu.memref_squeeze %parallel_loop3A_201 : memref<1x10240xf32, #tpu.memory_space<vmem>> -> memref<10240xf32, #tpu.memory_space<vmem>>
        tpu.vector_store_idx %parallel_loop3A_202[%parallel_loop3A_188], %parallel_loop3A_198 {add = true} : memref<10240xf32, #tpu.memory_space<vmem>>[vector<16xi32>], vector<16xf32>,
        %parallel_loop3A_203 = arith.constant 1 : i32
        %parallel_loop3A_204 = arith.constant 0 : i32
        %parallel_loop3A_205 = tpu.memref_slice %arg7[%parallel_loop3A_203, %parallel_loop3A_204] : memref<4x10240xf32, #tpu.memory_space<vmem>> -> memref<1x10240xf32, #tpu.memory_space<vmem>>
        %parallel_loop3A_206 = tpu.memref_squeeze %parallel_loop3A_205 : memref<1x10240xf32, #tpu.memory_space<vmem>> -> memref<10240xf32, #tpu.memory_space<vmem>>
        %parallel_loop3A_207 = tpu.vector_load_idx %parallel_loop3A_206[%parallel_loop3A_184] : memref<10240xf32, #tpu.memory_space<vmem>>[vector<16xi32>], vector<16xf32>,
        %parallel_loop3A_208 = arith.mulf %parallel_loop3A_207, %parallel_loop3A_192 : vector<16xf32>
        %parallel_loop3A_209 = arith.constant 1 : i32
        %parallel_loop3A_210 = arith.constant 0 : i32
        %parallel_loop3A_211 = tpu.memref_slice %arg8[%parallel_loop3A_209, %parallel_loop3A_210] : memref<4x10240xf32, #tpu.memory_space<vmem>> -> memref<1x10240xf32, #tpu.memory_space<vmem>>
        %parallel_loop3A_212 = tpu.memref_squeeze %parallel_loop3A_211 : memref<1x10240xf32, #tpu.memory_space<vmem>> -> memref<10240xf32, #tpu.memory_space<vmem>>
        tpu.vector_store_idx %parallel_loop3A_212[%parallel_loop3A_188], %parallel_loop3A_208 {add = true} : memref<10240xf32, #tpu.memory_space<vmem>>[vector<16xi32>], vector<16xf32>,
        %parallel_loop3A_213 = arith.constant 2 : i32
        %parallel_loop3A_214 = arith.constant 0 : i32
        %parallel_loop3A_215 = tpu.memref_slice %arg7[%parallel_loop3A_213, %parallel_loop3A_214] : memref<4x10240xf32, #tpu.memory_space<vmem>> -> memref<1x10240xf32, #tpu.memory_space<vmem>>
        %parallel_loop3A_216 = tpu.memref_squeeze %parallel_loop3A_215 : memref<1x10240xf32, #tpu.memory_space<vmem>> -> memref<10240xf32, #tpu.memory_space<vmem>>
        %parallel_loop3A_217 = tpu.vector_load_idx %parallel_loop3A_216[%parallel_loop3A_184] : memref<10240xf32, #tpu.memory_space<vmem>>[vector<16xi32>], vector<16xf32>,
        %parallel_loop3A_218 = arith.mulf %parallel_loop3A_217, %parallel_loop3A_192 : vector<16xf32>
        %parallel_loop3A_219 = arith.constant 2 : i32
        %parallel_loop3A_220 = arith.constant 0 : i32
        %parallel_loop3A_221 = tpu.memref_slice %arg8[%parallel_loop3A_219, %parallel_loop3A_220] : memref<4x10240xf32, #tpu.memory_space<vmem>> -> memref<1x10240xf32, #tpu.memory_space<vmem>>
        %parallel_loop3A_222 = tpu.memref_squeeze %parallel_loop3A_221 : memref<1x10240xf32, #tpu.memory_space<vmem>> -> memref<10240xf32, #tpu.memory_space<vmem>>
        tpu.vector_store_idx %parallel_loop3A_222[%parallel_loop3A_188], %parallel_loop3A_218 {add = true} : memref<10240xf32, #tpu.memory_space<vmem>>[vector<16xi32>], vector<16xf32>,
        %parallel_loop3A_223 = arith.constant 3 : i32
        %parallel_loop3A_224 = arith.constant 0 : i32
        %parallel_loop3A_225 = tpu.memref_slice %arg7[%parallel_loop3A_223, %parallel_loop3A_224] : memref<4x10240xf32, #tpu.memory_space<vmem>> -> memref<1x10240xf32, #tpu.memory_space<vmem>>
        %parallel_loop3A_226 = tpu.memref_squeeze %parallel_loop3A_225 : memref<1x10240xf32, #tpu.memory_space<vmem>> -> memref<10240xf32, #tpu.memory_space<vmem>>
        %parallel_loop3A_227 = tpu.vector_load_idx %parallel_loop3A_226[%parallel_loop3A_184] : memref<10240xf32, #tpu.memory_space<vmem>>[vector<16xi32>], vector<16xf32>,
        %parallel_loop3A_228 = arith.mulf %parallel_loop3A_227, %parallel_loop3A_192 : vector<16xf32>
        %parallel_loop3A_229 = arith.constant 3 : i32
        %parallel_loop3A_230 = arith.constant 0 : i32
        %parallel_loop3A_231 = tpu.memref_slice %arg8[%parallel_loop3A_229, %parallel_loop3A_230] : memref<4x10240xf32, #tpu.memory_space<vmem>> -> memref<1x10240xf32, #tpu.memory_space<vmem>>
        %parallel_loop3A_232 = tpu.memref_squeeze %parallel_loop3A_231 : memref<1x10240xf32, #tpu.memory_space<vmem>> -> memref<10240xf32, #tpu.memory_space<vmem>>
        tpu.vector_store_idx %parallel_loop3A_232[%parallel_loop3A_188], %parallel_loop3A_228 {add = true} : memref<10240xf32, #tpu.memory_space<vmem>>[vector<16xi32>], vector<16xf32>,
      } {sc.loop_unroll_factor = 4 : i64, sc.parallel_access}
      %mul3A_130 = arith.constant 2 : i32
      %mul3A_131 = arith.muli %scan3A_86, %mul3A_130 : i32
      %add3A_132 = arith.constant 1 : i32
      %add3A_133 = arith.addi %mul3A_131, %add3A_132 : i32
      %dma_wait3A_134 = arith.constant 1 : i32
      %dma_wait3A_135 = arith.constant 0 : i32
      %dma_wait3A_136 = tpu.memref_slice %arg9[%dma_wait3A_134, %dma_wait3A_135] : memref<2x4096xi32, #tpu.memory_space<vmem>> -> memref<1x4096xi32, #tpu.memory_space<vmem>>
      %dma_wait3A_137 = tpu.memref_squeeze %dma_wait3A_136 : memref<1x4096xi32, #tpu.memory_space<vmem>> -> memref<4096xi32, #tpu.memory_space<vmem>>
      %dma_wait3A_138 = arith.constant 0 : i32
      %dma_wait3A_139 = tpu.memref_slice %arg3[%dma_wait3A_138] : memref<327680xi32, #tpu.memory_space<hbm>> -> memref<4096xi32, #tpu.memory_space<hbm>>
      %dma_wait3A_140 = arith.constant 0 : i32
      %dma_wait3A_141 = tpu.memref_slice %arg9[%dma_wait3A_134, %dma_wait3A_140] : memref<2x4096xi32, #tpu.memory_space<vmem>> -> memref<1x4096xi32, #tpu.memory_space<vmem>>
      %dma_wait3A_142 = tpu.memref_squeeze %dma_wait3A_141 : memref<1x4096xi32, #tpu.memory_space<vmem>> -> memref<4096xi32, #tpu.memory_space<vmem>>
      %dma_wait3A_143 = arith.constant 0 : i32
      %dma_wait3A_144 = tpu.memref_slice %arg3[%dma_wait3A_143] : memref<327680xi32, #tpu.memory_space<hbm>> -> memref<4096xi32, #tpu.memory_space<hbm>>
      tpu.wait_dma2 semaphore(%arg13 : memref<!tpu.dma_semaphore, #tpu.memory_space<semaphore_mem>>) src(%dma_wait3A_144 : memref<4096xi32, #tpu.memory_space<hbm>>) dst(%dma_wait3A_142 : memref<4096xi32, #tpu.memory_space<vmem>>)
      %dma_wait3A_145 = arith.constant 1 : i32
      %dma_wait3A_146 = arith.constant 0 : i32
      %dma_wait3A_147 = tpu.memref_slice %arg10[%dma_wait3A_145, %dma_wait3A_146] : memref<2x4096xi32, #tpu.memory_space<vmem>> -> memref<1x4096xi32, #tpu.memory_space<vmem>>
      %dma_wait3A_148 = tpu.memref_squeeze %dma_wait3A_147 : memref<1x4096xi32, #tpu.memory_space<vmem>> -> memref<4096xi32, #tpu.memory_space<vmem>>
      %dma_wait3A_149 = arith.constant 0 : i32
      %dma_wait3A_150 = tpu.memref_slice %arg4[%dma_wait3A_149] : memref<327680xi32, #tpu.memory_space<hbm>> -> memref<4096xi32, #tpu.memory_space<hbm>>
      %dma_wait3A_151 = arith.constant 0 : i32
      %dma_wait3A_152 = tpu.memref_slice %arg10[%dma_wait3A_145, %dma_wait3A_151] : memref<2x4096xi32, #tpu.memory_space<vmem>> -> memref<1x4096xi32, #tpu.memory_space<vmem>>
      %dma_wait3A_153 = tpu.memref_squeeze %dma_wait3A_152 : memref<1x4096xi32, #tpu.memory_space<vmem>> -> memref<4096xi32, #tpu.memory_space<vmem>>
      %dma_wait3A_154 = arith.constant 0 : i32
      %dma_wait3A_155 = tpu.memref_slice %arg4[%dma_wait3A_154] : memref<327680xi32, #tpu.memory_space<hbm>> -> memref<4096xi32, #tpu.memory_space<hbm>>
      tpu.wait_dma2 semaphore(%arg13 : memref<!tpu.dma_semaphore, #tpu.memory_space<semaphore_mem>>) src(%dma_wait3A_155 : memref<4096xi32, #tpu.memory_space<hbm>>) dst(%dma_wait3A_153 : memref<4096xi32, #tpu.memory_space<vmem>>)
      %dma_wait3A_156 = arith.constant 1 : i32
      %dma_wait3A_157 = arith.constant 0 : i32
      %dma_wait3A_158 = tpu.memref_slice %arg11[%dma_wait3A_156, %dma_wait3A_157] : memref<2x4096xf32, #tpu.memory_space<vmem>> -> memref<1x4096xf32, #tpu.memory_space<vmem>>
      %dma_wait3A_159 = tpu.memref_squeeze %dma_wait3A_158 : memref<1x4096xf32, #tpu.memory_space<vmem>> -> memref<4096xf32, #tpu.memory_space<vmem>>
      %dma_wait3A_160 = arith.constant 0 : i32
      %dma_wait3A_161 = tpu.memref_slice %arg5[%dma_wait3A_160] : memref<327680xf32, #tpu.memory_space<hbm>> -> memref<4096xf32, #tpu.memory_space<hbm>>
      %dma_wait3A_162 = arith.constant 0 : i32
      %dma_wait3A_163 = tpu.memref_slice %arg11[%dma_wait3A_156, %dma_wait3A_162] : memref<2x4096xf32, #tpu.memory_space<vmem>> -> memref<1x4096xf32, #tpu.memory_space<vmem>>
      %dma_wait3A_164 = tpu.memref_squeeze %dma_wait3A_163 : memref<1x4096xf32, #tpu.memory_space<vmem>> -> memref<4096xf32, #tpu.memory_space<vmem>>
      %dma_wait3A_165 = arith.constant 0 : i32
      %dma_wait3A_166 = tpu.memref_slice %arg5[%dma_wait3A_165] : memref<327680xf32, #tpu.memory_space<hbm>> -> memref<4096xf32, #tpu.memory_space<hbm>>
      tpu.wait_dma2 semaphore(%arg13 : memref<!tpu.dma_semaphore, #tpu.memory_space<semaphore_mem>>) src(%dma_wait3A_166 : memref<4096xf32, #tpu.memory_space<hbm>>) dst(%dma_wait3A_164 : memref<4096xf32, #tpu.memory_space<vmem>>)
      %add3A_167 = arith.constant 1 : i32
      %add3A_168 = arith.addi %add3A_133, %add3A_167 : i32
      %lt3A_169 = arith.constant 20 : i32
      %lt3A_170 = arith.cmpi slt, %add3A_168, %lt3A_169 : i32
      %convert_element_type3A_171 = arith.extui %lt3A_170 : i1 to i32
      %cond3A_172 = arith.constant 0 : i32
      %cond3A_173 = arith.cmpi ne, %convert_element_type3A_171, %cond3A_172 : i32
      scf.if %cond3A_173 {
        %add3A_178 = arith.constant 1 : i32
        %add3A_179 = arith.addi %add3A_133, %add3A_178 : i32
        %mul3A_180 = arith.constant 4096 : i32
        %mul3A_181 = arith.muli %add3A_179, %mul3A_180 : i32
        %add3A_182 = arith.addi %mul3A_32, %mul3A_181 : i32
        %dma_start3A_183 = arith.constant 0 : i32
        %dma_start3A_184 = arith.constant 0 : i32
        %dma_start3A_185 = tpu.memref_slice %arg9[%dma_start3A_183, %dma_start3A_184] : memref<2x4096xi32, #tpu.memory_space<vmem>> -> memref<1x4096xi32, #tpu.memory_space<vmem>>
        %dma_start3A_186 = tpu.memref_squeeze %dma_start3A_185 : memref<1x4096xi32, #tpu.memory_space<vmem>> -> memref<4096xi32, #tpu.memory_space<vmem>>
        %dma_start3A_187 = tpu.memref_slice %arg3[%add3A_182] : memref<327680xi32, #tpu.memory_space<hbm>> -> memref<4096xi32, #tpu.memory_space<hbm>>
        %dma_start3A_188 = arith.constant 0 : i32
        %dma_start3A_189 = tpu.memref_slice %arg9[%dma_start3A_183, %dma_start3A_188] : memref<2x4096xi32, #tpu.memory_space<vmem>> -> memref<1x4096xi32, #tpu.memory_space<vmem>>
        %dma_start3A_190 = tpu.memref_squeeze %dma_start3A_189 : memref<1x4096xi32, #tpu.memory_space<vmem>> -> memref<4096xi32, #tpu.memory_space<vmem>>
        %dma_start3A_191 = tpu.memref_slice %arg3[%add3A_182] : memref<327680xi32, #tpu.memory_space<hbm>> -> memref<4096xi32, #tpu.memory_space<hbm>>
        tpu.enqueue_dma source(%dma_start3A_191 : memref<4096xi32, #tpu.memory_space<hbm>>) target(%dma_start3A_190 : memref<4096xi32, #tpu.memory_space<vmem>>) target_semaphore(%arg12 : memref<!tpu.dma_semaphore, #tpu.memory_space<semaphore_mem>>)
        %dma_start3A_192 = arith.constant 0 : i32
        %dma_start3A_193 = arith.constant 0 : i32
        %dma_start3A_194 = tpu.memref_slice %arg10[%dma_start3A_192, %dma_start3A_193] : memref<2x4096xi32, #tpu.memory_space<vmem>> -> memref<1x4096xi32, #tpu.memory_space<vmem>>
        %dma_start3A_195 = tpu.memref_squeeze %dma_start3A_194 : memref<1x4096xi32, #tpu.memory_space<vmem>> -> memref<4096xi32, #tpu.memory_space<vmem>>
        %dma_start3A_196 = tpu.memref_slice %arg4[%add3A_182] : memref<327680xi32, #tpu.memory_space<hbm>> -> memref<4096xi32, #tpu.memory_space<hbm>>
        %dma_start3A_197 = arith.constant 0 : i32
        %dma_start3A_198 = tpu.memref_slice %arg10[%dma_start3A_192, %dma_start3A_197] : memref<2x4096xi32, #tpu.memory_space<vmem>> -> memref<1x4096xi32, #tpu.memory_space<vmem>>
        %dma_start3A_199 = tpu.memref_squeeze %dma_start3A_198 : memref<1x4096xi32, #tpu.memory_space<vmem>> -> memref<4096xi32, #tpu.memory_space<vmem>>
        %dma_start3A_200 = tpu.memref_slice %arg4[%add3A_182] : memref<327680xi32, #tpu.memory_space<hbm>> -> memref<4096xi32, #tpu.memory_space<hbm>>
        tpu.enqueue_dma source(%dma_start3A_200 : memref<4096xi32, #tpu.memory_space<hbm>>) target(%dma_start3A_199 : memref<4096xi32, #tpu.memory_space<vmem>>) target_semaphore(%arg12 : memref<!tpu.dma_semaphore, #tpu.memory_space<semaphore_mem>>)
        %dma_start3A_201 = arith.constant 0 : i32
        %dma_start3A_202 = arith.constant 0 : i32
        %dma_start3A_203 = tpu.memref_slice %arg11[%dma_start3A_201, %dma_start3A_202] : memref<2x4096xf32, #tpu.memory_space<vmem>> -> memref<1x4096xf32, #tpu.memory_space<vmem>>
        %dma_start3A_204 = tpu.memref_squeeze %dma_start3A_203 : memref<1x4096xf32, #tpu.memory_space<vmem>> -> memref<4096xf32, #tpu.memory_space<vmem>>
        %dma_start3A_205 = tpu.memref_slice %arg5[%add3A_182] : memref<327680xf32, #tpu.memory_space<hbm>> -> memref<4096xf32, #tpu.memory_space<hbm>>
        %dma_start3A_206 = arith.constant 0 : i32
        %dma_start3A_207 = tpu.memref_slice %arg11[%dma_start3A_201, %dma_start3A_206] : memref<2x4096xf32, #tpu.memory_space<vmem>> -> memref<1x4096xf32, #tpu.memory_space<vmem>>
        %dma_start3A_208 = tpu.memref_squeeze %dma_start3A_207 : memref<1x4096xf32, #tpu.memory_space<vmem>> -> memref<4096xf32, #tpu.memory_space<vmem>>
        %dma_start3A_209 = tpu.memref_slice %arg5[%add3A_182] : memref<327680xf32, #tpu.memory_space<hbm>> -> memref<4096xf32, #tpu.memory_space<hbm>>
        tpu.enqueue_dma source(%dma_start3A_209 : memref<4096xf32, #tpu.memory_space<hbm>>) target(%dma_start3A_208 : memref<4096xf32, #tpu.memory_space<vmem>>) target_semaphore(%arg12 : memref<!tpu.dma_semaphore, #tpu.memory_space<semaphore_mem>>)
      } else {
      }
      %parallel_loop3A_174 = arith.constant 0 : i32
      %parallel_loop3A_175 = arith.constant 256 : i32
      %parallel_loop3A_176 = arith.constant 1 : i32
      scf.for %parallel_loop3A_178 = %parallel_loop3A_174 to %parallel_loop3A_175 step %parallel_loop3A_176  : i32 {
        %parallel_loop3A_179 = arith.constant 16 : i32
        %parallel_loop3A_180 = arith.muli %parallel_loop3A_178, %parallel_loop3A_179 : i32
        %parallel_loop3A_181 = arith.constant 1 : i32
        %parallel_loop3A_182 = arith.index_cast %parallel_loop3A_181 : i32 to index
        %parallel_loop3A_183 = arith.index_cast %parallel_loop3A_180 : i32 to index
        %parallel_loop3A_184 = tpu.vector_load %arg9[%parallel_loop3A_182, %parallel_loop3A_183] {strides = array<i32>} : memref<2x4096xi32, #tpu.memory_space<vmem>>, vector<16xi32>,
        %parallel_loop3A_185 = arith.constant 1 : i32
        %parallel_loop3A_186 = arith.index_cast %parallel_loop3A_185 : i32 to index
        %parallel_loop3A_187 = arith.index_cast %parallel_loop3A_180 : i32 to index
        %parallel_loop3A_188 = tpu.vector_load %arg10[%parallel_loop3A_186, %parallel_loop3A_187] {strides = array<i32>} : memref<2x4096xi32, #tpu.memory_space<vmem>>, vector<16xi32>,
        %parallel_loop3A_189 = arith.constant 1 : i32
        %parallel_loop3A_190 = arith.index_cast %parallel_loop3A_189 : i32 to index
        %parallel_loop3A_191 = arith.index_cast %parallel_loop3A_180 : i32 to index
        %parallel_loop3A_192 = tpu.vector_load %arg11[%parallel_loop3A_190, %parallel_loop3A_191] {strides = array<i32>} : memref<2x4096xf32, #tpu.memory_space<vmem>>, vector<16xf32>,
        %parallel_loop3A_193 = arith.constant 0 : i32
        %parallel_loop3A_194 = arith.constant 0 : i32
        %parallel_loop3A_195 = tpu.memref_slice %arg7[%parallel_loop3A_193, %parallel_loop3A_194] : memref<4x10240xf32, #tpu.memory_space<vmem>> -> memref<1x10240xf32, #tpu.memory_space<vmem>>
        %parallel_loop3A_196 = tpu.memref_squeeze %parallel_loop3A_195 : memref<1x10240xf32, #tpu.memory_space<vmem>> -> memref<10240xf32, #tpu.memory_space<vmem>>
        %parallel_loop3A_197 = tpu.vector_load_idx %parallel_loop3A_196[%parallel_loop3A_184] : memref<10240xf32, #tpu.memory_space<vmem>>[vector<16xi32>], vector<16xf32>,
        %parallel_loop3A_198 = arith.mulf %parallel_loop3A_197, %parallel_loop3A_192 : vector<16xf32>
        %parallel_loop3A_199 = arith.constant 0 : i32
        %parallel_loop3A_200 = arith.constant 0 : i32
        %parallel_loop3A_201 = tpu.memref_slice %arg8[%parallel_loop3A_199, %parallel_loop3A_200] : memref<4x10240xf32, #tpu.memory_space<vmem>> -> memref<1x10240xf32, #tpu.memory_space<vmem>>
        %parallel_loop3A_202 = tpu.memref_squeeze %parallel_loop3A_201 : memref<1x10240xf32, #tpu.memory_space<vmem>> -> memref<10240xf32, #tpu.memory_space<vmem>>
        tpu.vector_store_idx %parallel_loop3A_202[%parallel_loop3A_188], %parallel_loop3A_198 {add = true} : memref<10240xf32, #tpu.memory_space<vmem>>[vector<16xi32>], vector<16xf32>,
        %parallel_loop3A_203 = arith.constant 1 : i32
        %parallel_loop3A_204 = arith.constant 0 : i32
        %parallel_loop3A_205 = tpu.memref_slice %arg7[%parallel_loop3A_203, %parallel_loop3A_204] : memref<4x10240xf32, #tpu.memory_space<vmem>> -> memref<1x10240xf32, #tpu.memory_space<vmem>>
        %parallel_loop3A_206 = tpu.memref_squeeze %parallel_loop3A_205 : memref<1x10240xf32, #tpu.memory_space<vmem>> -> memref<10240xf32, #tpu.memory_space<vmem>>
        %parallel_loop3A_207 = tpu.vector_load_idx %parallel_loop3A_206[%parallel_loop3A_184] : memref<10240xf32, #tpu.memory_space<vmem>>[vector<16xi32>], vector<16xf32>,
        %parallel_loop3A_208 = arith.mulf %parallel_loop3A_207, %parallel_loop3A_192 : vector<16xf32>
        %parallel_loop3A_209 = arith.constant 1 : i32
        %parallel_loop3A_210 = arith.constant 0 : i32
        %parallel_loop3A_211 = tpu.memref_slice %arg8[%parallel_loop3A_209, %parallel_loop3A_210] : memref<4x10240xf32, #tpu.memory_space<vmem>> -> memref<1x10240xf32, #tpu.memory_space<vmem>>
        %parallel_loop3A_212 = tpu.memref_squeeze %parallel_loop3A_211 : memref<1x10240xf32, #tpu.memory_space<vmem>> -> memref<10240xf32, #tpu.memory_space<vmem>>
        tpu.vector_store_idx %parallel_loop3A_212[%parallel_loop3A_188], %parallel_loop3A_208 {add = true} : memref<10240xf32, #tpu.memory_space<vmem>>[vector<16xi32>], vector<16xf32>,
        %parallel_loop3A_213 = arith.constant 2 : i32
        %parallel_loop3A_214 = arith.constant 0 : i32
        %parallel_loop3A_215 = tpu.memref_slice %arg7[%parallel_loop3A_213, %parallel_loop3A_214] : memref<4x10240xf32, #tpu.memory_space<vmem>> -> memref<1x10240xf32, #tpu.memory_space<vmem>>
        %parallel_loop3A_216 = tpu.memref_squeeze %parallel_loop3A_215 : memref<1x10240xf32, #tpu.memory_space<vmem>> -> memref<10240xf32, #tpu.memory_space<vmem>>
        %parallel_loop3A_217 = tpu.vector_load_idx %parallel_loop3A_216[%parallel_loop3A_184] : memref<10240xf32, #tpu.memory_space<vmem>>[vector<16xi32>], vector<16xf32>,
        %parallel_loop3A_218 = arith.mulf %parallel_loop3A_217, %parallel_loop3A_192 : vector<16xf32>
        %parallel_loop3A_219 = arith.constant 2 : i32
        %parallel_loop3A_220 = arith.constant 0 : i32
        %parallel_loop3A_221 = tpu.memref_slice %arg8[%parallel_loop3A_219, %parallel_loop3A_220] : memref<4x10240xf32, #tpu.memory_space<vmem>> -> memref<1x10240xf32, #tpu.memory_space<vmem>>
        %parallel_loop3A_222 = tpu.memref_squeeze %parallel_loop3A_221 : memref<1x10240xf32, #tpu.memory_space<vmem>> -> memref<10240xf32, #tpu.memory_space<vmem>>
        tpu.vector_store_idx %parallel_loop3A_222[%parallel_loop3A_188], %parallel_loop3A_218 {add = true} : memref<10240xf32, #tpu.memory_space<vmem>>[vector<16xi32>], vector<16xf32>,
        %parallel_loop3A_223 = arith.constant 3 : i32
        %parallel_loop3A_224 = arith.constant 0 : i32
        %parallel_loop3A_225 = tpu.memref_slice %arg7[%parallel_loop3A_223, %parallel_loop3A_224] : memref<4x10240xf32, #tpu.memory_space<vmem>> -> memref<1x10240xf32, #tpu.memory_space<vmem>>
        %parallel_loop3A_226 = tpu.memref_squeeze %parallel_loop3A_225 : memref<1x10240xf32, #tpu.memory_space<vmem>> -> memref<10240xf32, #tpu.memory_space<vmem>>
        %parallel_loop3A_227 = tpu.vector_load_idx %parallel_loop3A_226[%parallel_loop3A_184] : memref<10240xf32, #tpu.memory_space<vmem>>[vector<16xi32>], vector<16xf32>,
        %parallel_loop3A_228 = arith.mulf %parallel_loop3A_227, %parallel_loop3A_192 : vector<16xf32>
        %parallel_loop3A_229 = arith.constant 3 : i32
        %parallel_loop3A_230 = arith.constant 0 : i32
        %parallel_loop3A_231 = tpu.memref_slice %arg8[%parallel_loop3A_229, %parallel_loop3A_230] : memref<4x10240xf32, #tpu.memory_space<vmem>> -> memref<1x10240xf32, #tpu.memory_space<vmem>>
        %parallel_loop3A_232 = tpu.memref_squeeze %parallel_loop3A_231 : memref<1x10240xf32, #tpu.memory_space<vmem>> -> memref<10240xf32, #tpu.memory_space<vmem>>
        tpu.vector_store_idx %parallel_loop3A_232[%parallel_loop3A_188], %parallel_loop3A_228 {add = true} : memref<10240xf32, #tpu.memory_space<vmem>>[vector<16xi32>], vector<16xf32>,
      } {sc.loop_unroll_factor = 4 : i64, sc.parallel_access}
      %scan3A_177 = arith.constant 0 : i32
      scf.yield %scan3A_177 : i32
    }
    %scan3A_83 = arith.constant 10 : i32
    %mul3A_84 = arith.constant 4 : i32
    %mul3A_85 = arith.muli %select_n3A_9, %mul3A_84 : i32
    "tpu.region"() ({
      %run_scoped3A = tpu.sem_alloc : memref<!tpu.dma_semaphore, #tpu.memory_space<semaphore_mem>>
      %dma_start3A_86 = arith.constant 0 : i32
      %dma_start3A_87 = tpu.memref_slice %arg6[%select_n3A_30, %mul3A_85, %dma_start3A_86] : memref<4x32x10240xf32, #tpu.memory_space<hbm>> -> memref<1x4x10240xf32, #tpu.memory_space<hbm>>
      %dma_start3A_88 = tpu.memref_squeeze %dma_start3A_87 : memref<1x4x10240xf32, #tpu.memory_space<hbm>> -> memref<4x10240xf32, #tpu.memory_space<hbm>>
      %dma_start3A_89 = arith.constant 0 : i32
      %dma_start3A_90 = tpu.memref_slice %arg6[%select_n3A_30, %mul3A_85, %dma_start3A_89] : memref<4x32x10240xf32, #tpu.memory_space<hbm>> -> memref<1x4x10240xf32, #tpu.memory_space<hbm>>
      %dma_start3A_91 = tpu.memref_squeeze %dma_start3A_90 : memref<1x4x10240xf32, #tpu.memory_space<hbm>> -> memref<4x10240xf32, #tpu.memory_space<hbm>>
      tpu.enqueue_dma source(%arg8 : memref<4x10240xf32, #tpu.memory_space<vmem>>) target(%dma_start3A_91 : memref<4x10240xf32, #tpu.memory_space<hbm>>) target_semaphore(%run_scoped3A : memref<!tpu.dma_semaphore, #tpu.memory_space<semaphore_mem>>)
      %dma_wait3A_92 = arith.constant 0 : i32
      %dma_wait3A_93 = tpu.memref_slice %arg6[%select_n3A_30, %mul3A_85, %dma_wait3A_92] : memref<4x32x10240xf32, #tpu.memory_space<hbm>> -> memref<1x4x10240xf32, #tpu.memory_space<hbm>>
      %dma_wait3A_94 = tpu.memref_squeeze %dma_wait3A_93 : memref<1x4x10240xf32, #tpu.memory_space<hbm>> -> memref<4x10240xf32, #tpu.memory_space<hbm>>
      %dma_wait3A_95 = arith.constant 0 : i32
      %dma_wait3A_96 = tpu.memref_slice %arg6[%select_n3A_30, %mul3A_85, %dma_wait3A_95] : memref<4x32x10240xf32, #tpu.memory_space<hbm>> -> memref<1x4x10240xf32, #tpu.memory_space<hbm>>
      %dma_wait3A_97 = tpu.memref_squeeze %dma_wait3A_96 : memref<1x4x10240xf32, #tpu.memory_space<hbm>> -> memref<4x10240xf32, #tpu.memory_space<hbm>>
      tpu.wait_dma2 semaphore(%run_scoped3A : memref<!tpu.dma_semaphore, #tpu.memory_space<semaphore_mem>>) src(%arg8 : memref<4x10240xf32, #tpu.memory_space<vmem>>) dst(%dma_wait3A_97 : memref<4x10240xf32, #tpu.memory_space<hbm>>)
      tpu.yield
    }) : () -> ()
    return
  }
}

#map = affine_map<(d0, d1) -> (0, 0)>
#map1 = affine_map<(d0, d1) -> (0)>
#map2 = affine_map<(d0, d1) -> (0, 0, 0)>
module attributes {stable_mosaic.version = 14 : i64} {
  func.func @k(%arg0: i32, %arg1: i32, %arg2: memref<32x10240xf32, #tpu.memory_space<hbm>>, %arg3: memref<327680xi32, #tpu.memory_space<hbm>>, %arg4: memref<327680xi32, #tpu.memory_space<hbm>>, %arg5: memref<327680xf32, #tpu.memory_space<hbm>>, %arg6: memref<4x32x10240xf32, #tpu.memory_space<hbm>>, %arg7: memref<4x10240xf32, #tpu.memory_space<vmem>>, %arg8: memref<4x10240xf32, #tpu.memory_space<vmem>>, %arg9: memref<2x4096xi32, #tpu.memory_space<vmem>>, %arg10: memref<2x4096xi32, #tpu.memory_space<vmem>>, %arg11: memref<2x4096xf32, #tpu.memory_space<vmem>>, %arg12: memref<!tpu.dma_semaphore, #tpu.memory_space<semaphore_mem>>, %arg13: memref<!tpu.dma_semaphore, #tpu.memory_space<semaphore_mem>>, %arg14: memref<!tpu.dma_semaphore, #tpu.memory_space<semaphore_mem>>) attributes {dimension_semantics = [#tpu.dimension_semantics<core_parallel>, #tpu.dimension_semantics<subcore_parallel>], iteration_bounds = array<i64: 2, 16>, scalar_prefetch = 0 : i64, scratch_operands = 8 : i64, tpu.core_type = #tpu.core_type<sc_vector_subcore>, window_params = [{transform_indices = #map}, {transform_indices = #map1}, {transform_indices = #map1}, {transform_indices = #map1}, {transform_indices = #map2}]} {
    %mul3A = arith.constant 2 : i32
    %mul3A_0 = arith.muli %arg1, %mul3A : i32
    %add3A = arith.addi %mul3A_0, %arg0 : i32
    %jit3A = arith.constant 8 : i32
    %eq3A = arith.constant 0 : i32
    %eq3A_1 = arith.cmpi eq, %jit3A, %eq3A : i32
    %jit3A_2 = arith.constant 1 : i32
    %select_n3A = arith.select %eq3A_1, %jit3A_2, %jit3A : i32
    %rem3A = arith.remsi %add3A, %select_n3A : i32
    %ne3A = arith.constant 0 : i32
    %ne3A_3 = arith.cmpi ne, %rem3A, %ne3A : i32
    %lt3A = arith.constant 0 : i32
    %lt3A_4 = arith.cmpi slt, %rem3A, %lt3A : i32
    %lt3A_5 = arith.constant 0 : i32
    %lt3A_6 = arith.cmpi slt, %select_n3A, %lt3A_5 : i32
    %ne3A_7 = arith.xori %lt3A_4, %lt3A_6 : i1
    %and3A = arith.andi %ne3A_7, %ne3A_3 : i1
    %add3A_8 = arith.addi %rem3A, %select_n3A : i32
    %select_n3A_9 = arith.select %and3A, %add3A_8, %rem3A : i32
    %jit3A_10 = arith.constant 8 : i32
    %div3A = arith.divsi %add3A, %jit3A_10 : i32
    %sign3A = arith.constant 0 : i32
    %sign3A_11 = arith.cmpi sgt, %add3A, %sign3A : i32
    %sign3A_12 = arith.extui %sign3A_11 : i1 to i32
    %sign3A_13 = arith.constant 0 : i32
    %sign3A_14 = arith.cmpi slt, %add3A, %sign3A_13 : i32
    %sign3A_15 = arith.extui %sign3A_14 : i1 to i32
    %sign3A_16 = arith.subi %sign3A_12, %sign3A_15 : i32
    %sign3A_17 = arith.constant 0 : i32
    %sign3A_18 = arith.cmpi sgt, %jit3A_10, %sign3A_17 : i32
    %sign3A_19 = arith.extui %sign3A_18 : i1 to i32
    %sign3A_20 = arith.constant 0 : i32
    %sign3A_21 = arith.cmpi slt, %jit3A_10, %sign3A_20 : i32
    %sign3A_22 = arith.extui %sign3A_21 : i1 to i32
    %sign3A_23 = arith.subi %sign3A_19, %sign3A_22 : i32
    %ne3A_24 = arith.cmpi ne, %sign3A_16, %sign3A_23 : i32
    %rem3A_25 = arith.remsi %add3A, %jit3A_10 : i32
    %ne3A_26 = arith.constant 0 : i32
    %ne3A_27 = arith.cmpi ne, %rem3A_25, %ne3A_26 : i32
    %and3A_28 = arith.andi %ne3A_24, %ne3A_27 : i1
    %sub3A = arith.constant 1 : i32
    %sub3A_29 = arith.subi %div3A, %sub3A : i32
    %select_n3A_30 = arith.select %and3A_28, %sub3A_29, %div3A : i32
    %mul3A_31 = arith.constant 81920 : i32
    %mul3A_32 = arith.muli %select_n3A_30, %mul3A_31 : i32
    %mul3A_33 = arith.constant 4 : i32
    %mul3A_34 = arith.muli %select_n3A_9, %mul3A_33 : i32
    %dma_start3A = arith.constant 0 : i32
    %dma_start3A_35 = tpu.memref_slice %arg2[%mul3A_34, %dma_start3A] : memref<32x10240xf32, #tpu.memory_space<hbm>> -> memref<4x10240xf32, #tpu.memory_space<hbm>>
    %dma_start3A_36 = arith.constant 0 : i32
    %dma_start3A_37 = tpu.memref_slice %arg2[%mul3A_34, %dma_start3A_36] : memref<32x10240xf32, #tpu.memory_space<hbm>> -> memref<4x10240xf32, #tpu.memory_space<hbm>>
    tpu.enqueue_dma source(%dma_start3A_37 : memref<4x10240xf32, #tpu.memory_space<hbm>>) target(%arg7 : memref<4x10240xf32, #tpu.memory_space<vmem>>) target_semaphore(%arg14 : memref<!tpu.dma_semaphore, #tpu.memory_space<semaphore_mem>>)
    %add3A_38 = arith.constant 0 : i32
    %add3A_39 = arith.addi %mul3A_32, %add3A_38 : i32
    %dma_start3A_40 = arith.constant 0 : i32
    %dma_start3A_41 = arith.constant 0 : i32
    %dma_start3A_42 = tpu.memref_slice %arg9[%dma_start3A_40, %dma_start3A_41] : memref<2x4096xi32, #tpu.memory_space<vmem>> -> memref<1x4096xi32, #tpu.memory_space<vmem>>
    %dma_start3A_43 = tpu.memref_squeeze %dma_start3A_42 : memref<1x4096xi32, #tpu.memory_space<vmem>> -> memref<4096xi32, #tpu.memory_space<vmem>>
    %dma_start3A_44 = tpu.memref_slice %arg3[%add3A_39] : memref<327680xi32, #tpu.memory_space<hbm>> -> memref<4096xi32, #tpu.memory_space<hbm>>
    %dma_start3A_45 = arith.constant 0 : i32
    %dma_start3A_46 = tpu.memref_slice %arg9[%dma_start3A_40, %dma_start3A_45] : memref<2x4096xi32, #tpu.memory_space<vmem>> -> memref<1x4096xi32, #tpu.memory_space<vmem>>
    %dma_start3A_47 = tpu.memref_squeeze %dma_start3A_46 : memref<1x4096xi32, #tpu.memory_space<vmem>> -> memref<4096xi32, #tpu.memory_space<vmem>>
    %dma_start3A_48 = tpu.memref_slice %arg3[%add3A_39] : memref<327680xi32, #tpu.memory_space<hbm>> -> memref<4096xi32, #tpu.memory_space<hbm>>
    tpu.enqueue_dma source(%dma_start3A_48 : memref<4096xi32, #tpu.memory_space<hbm>>) target(%dma_start3A_47 : memref<4096xi32, #tpu.memory_space<vmem>>) target_semaphore(%arg12 : memref<!tpu.dma_semaphore, #tpu.memory_space<semaphore_mem>>)
    %dma_start3A_49 = arith.constant 0 : i32
    %dma_start3A_50 = arith.constant 0 : i32
    %dma_start3A_51 = tpu.memref_slice %arg10[%dma_start3A_49, %dma_start3A_50] : memref<2x4096xi32, #tpu.memory_space<vmem>> -> memref<1x4096xi32, #tpu.memory_space<vmem>>
    %dma_start3A_52 = tpu.memref_squeeze %dma_start3A_51 : memref<1x4096xi32, #tpu.memory_space<vmem>> -> memref<4096xi32, #tpu.memory_space<vmem>>
    %dma_start3A_53 = tpu.memref_slice %arg4[%add3A_39] : memref<327680xi32, #tpu.memory_space<hbm>> -> memref<4096xi32, #tpu.memory_space<hbm>>
    %dma_start3A_54 = arith.constant 0 : i32
    %dma_start3A_55 = tpu.memref_slice %arg10[%dma_start3A_49, %dma_start3A_54] : memref<2x4096xi32, #tpu.memory_space<vmem>> -> memref<1x4096xi32, #tpu.memory_space<vmem>>
    %dma_start3A_56 = tpu.memref_squeeze %dma_start3A_55 : memref<1x4096xi32, #tpu.memory_space<vmem>> -> memref<4096xi32, #tpu.memory_space<vmem>>
    %dma_start3A_57 = tpu.memref_slice %arg4[%add3A_39] : memref<327680xi32, #tpu.memory_space<hbm>> -> memref<4096xi32, #tpu.memory_space<hbm>>
    tpu.enqueue_dma source(%dma_start3A_57 : memref<4096xi32, #tpu.memory_space<hbm>>) target(%dma_start3A_56 : memref<4096xi32, #tpu.memory_space<vmem>>) target_semaphore(%arg12 : memref<!tpu.dma_semaphore, #tpu.memory_space<semaphore_mem>>)
    %broadcast_in_dim3A = arith.constant 0.000000e+00 : f32
    %broadcast_in_dim3A_58 = vector.broadcast %broadcast_in_dim3A : f32 to vector<16xf32>
    %scan3A = arith.constant 0 : i32
    %scan3A_59 = arith.constant 0 : i32
    %scan3A_60 = arith.constant 640 : i32
    %scan3A_61 = arith.addi %scan3A_59, %scan3A_60 : i32
    %scan3A_62 = arith.constant 1 : i32
    %scan3A_63 = scf.for %scan3A_77 = %scan3A_59 to %scan3A_61 step %scan3A_62 iter_args(%scan3A_78 = %scan3A) -> (i32)  : i32 {
      %mul3A_79 = arith.constant 16 : i32
      %mul3A_80 = arith.muli %scan3A_77, %mul3A_79 : i32
      %swap3A = arith.constant 0 : i32
      %swap3A_81 = arith.index_cast %swap3A : i32 to index
      %swap3A_82 = arith.index_cast %mul3A_80 : i32 to index
      %swap3A_83 = tpu.vector_load %arg8[%swap3A_81, %swap3A_82] {strides = array<i32>} : memref<4x10240xf32, #tpu.memory_space<vmem>>, vector<16xf32>,
      tpu.vector_store %arg8[%swap3A_81, %swap3A_82], %broadcast_in_dim3A_58 {strides = array<i32>} : memref<4x10240xf32, #tpu.memory_space<vmem>>, vector<16xf32>,
      %mul3A_84 = arith.constant 16 : i32
      %mul3A_85 = arith.muli %scan3A_77, %mul3A_84 : i32
      %swap3A_86 = arith.constant 1 : i32
      %swap3A_87 = arith.index_cast %swap3A_86 : i32 to index
      %swap3A_88 = arith.index_cast %mul3A_85 : i32 to index
      %swap3A_89 = tpu.vector_load %arg8[%swap3A_87, %swap3A_88] {strides = array<i32>} : memref<4x10240xf32, #tpu.memory_space<vmem>>, vector<16xf32>,
      tpu.vector_store %arg8[%swap3A_87, %swap3A_88], %broadcast_in_dim3A_58 {strides = array<i32>} : memref<4x10240xf32, #tpu.memory_space<vmem>>, vector<16xf32>,
      %mul3A_90 = arith.constant 16 : i32
      %mul3A_91 = arith.muli %scan3A_77, %mul3A_90 : i32
      %swap3A_92 = arith.constant 2 : i32
      %swap3A_93 = arith.index_cast %swap3A_92 : i32 to index
      %swap3A_94 = arith.index_cast %mul3A_91 : i32 to index
      %swap3A_95 = tpu.vector_load %arg8[%swap3A_93, %swap3A_94] {strides = array<i32>} : memref<4x10240xf32, #tpu.memory_space<vmem>>, vector<16xf32>,
      tpu.vector_store %arg8[%swap3A_93, %swap3A_94], %broadcast_in_dim3A_58 {strides = array<i32>} : memref<4x10240xf32, #tpu.memory_space<vmem>>, vector<16xf32>,
      %mul3A_96 = arith.constant 16 : i32
      %mul3A_97 = arith.muli %scan3A_77, %mul3A_96 : i32
      %swap3A_98 = arith.constant 3 : i32
      %swap3A_99 = arith.index_cast %swap3A_98 : i32 to index
      %swap3A_100 = arith.index_cast %mul3A_97 : i32 to index
      %swap3A_101 = tpu.vector_load %arg8[%swap3A_99, %swap3A_100] {strides = array<i32>} : memref<4x10240xf32, #tpu.memory_space<vmem>>, vector<16xf32>,
      tpu.vector_store %arg8[%swap3A_99, %swap3A_100], %broadcast_in_dim3A_58 {strides = array<i32>} : memref<4x10240xf32, #tpu.memory_space<vmem>>, vector<16xf32>,
      %scan3A_102 = arith.constant 0 : i32
      scf.yield %scan3A_102 : i32
    }
    %scan3A_64 = arith.constant 640 : i32
    %dma_wait3A = arith.constant 0 : i32
    %dma_wait3A_65 = tpu.memref_slice %arg2[%mul3A_34, %dma_wait3A] : memref<32x10240xf32, #tpu.memory_space<hbm>> -> memref<4x10240xf32, #tpu.memory_space<hbm>>
    %dma_wait3A_66 = arith.constant 0 : i32
    %dma_wait3A_67 = tpu.memref_slice %arg2[%mul3A_34, %dma_wait3A_66] : memref<32x10240xf32, #tpu.memory_space<hbm>> -> memref<4x10240xf32, #tpu.memory_space<hbm>>
    tpu.wait_dma2 semaphore(%arg14 : memref<!tpu.dma_semaphore, #tpu.memory_space<semaphore_mem>>) src(%dma_wait3A_67 : memref<4x10240xf32, #tpu.memory_space<hbm>>) dst(%arg7 : memref<4x10240xf32, #tpu.memory_space<vmem>>)
    %scan3A_68 = arith.constant 0 : i32
    %scan3A_69 = arith.constant 0 : i32
    %scan3A_70 = arith.constant 10 : i32
    %scan3A_71 = arith.addi %scan3A_69, %scan3A_70 : i32
    %scan3A_72 = arith.constant 1 : i32
    %scan3A_73 = scf.for %scan3A_77 = %scan3A_69 to %scan3A_71 step %scan3A_72 iter_args(%scan3A_78 = %scan3A_68) -> (i32)  : i32 {
      %mul3A_79 = arith.constant 2 : i32
      %mul3A_80 = arith.muli %scan3A_77, %mul3A_79 : i32
      %dma_wait3A_81 = arith.constant 0 : i32
      %dma_wait3A_82 = arith.constant 0 : i32
      %dma_wait3A_83 = tpu.memref_slice %arg9[%dma_wait3A_81, %dma_wait3A_82] : memref<2x4096xi32, #tpu.memory_space<vmem>> -> memref<1x4096xi32, #tpu.memory_space<vmem>>
      %dma_wait3A_84 = tpu.memref_squeeze %dma_wait3A_83 : memref<1x4096xi32, #tpu.memory_space<vmem>> -> memref<4096xi32, #tpu.memory_space<vmem>>
      %dma_wait3A_85 = arith.constant 0 : i32
      %dma_wait3A_86 = tpu.memref_slice %arg3[%dma_wait3A_85] : memref<327680xi32, #tpu.memory_space<hbm>> -> memref<4096xi32, #tpu.memory_space<hbm>>
      %dma_wait3A_87 = arith.constant 0 : i32
      %dma_wait3A_88 = tpu.memref_slice %arg9[%dma_wait3A_81, %dma_wait3A_87] : memref<2x4096xi32, #tpu.memory_space<vmem>> -> memref<1x4096xi32, #tpu.memory_space<vmem>>
      %dma_wait3A_89 = tpu.memref_squeeze %dma_wait3A_88 : memref<1x4096xi32, #tpu.memory_space<vmem>> -> memref<4096xi32, #tpu.memory_space<vmem>>
      %dma_wait3A_90 = arith.constant 0 : i32
      %dma_wait3A_91 = tpu.memref_slice %arg3[%dma_wait3A_90] : memref<327680xi32, #tpu.memory_space<hbm>> -> memref<4096xi32, #tpu.memory_space<hbm>>
      tpu.wait_dma2 semaphore(%arg12 : memref<!tpu.dma_semaphore, #tpu.memory_space<semaphore_mem>>) src(%dma_wait3A_91 : memref<4096xi32, #tpu.memory_space<hbm>>) dst(%dma_wait3A_89 : memref<4096xi32, #tpu.memory_space<vmem>>)
      %dma_wait3A_92 = arith.constant 0 : i32
      %dma_wait3A_93 = arith.constant 0 : i32
      %dma_wait3A_94 = tpu.memref_slice %arg10[%dma_wait3A_92, %dma_wait3A_93] : memref<2x4096xi32, #tpu.memory_space<vmem>> -> memref<1x4096xi32, #tpu.memory_space<vmem>>
      %dma_wait3A_95 = tpu.memref_squeeze %dma_wait3A_94 : memref<1x4096xi32, #tpu.memory_space<vmem>> -> memref<4096xi32, #tpu.memory_space<vmem>>
      %dma_wait3A_96 = arith.constant 0 : i32
      %dma_wait3A_97 = tpu.memref_slice %arg4[%dma_wait3A_96] : memref<327680xi32, #tpu.memory_space<hbm>> -> memref<4096xi32, #tpu.memory_space<hbm>>
      %dma_wait3A_98 = arith.constant 0 : i32
      %dma_wait3A_99 = tpu.memref_slice %arg10[%dma_wait3A_92, %dma_wait3A_98] : memref<2x4096xi32, #tpu.memory_space<vmem>> -> memref<1x4096xi32, #tpu.memory_space<vmem>>
      %dma_wait3A_100 = tpu.memref_squeeze %dma_wait3A_99 : memref<1x4096xi32, #tpu.memory_space<vmem>> -> memref<4096xi32, #tpu.memory_space<vmem>>
      %dma_wait3A_101 = arith.constant 0 : i32
      %dma_wait3A_102 = tpu.memref_slice %arg4[%dma_wait3A_101] : memref<327680xi32, #tpu.memory_space<hbm>> -> memref<4096xi32, #tpu.memory_space<hbm>>
      tpu.wait_dma2 semaphore(%arg12 : memref<!tpu.dma_semaphore, #tpu.memory_space<semaphore_mem>>) src(%dma_wait3A_102 : memref<4096xi32, #tpu.memory_space<hbm>>) dst(%dma_wait3A_100 : memref<4096xi32, #tpu.memory_space<vmem>>)
      %add3A_103 = arith.constant 1 : i32
      %add3A_104 = arith.addi %mul3A_80, %add3A_103 : i32
      %lt3A_105 = arith.constant 20 : i32
      %lt3A_106 = arith.cmpi slt, %add3A_104, %lt3A_105 : i32
      %convert_element_type3A = arith.extui %lt3A_106 : i1 to i32
      %cond3A = arith.constant 0 : i32
      %cond3A_107 = arith.cmpi ne, %convert_element_type3A, %cond3A : i32
      scf.if %cond3A_107 {
        %add3A_147 = arith.constant 1 : i32
        %add3A_148 = arith.addi %mul3A_80, %add3A_147 : i32
        %mul3A_149 = arith.constant 4096 : i32
        %mul3A_150 = arith.muli %add3A_148, %mul3A_149 : i32
        %add3A_151 = arith.addi %mul3A_32, %mul3A_150 : i32
        %dma_start3A_152 = arith.constant 1 : i32
        %dma_start3A_153 = arith.constant 0 : i32
        %dma_start3A_154 = tpu.memref_slice %arg9[%dma_start3A_152, %dma_start3A_153] : memref<2x4096xi32, #tpu.memory_space<vmem>> -> memref<1x4096xi32, #tpu.memory_space<vmem>>
        %dma_start3A_155 = tpu.memref_squeeze %dma_start3A_154 : memref<1x4096xi32, #tpu.memory_space<vmem>> -> memref<4096xi32, #tpu.memory_space<vmem>>
        %dma_start3A_156 = tpu.memref_slice %arg3[%add3A_151] : memref<327680xi32, #tpu.memory_space<hbm>> -> memref<4096xi32, #tpu.memory_space<hbm>>
        %dma_start3A_157 = arith.constant 0 : i32
        %dma_start3A_158 = tpu.memref_slice %arg9[%dma_start3A_152, %dma_start3A_157] : memref<2x4096xi32, #tpu.memory_space<vmem>> -> memref<1x4096xi32, #tpu.memory_space<vmem>>
        %dma_start3A_159 = tpu.memref_squeeze %dma_start3A_158 : memref<1x4096xi32, #tpu.memory_space<vmem>> -> memref<4096xi32, #tpu.memory_space<vmem>>
        %dma_start3A_160 = tpu.memref_slice %arg3[%add3A_151] : memref<327680xi32, #tpu.memory_space<hbm>> -> memref<4096xi32, #tpu.memory_space<hbm>>
        tpu.enqueue_dma source(%dma_start3A_160 : memref<4096xi32, #tpu.memory_space<hbm>>) target(%dma_start3A_159 : memref<4096xi32, #tpu.memory_space<vmem>>) target_semaphore(%arg13 : memref<!tpu.dma_semaphore, #tpu.memory_space<semaphore_mem>>)
        %dma_start3A_161 = arith.constant 1 : i32
        %dma_start3A_162 = arith.constant 0 : i32
        %dma_start3A_163 = tpu.memref_slice %arg10[%dma_start3A_161, %dma_start3A_162] : memref<2x4096xi32, #tpu.memory_space<vmem>> -> memref<1x4096xi32, #tpu.memory_space<vmem>>
        %dma_start3A_164 = tpu.memref_squeeze %dma_start3A_163 : memref<1x4096xi32, #tpu.memory_space<vmem>> -> memref<4096xi32, #tpu.memory_space<vmem>>
        %dma_start3A_165 = tpu.memref_slice %arg4[%add3A_151] : memref<327680xi32, #tpu.memory_space<hbm>> -> memref<4096xi32, #tpu.memory_space<hbm>>
        %dma_start3A_166 = arith.constant 0 : i32
        %dma_start3A_167 = tpu.memref_slice %arg10[%dma_start3A_161, %dma_start3A_166] : memref<2x4096xi32, #tpu.memory_space<vmem>> -> memref<1x4096xi32, #tpu.memory_space<vmem>>
        %dma_start3A_168 = tpu.memref_squeeze %dma_start3A_167 : memref<1x4096xi32, #tpu.memory_space<vmem>> -> memref<4096xi32, #tpu.memory_space<vmem>>
        %dma_start3A_169 = tpu.memref_slice %arg4[%add3A_151] : memref<327680xi32, #tpu.memory_space<hbm>> -> memref<4096xi32, #tpu.memory_space<hbm>>
        tpu.enqueue_dma source(%dma_start3A_169 : memref<4096xi32, #tpu.memory_space<hbm>>) target(%dma_start3A_168 : memref<4096xi32, #tpu.memory_space<vmem>>) target_semaphore(%arg13 : memref<!tpu.dma_semaphore, #tpu.memory_space<semaphore_mem>>)
      } else {
      }
      %parallel_loop3A = arith.constant 0 : i32
      %parallel_loop3A_108 = arith.constant 256 : i32
      %parallel_loop3A_109 = arith.constant 1 : i32
      scf.for %parallel_loop3A_147 = %parallel_loop3A to %parallel_loop3A_108 step %parallel_loop3A_109  : i32 {
        %parallel_loop3A_148 = arith.constant 16 : i32
        %parallel_loop3A_149 = arith.muli %parallel_loop3A_147, %parallel_loop3A_148 : i32
        %parallel_loop3A_150 = arith.constant 0 : i32
        %parallel_loop3A_151 = arith.index_cast %parallel_loop3A_150 : i32 to index
        %parallel_loop3A_152 = arith.index_cast %parallel_loop3A_149 : i32 to index
        %parallel_loop3A_153 = tpu.vector_load %arg9[%parallel_loop3A_151, %parallel_loop3A_152] {strides = array<i32>} : memref<2x4096xi32, #tpu.memory_space<vmem>>, vector<16xi32>,
        %parallel_loop3A_154 = arith.constant 0 : i32
        %parallel_loop3A_155 = arith.index_cast %parallel_loop3A_154 : i32 to index
        %parallel_loop3A_156 = arith.index_cast %parallel_loop3A_149 : i32 to index
        %parallel_loop3A_157 = tpu.vector_load %arg10[%parallel_loop3A_155, %parallel_loop3A_156] {strides = array<i32>} : memref<2x4096xi32, #tpu.memory_space<vmem>>, vector<16xi32>,
        %parallel_loop3A_158 = arith.constant 0 : i32
        %parallel_loop3A_159 = arith.constant 0 : i32
        %parallel_loop3A_160 = tpu.memref_slice %arg7[%parallel_loop3A_158, %parallel_loop3A_159] : memref<4x10240xf32, #tpu.memory_space<vmem>> -> memref<1x10240xf32, #tpu.memory_space<vmem>>
        %parallel_loop3A_161 = tpu.memref_squeeze %parallel_loop3A_160 : memref<1x10240xf32, #tpu.memory_space<vmem>> -> memref<10240xf32, #tpu.memory_space<vmem>>
        %parallel_loop3A_162 = tpu.vector_load_idx %parallel_loop3A_161[%parallel_loop3A_153] : memref<10240xf32, #tpu.memory_space<vmem>>[vector<16xi32>], vector<16xf32>,
        %parallel_loop3A_163 = arith.constant 0 : i32
        %parallel_loop3A_164 = arith.constant 0 : i32
        %parallel_loop3A_165 = tpu.memref_slice %arg8[%parallel_loop3A_163, %parallel_loop3A_164] : memref<4x10240xf32, #tpu.memory_space<vmem>> -> memref<1x10240xf32, #tpu.memory_space<vmem>>
        %parallel_loop3A_166 = tpu.memref_squeeze %parallel_loop3A_165 : memref<1x10240xf32, #tpu.memory_space<vmem>> -> memref<10240xf32, #tpu.memory_space<vmem>>
        tpu.vector_store_idx %parallel_loop3A_166[%parallel_loop3A_157], %parallel_loop3A_162 {add = true} : memref<10240xf32, #tpu.memory_space<vmem>>[vector<16xi32>], vector<16xf32>,
        %parallel_loop3A_167 = arith.constant 1 : i32
        %parallel_loop3A_168 = arith.constant 0 : i32
        %parallel_loop3A_169 = tpu.memref_slice %arg7[%parallel_loop3A_167, %parallel_loop3A_168] : memref<4x10240xf32, #tpu.memory_space<vmem>> -> memref<1x10240xf32, #tpu.memory_space<vmem>>
        %parallel_loop3A_170 = tpu.memref_squeeze %parallel_loop3A_169 : memref<1x10240xf32, #tpu.memory_space<vmem>> -> memref<10240xf32, #tpu.memory_space<vmem>>
        %parallel_loop3A_171 = tpu.vector_load_idx %parallel_loop3A_170[%parallel_loop3A_153] : memref<10240xf32, #tpu.memory_space<vmem>>[vector<16xi32>], vector<16xf32>,
        %parallel_loop3A_172 = arith.constant 1 : i32
        %parallel_loop3A_173 = arith.constant 0 : i32
        %parallel_loop3A_174 = tpu.memref_slice %arg8[%parallel_loop3A_172, %parallel_loop3A_173] : memref<4x10240xf32, #tpu.memory_space<vmem>> -> memref<1x10240xf32, #tpu.memory_space<vmem>>
        %parallel_loop3A_175 = tpu.memref_squeeze %parallel_loop3A_174 : memref<1x10240xf32, #tpu.memory_space<vmem>> -> memref<10240xf32, #tpu.memory_space<vmem>>
        tpu.vector_store_idx %parallel_loop3A_175[%parallel_loop3A_157], %parallel_loop3A_171 {add = true} : memref<10240xf32, #tpu.memory_space<vmem>>[vector<16xi32>], vector<16xf32>,
        %parallel_loop3A_176 = arith.constant 2 : i32
        %parallel_loop3A_177 = arith.constant 0 : i32
        %parallel_loop3A_178 = tpu.memref_slice %arg7[%parallel_loop3A_176, %parallel_loop3A_177] : memref<4x10240xf32, #tpu.memory_space<vmem>> -> memref<1x10240xf32, #tpu.memory_space<vmem>>
        %parallel_loop3A_179 = tpu.memref_squeeze %parallel_loop3A_178 : memref<1x10240xf32, #tpu.memory_space<vmem>> -> memref<10240xf32, #tpu.memory_space<vmem>>
        %parallel_loop3A_180 = tpu.vector_load_idx %parallel_loop3A_179[%parallel_loop3A_153] : memref<10240xf32, #tpu.memory_space<vmem>>[vector<16xi32>], vector<16xf32>,
        %parallel_loop3A_181 = arith.constant 2 : i32
        %parallel_loop3A_182 = arith.constant 0 : i32
        %parallel_loop3A_183 = tpu.memref_slice %arg8[%parallel_loop3A_181, %parallel_loop3A_182] : memref<4x10240xf32, #tpu.memory_space<vmem>> -> memref<1x10240xf32, #tpu.memory_space<vmem>>
        %parallel_loop3A_184 = tpu.memref_squeeze %parallel_loop3A_183 : memref<1x10240xf32, #tpu.memory_space<vmem>> -> memref<10240xf32, #tpu.memory_space<vmem>>
        tpu.vector_store_idx %parallel_loop3A_184[%parallel_loop3A_157], %parallel_loop3A_180 {add = true} : memref<10240xf32, #tpu.memory_space<vmem>>[vector<16xi32>], vector<16xf32>,
        %parallel_loop3A_185 = arith.constant 3 : i32
        %parallel_loop3A_186 = arith.constant 0 : i32
        %parallel_loop3A_187 = tpu.memref_slice %arg7[%parallel_loop3A_185, %parallel_loop3A_186] : memref<4x10240xf32, #tpu.memory_space<vmem>> -> memref<1x10240xf32, #tpu.memory_space<vmem>>
        %parallel_loop3A_188 = tpu.memref_squeeze %parallel_loop3A_187 : memref<1x10240xf32, #tpu.memory_space<vmem>> -> memref<10240xf32, #tpu.memory_space<vmem>>
        %parallel_loop3A_189 = tpu.vector_load_idx %parallel_loop3A_188[%parallel_loop3A_153] : memref<10240xf32, #tpu.memory_space<vmem>>[vector<16xi32>], vector<16xf32>,
        %parallel_loop3A_190 = arith.constant 3 : i32
        %parallel_loop3A_191 = arith.constant 0 : i32
        %parallel_loop3A_192 = tpu.memref_slice %arg8[%parallel_loop3A_190, %parallel_loop3A_191] : memref<4x10240xf32, #tpu.memory_space<vmem>> -> memref<1x10240xf32, #tpu.memory_space<vmem>>
        %parallel_loop3A_193 = tpu.memref_squeeze %parallel_loop3A_192 : memref<1x10240xf32, #tpu.memory_space<vmem>> -> memref<10240xf32, #tpu.memory_space<vmem>>
        tpu.vector_store_idx %parallel_loop3A_193[%parallel_loop3A_157], %parallel_loop3A_189 {add = true} : memref<10240xf32, #tpu.memory_space<vmem>>[vector<16xi32>], vector<16xf32>,
      } {sc.loop_unroll_factor = 4 : i64, sc.parallel_access}
      %mul3A_110 = arith.constant 2 : i32
      %mul3A_111 = arith.muli %scan3A_77, %mul3A_110 : i32
      %add3A_112 = arith.constant 1 : i32
      %add3A_113 = arith.addi %mul3A_111, %add3A_112 : i32
      %dma_wait3A_114 = arith.constant 1 : i32
      %dma_wait3A_115 = arith.constant 0 : i32
      %dma_wait3A_116 = tpu.memref_slice %arg9[%dma_wait3A_114, %dma_wait3A_115] : memref<2x4096xi32, #tpu.memory_space<vmem>> -> memref<1x4096xi32, #tpu.memory_space<vmem>>
      %dma_wait3A_117 = tpu.memref_squeeze %dma_wait3A_116 : memref<1x4096xi32, #tpu.memory_space<vmem>> -> memref<4096xi32, #tpu.memory_space<vmem>>
      %dma_wait3A_118 = arith.constant 0 : i32
      %dma_wait3A_119 = tpu.memref_slice %arg3[%dma_wait3A_118] : memref<327680xi32, #tpu.memory_space<hbm>> -> memref<4096xi32, #tpu.memory_space<hbm>>
      %dma_wait3A_120 = arith.constant 0 : i32
      %dma_wait3A_121 = tpu.memref_slice %arg9[%dma_wait3A_114, %dma_wait3A_120] : memref<2x4096xi32, #tpu.memory_space<vmem>> -> memref<1x4096xi32, #tpu.memory_space<vmem>>
      %dma_wait3A_122 = tpu.memref_squeeze %dma_wait3A_121 : memref<1x4096xi32, #tpu.memory_space<vmem>> -> memref<4096xi32, #tpu.memory_space<vmem>>
      %dma_wait3A_123 = arith.constant 0 : i32
      %dma_wait3A_124 = tpu.memref_slice %arg3[%dma_wait3A_123] : memref<327680xi32, #tpu.memory_space<hbm>> -> memref<4096xi32, #tpu.memory_space<hbm>>
      tpu.wait_dma2 semaphore(%arg13 : memref<!tpu.dma_semaphore, #tpu.memory_space<semaphore_mem>>) src(%dma_wait3A_124 : memref<4096xi32, #tpu.memory_space<hbm>>) dst(%dma_wait3A_122 : memref<4096xi32, #tpu.memory_space<vmem>>)
      %dma_wait3A_125 = arith.constant 1 : i32
      %dma_wait3A_126 = arith.constant 0 : i32
      %dma_wait3A_127 = tpu.memref_slice %arg10[%dma_wait3A_125, %dma_wait3A_126] : memref<2x4096xi32, #tpu.memory_space<vmem>> -> memref<1x4096xi32, #tpu.memory_space<vmem>>
      %dma_wait3A_128 = tpu.memref_squeeze %dma_wait3A_127 : memref<1x4096xi32, #tpu.memory_space<vmem>> -> memref<4096xi32, #tpu.memory_space<vmem>>
      %dma_wait3A_129 = arith.constant 0 : i32
      %dma_wait3A_130 = tpu.memref_slice %arg4[%dma_wait3A_129] : memref<327680xi32, #tpu.memory_space<hbm>> -> memref<4096xi32, #tpu.memory_space<hbm>>
      %dma_wait3A_131 = arith.constant 0 : i32
      %dma_wait3A_132 = tpu.memref_slice %arg10[%dma_wait3A_125, %dma_wait3A_131] : memref<2x4096xi32, #tpu.memory_space<vmem>> -> memref<1x4096xi32, #tpu.memory_space<vmem>>
      %dma_wait3A_133 = tpu.memref_squeeze %dma_wait3A_132 : memref<1x4096xi32, #tpu.memory_space<vmem>> -> memref<4096xi32, #tpu.memory_space<vmem>>
      %dma_wait3A_134 = arith.constant 0 : i32
      %dma_wait3A_135 = tpu.memref_slice %arg4[%dma_wait3A_134] : memref<327680xi32, #tpu.memory_space<hbm>> -> memref<4096xi32, #tpu.memory_space<hbm>>
      tpu.wait_dma2 semaphore(%arg13 : memref<!tpu.dma_semaphore, #tpu.memory_space<semaphore_mem>>) src(%dma_wait3A_135 : memref<4096xi32, #tpu.memory_space<hbm>>) dst(%dma_wait3A_133 : memref<4096xi32, #tpu.memory_space<vmem>>)
      %add3A_136 = arith.constant 1 : i32
      %add3A_137 = arith.addi %add3A_113, %add3A_136 : i32
      %lt3A_138 = arith.constant 20 : i32
      %lt3A_139 = arith.cmpi slt, %add3A_137, %lt3A_138 : i32
      %convert_element_type3A_140 = arith.extui %lt3A_139 : i1 to i32
      %cond3A_141 = arith.constant 0 : i32
      %cond3A_142 = arith.cmpi ne, %convert_element_type3A_140, %cond3A_141 : i32
      scf.if %cond3A_142 {
        %add3A_147 = arith.constant 1 : i32
        %add3A_148 = arith.addi %add3A_113, %add3A_147 : i32
        %mul3A_149 = arith.constant 4096 : i32
        %mul3A_150 = arith.muli %add3A_148, %mul3A_149 : i32
        %add3A_151 = arith.addi %mul3A_32, %mul3A_150 : i32
        %dma_start3A_152 = arith.constant 0 : i32
        %dma_start3A_153 = arith.constant 0 : i32
        %dma_start3A_154 = tpu.memref_slice %arg9[%dma_start3A_152, %dma_start3A_153] : memref<2x4096xi32, #tpu.memory_space<vmem>> -> memref<1x4096xi32, #tpu.memory_space<vmem>>
        %dma_start3A_155 = tpu.memref_squeeze %dma_start3A_154 : memref<1x4096xi32, #tpu.memory_space<vmem>> -> memref<4096xi32, #tpu.memory_space<vmem>>
        %dma_start3A_156 = tpu.memref_slice %arg3[%add3A_151] : memref<327680xi32, #tpu.memory_space<hbm>> -> memref<4096xi32, #tpu.memory_space<hbm>>
        %dma_start3A_157 = arith.constant 0 : i32
        %dma_start3A_158 = tpu.memref_slice %arg9[%dma_start3A_152, %dma_start3A_157] : memref<2x4096xi32, #tpu.memory_space<vmem>> -> memref<1x4096xi32, #tpu.memory_space<vmem>>
        %dma_start3A_159 = tpu.memref_squeeze %dma_start3A_158 : memref<1x4096xi32, #tpu.memory_space<vmem>> -> memref<4096xi32, #tpu.memory_space<vmem>>
        %dma_start3A_160 = tpu.memref_slice %arg3[%add3A_151] : memref<327680xi32, #tpu.memory_space<hbm>> -> memref<4096xi32, #tpu.memory_space<hbm>>
        tpu.enqueue_dma source(%dma_start3A_160 : memref<4096xi32, #tpu.memory_space<hbm>>) target(%dma_start3A_159 : memref<4096xi32, #tpu.memory_space<vmem>>) target_semaphore(%arg12 : memref<!tpu.dma_semaphore, #tpu.memory_space<semaphore_mem>>)
        %dma_start3A_161 = arith.constant 0 : i32
        %dma_start3A_162 = arith.constant 0 : i32
        %dma_start3A_163 = tpu.memref_slice %arg10[%dma_start3A_161, %dma_start3A_162] : memref<2x4096xi32, #tpu.memory_space<vmem>> -> memref<1x4096xi32, #tpu.memory_space<vmem>>
        %dma_start3A_164 = tpu.memref_squeeze %dma_start3A_163 : memref<1x4096xi32, #tpu.memory_space<vmem>> -> memref<4096xi32, #tpu.memory_space<vmem>>
        %dma_start3A_165 = tpu.memref_slice %arg4[%add3A_151] : memref<327680xi32, #tpu.memory_space<hbm>> -> memref<4096xi32, #tpu.memory_space<hbm>>
        %dma_start3A_166 = arith.constant 0 : i32
        %dma_start3A_167 = tpu.memref_slice %arg10[%dma_start3A_161, %dma_start3A_166] : memref<2x4096xi32, #tpu.memory_space<vmem>> -> memref<1x4096xi32, #tpu.memory_space<vmem>>
        %dma_start3A_168 = tpu.memref_squeeze %dma_start3A_167 : memref<1x4096xi32, #tpu.memory_space<vmem>> -> memref<4096xi32, #tpu.memory_space<vmem>>
        %dma_start3A_169 = tpu.memref_slice %arg4[%add3A_151] : memref<327680xi32, #tpu.memory_space<hbm>> -> memref<4096xi32, #tpu.memory_space<hbm>>
        tpu.enqueue_dma source(%dma_start3A_169 : memref<4096xi32, #tpu.memory_space<hbm>>) target(%dma_start3A_168 : memref<4096xi32, #tpu.memory_space<vmem>>) target_semaphore(%arg12 : memref<!tpu.dma_semaphore, #tpu.memory_space<semaphore_mem>>)
      } else {
      }
      %parallel_loop3A_143 = arith.constant 0 : i32
      %parallel_loop3A_144 = arith.constant 256 : i32
      %parallel_loop3A_145 = arith.constant 1 : i32
      scf.for %parallel_loop3A_147 = %parallel_loop3A_143 to %parallel_loop3A_144 step %parallel_loop3A_145  : i32 {
        %parallel_loop3A_148 = arith.constant 16 : i32
        %parallel_loop3A_149 = arith.muli %parallel_loop3A_147, %parallel_loop3A_148 : i32
        %parallel_loop3A_150 = arith.constant 1 : i32
        %parallel_loop3A_151 = arith.index_cast %parallel_loop3A_150 : i32 to index
        %parallel_loop3A_152 = arith.index_cast %parallel_loop3A_149 : i32 to index
        %parallel_loop3A_153 = tpu.vector_load %arg9[%parallel_loop3A_151, %parallel_loop3A_152] {strides = array<i32>} : memref<2x4096xi32, #tpu.memory_space<vmem>>, vector<16xi32>,
        %parallel_loop3A_154 = arith.constant 1 : i32
        %parallel_loop3A_155 = arith.index_cast %parallel_loop3A_154 : i32 to index
        %parallel_loop3A_156 = arith.index_cast %parallel_loop3A_149 : i32 to index
        %parallel_loop3A_157 = tpu.vector_load %arg10[%parallel_loop3A_155, %parallel_loop3A_156] {strides = array<i32>} : memref<2x4096xi32, #tpu.memory_space<vmem>>, vector<16xi32>,
        %parallel_loop3A_158 = arith.constant 0 : i32
        %parallel_loop3A_159 = arith.constant 0 : i32
        %parallel_loop3A_160 = tpu.memref_slice %arg7[%parallel_loop3A_158, %parallel_loop3A_159] : memref<4x10240xf32, #tpu.memory_space<vmem>> -> memref<1x10240xf32, #tpu.memory_space<vmem>>
        %parallel_loop3A_161 = tpu.memref_squeeze %parallel_loop3A_160 : memref<1x10240xf32, #tpu.memory_space<vmem>> -> memref<10240xf32, #tpu.memory_space<vmem>>
        %parallel_loop3A_162 = tpu.vector_load_idx %parallel_loop3A_161[%parallel_loop3A_153] : memref<10240xf32, #tpu.memory_space<vmem>>[vector<16xi32>], vector<16xf32>,
        %parallel_loop3A_163 = arith.constant 0 : i32
        %parallel_loop3A_164 = arith.constant 0 : i32
        %parallel_loop3A_165 = tpu.memref_slice %arg8[%parallel_loop3A_163, %parallel_loop3A_164] : memref<4x10240xf32, #tpu.memory_space<vmem>> -> memref<1x10240xf32, #tpu.memory_space<vmem>>
        %parallel_loop3A_166 = tpu.memref_squeeze %parallel_loop3A_165 : memref<1x10240xf32, #tpu.memory_space<vmem>> -> memref<10240xf32, #tpu.memory_space<vmem>>
        tpu.vector_store_idx %parallel_loop3A_166[%parallel_loop3A_157], %parallel_loop3A_162 {add = true} : memref<10240xf32, #tpu.memory_space<vmem>>[vector<16xi32>], vector<16xf32>,
        %parallel_loop3A_167 = arith.constant 1 : i32
        %parallel_loop3A_168 = arith.constant 0 : i32
        %parallel_loop3A_169 = tpu.memref_slice %arg7[%parallel_loop3A_167, %parallel_loop3A_168] : memref<4x10240xf32, #tpu.memory_space<vmem>> -> memref<1x10240xf32, #tpu.memory_space<vmem>>
        %parallel_loop3A_170 = tpu.memref_squeeze %parallel_loop3A_169 : memref<1x10240xf32, #tpu.memory_space<vmem>> -> memref<10240xf32, #tpu.memory_space<vmem>>
        %parallel_loop3A_171 = tpu.vector_load_idx %parallel_loop3A_170[%parallel_loop3A_153] : memref<10240xf32, #tpu.memory_space<vmem>>[vector<16xi32>], vector<16xf32>,
        %parallel_loop3A_172 = arith.constant 1 : i32
        %parallel_loop3A_173 = arith.constant 0 : i32
        %parallel_loop3A_174 = tpu.memref_slice %arg8[%parallel_loop3A_172, %parallel_loop3A_173] : memref<4x10240xf32, #tpu.memory_space<vmem>> -> memref<1x10240xf32, #tpu.memory_space<vmem>>
        %parallel_loop3A_175 = tpu.memref_squeeze %parallel_loop3A_174 : memref<1x10240xf32, #tpu.memory_space<vmem>> -> memref<10240xf32, #tpu.memory_space<vmem>>
        tpu.vector_store_idx %parallel_loop3A_175[%parallel_loop3A_157], %parallel_loop3A_171 {add = true} : memref<10240xf32, #tpu.memory_space<vmem>>[vector<16xi32>], vector<16xf32>,
        %parallel_loop3A_176 = arith.constant 2 : i32
        %parallel_loop3A_177 = arith.constant 0 : i32
        %parallel_loop3A_178 = tpu.memref_slice %arg7[%parallel_loop3A_176, %parallel_loop3A_177] : memref<4x10240xf32, #tpu.memory_space<vmem>> -> memref<1x10240xf32, #tpu.memory_space<vmem>>
        %parallel_loop3A_179 = tpu.memref_squeeze %parallel_loop3A_178 : memref<1x10240xf32, #tpu.memory_space<vmem>> -> memref<10240xf32, #tpu.memory_space<vmem>>
        %parallel_loop3A_180 = tpu.vector_load_idx %parallel_loop3A_179[%parallel_loop3A_153] : memref<10240xf32, #tpu.memory_space<vmem>>[vector<16xi32>], vector<16xf32>,
        %parallel_loop3A_181 = arith.constant 2 : i32
        %parallel_loop3A_182 = arith.constant 0 : i32
        %parallel_loop3A_183 = tpu.memref_slice %arg8[%parallel_loop3A_181, %parallel_loop3A_182] : memref<4x10240xf32, #tpu.memory_space<vmem>> -> memref<1x10240xf32, #tpu.memory_space<vmem>>
        %parallel_loop3A_184 = tpu.memref_squeeze %parallel_loop3A_183 : memref<1x10240xf32, #tpu.memory_space<vmem>> -> memref<10240xf32, #tpu.memory_space<vmem>>
        tpu.vector_store_idx %parallel_loop3A_184[%parallel_loop3A_157], %parallel_loop3A_180 {add = true} : memref<10240xf32, #tpu.memory_space<vmem>>[vector<16xi32>], vector<16xf32>,
        %parallel_loop3A_185 = arith.constant 3 : i32
        %parallel_loop3A_186 = arith.constant 0 : i32
        %parallel_loop3A_187 = tpu.memref_slice %arg7[%parallel_loop3A_185, %parallel_loop3A_186] : memref<4x10240xf32, #tpu.memory_space<vmem>> -> memref<1x10240xf32, #tpu.memory_space<vmem>>
        %parallel_loop3A_188 = tpu.memref_squeeze %parallel_loop3A_187 : memref<1x10240xf32, #tpu.memory_space<vmem>> -> memref<10240xf32, #tpu.memory_space<vmem>>
        %parallel_loop3A_189 = tpu.vector_load_idx %parallel_loop3A_188[%parallel_loop3A_153] : memref<10240xf32, #tpu.memory_space<vmem>>[vector<16xi32>], vector<16xf32>,
        %parallel_loop3A_190 = arith.constant 3 : i32
        %parallel_loop3A_191 = arith.constant 0 : i32
        %parallel_loop3A_192 = tpu.memref_slice %arg8[%parallel_loop3A_190, %parallel_loop3A_191] : memref<4x10240xf32, #tpu.memory_space<vmem>> -> memref<1x10240xf32, #tpu.memory_space<vmem>>
        %parallel_loop3A_193 = tpu.memref_squeeze %parallel_loop3A_192 : memref<1x10240xf32, #tpu.memory_space<vmem>> -> memref<10240xf32, #tpu.memory_space<vmem>>
        tpu.vector_store_idx %parallel_loop3A_193[%parallel_loop3A_157], %parallel_loop3A_189 {add = true} : memref<10240xf32, #tpu.memory_space<vmem>>[vector<16xi32>], vector<16xf32>,
      } {sc.loop_unroll_factor = 4 : i64, sc.parallel_access}
      %scan3A_146 = arith.constant 0 : i32
      scf.yield %scan3A_146 : i32
    }
    %scan3A_74 = arith.constant 10 : i32
    %mul3A_75 = arith.constant 4 : i32
    %mul3A_76 = arith.muli %select_n3A_9, %mul3A_75 : i32
    "tpu.region"() ({
      %run_scoped3A = tpu.sem_alloc : memref<!tpu.dma_semaphore, #tpu.memory_space<semaphore_mem>>
      %dma_start3A_77 = arith.constant 0 : i32
      %dma_start3A_78 = tpu.memref_slice %arg6[%select_n3A_30, %mul3A_76, %dma_start3A_77] : memref<4x32x10240xf32, #tpu.memory_space<hbm>> -> memref<1x4x10240xf32, #tpu.memory_space<hbm>>
      %dma_start3A_79 = tpu.memref_squeeze %dma_start3A_78 : memref<1x4x10240xf32, #tpu.memory_space<hbm>> -> memref<4x10240xf32, #tpu.memory_space<hbm>>
      %dma_start3A_80 = arith.constant 0 : i32
      %dma_start3A_81 = tpu.memref_slice %arg6[%select_n3A_30, %mul3A_76, %dma_start3A_80] : memref<4x32x10240xf32, #tpu.memory_space<hbm>> -> memref<1x4x10240xf32, #tpu.memory_space<hbm>>
      %dma_start3A_82 = tpu.memref_squeeze %dma_start3A_81 : memref<1x4x10240xf32, #tpu.memory_space<hbm>> -> memref<4x10240xf32, #tpu.memory_space<hbm>>
      tpu.enqueue_dma source(%arg8 : memref<4x10240xf32, #tpu.memory_space<vmem>>) target(%dma_start3A_82 : memref<4x10240xf32, #tpu.memory_space<hbm>>) target_semaphore(%run_scoped3A : memref<!tpu.dma_semaphore, #tpu.memory_space<semaphore_mem>>)
      %dma_wait3A_83 = arith.constant 0 : i32
      %dma_wait3A_84 = tpu.memref_slice %arg6[%select_n3A_30, %mul3A_76, %dma_wait3A_83] : memref<4x32x10240xf32, #tpu.memory_space<hbm>> -> memref<1x4x10240xf32, #tpu.memory_space<hbm>>
      %dma_wait3A_85 = tpu.memref_squeeze %dma_wait3A_84 : memref<1x4x10240xf32, #tpu.memory_space<hbm>> -> memref<4x10240xf32, #tpu.memory_space<hbm>>
      %dma_wait3A_86 = arith.constant 0 : i32
      %dma_wait3A_87 = tpu.memref_slice %arg6[%select_n3A_30, %mul3A_76, %dma_wait3A_86] : memref<4x32x10240xf32, #tpu.memory_space<hbm>> -> memref<1x4x10240xf32, #tpu.memory_space<hbm>>
      %dma_wait3A_88 = tpu.memref_squeeze %dma_wait3A_87 : memref<1x4x10240xf32, #tpu.memory_space<hbm>> -> memref<4x10240xf32, #tpu.memory_space<hbm>>
      tpu.wait_dma2 semaphore(%run_scoped3A : memref<!tpu.dma_semaphore, #tpu.memory_space<semaphore_mem>>) src(%arg8 : memref<4x10240xf32, #tpu.memory_space<vmem>>) dst(%dma_wait3A_88 : memref<4x10240xf32, #tpu.memory_space<hbm>>)
      tpu.yield
    }) : () -> ()
    return
  }
}

#map = affine_map<(d0, d1) -> (0, 0)>
#map1 = affine_map<(d0, d1) -> (0)>
#map2 = affine_map<(d0, d1) -> (0, 0, 0)>
module attributes {stable_mosaic.version = 14 : i64} {
  func.func @k(%arg0: i32, %arg1: i32, %arg2: memref<64x10240xf32, #tpu.memory_space<hbm>>, %arg3: memref<327680xi32, #tpu.memory_space<hbm>>, %arg4: memref<327680xi32, #tpu.memory_space<hbm>>, %arg5: memref<327680xf32, #tpu.memory_space<hbm>>, %arg6: memref<2x64x10240xf32, #tpu.memory_space<hbm>>, %arg7: memref<4x10240xf32, #tpu.memory_space<vmem>>, %arg8: memref<4x10240xf32, #tpu.memory_space<vmem>>, %arg9: memref<2x4096xi32, #tpu.memory_space<vmem>>, %arg10: memref<2x4096xi32, #tpu.memory_space<vmem>>, %arg11: memref<2x4096xf32, #tpu.memory_space<vmem>>, %arg12: memref<!tpu.dma_semaphore, #tpu.memory_space<semaphore_mem>>, %arg13: memref<!tpu.dma_semaphore, #tpu.memory_space<semaphore_mem>>, %arg14: memref<!tpu.dma_semaphore, #tpu.memory_space<semaphore_mem>>) attributes {dimension_semantics = [#tpu.dimension_semantics<core_parallel>, #tpu.dimension_semantics<subcore_parallel>], iteration_bounds = array<i64: 2, 16>, scalar_prefetch = 0 : i64, scratch_operands = 8 : i64, tpu.core_type = #tpu.core_type<sc_vector_subcore>, window_params = [{transform_indices = #map}, {transform_indices = #map1}, {transform_indices = #map1}, {transform_indices = #map1}, {transform_indices = #map2}]} {
    %mul3A = arith.constant 2 : i32
    %mul3A_0 = arith.muli %arg1, %mul3A : i32
    %add3A = arith.addi %mul3A_0, %arg0 : i32
    %jit3A = arith.constant 16 : i32
    %eq3A = arith.constant 0 : i32
    %eq3A_1 = arith.cmpi eq, %jit3A, %eq3A : i32
    %jit3A_2 = arith.constant 1 : i32
    %select_n3A = arith.select %eq3A_1, %jit3A_2, %jit3A : i32
    %rem3A = arith.remsi %add3A, %select_n3A : i32
    %ne3A = arith.constant 0 : i32
    %ne3A_3 = arith.cmpi ne, %rem3A, %ne3A : i32
    %lt3A = arith.constant 0 : i32
    %lt3A_4 = arith.cmpi slt, %rem3A, %lt3A : i32
    %lt3A_5 = arith.constant 0 : i32
    %lt3A_6 = arith.cmpi slt, %select_n3A, %lt3A_5 : i32
    %ne3A_7 = arith.xori %lt3A_4, %lt3A_6 : i1
    %and3A = arith.andi %ne3A_7, %ne3A_3 : i1
    %add3A_8 = arith.addi %rem3A, %select_n3A : i32
    %select_n3A_9 = arith.select %and3A, %add3A_8, %rem3A : i32
    %jit3A_10 = arith.constant 16 : i32
    %div3A = arith.divsi %add3A, %jit3A_10 : i32
    %sign3A = arith.constant 0 : i32
    %sign3A_11 = arith.cmpi sgt, %add3A, %sign3A : i32
    %sign3A_12 = arith.extui %sign3A_11 : i1 to i32
    %sign3A_13 = arith.constant 0 : i32
    %sign3A_14 = arith.cmpi slt, %add3A, %sign3A_13 : i32
    %sign3A_15 = arith.extui %sign3A_14 : i1 to i32
    %sign3A_16 = arith.subi %sign3A_12, %sign3A_15 : i32
    %sign3A_17 = arith.constant 0 : i32
    %sign3A_18 = arith.cmpi sgt, %jit3A_10, %sign3A_17 : i32
    %sign3A_19 = arith.extui %sign3A_18 : i1 to i32
    %sign3A_20 = arith.constant 0 : i32
    %sign3A_21 = arith.cmpi slt, %jit3A_10, %sign3A_20 : i32
    %sign3A_22 = arith.extui %sign3A_21 : i1 to i32
    %sign3A_23 = arith.subi %sign3A_19, %sign3A_22 : i32
    %ne3A_24 = arith.cmpi ne, %sign3A_16, %sign3A_23 : i32
    %rem3A_25 = arith.remsi %add3A, %jit3A_10 : i32
    %ne3A_26 = arith.constant 0 : i32
    %ne3A_27 = arith.cmpi ne, %rem3A_25, %ne3A_26 : i32
    %and3A_28 = arith.andi %ne3A_24, %ne3A_27 : i1
    %sub3A = arith.constant 1 : i32
    %sub3A_29 = arith.subi %div3A, %sub3A : i32
    %select_n3A_30 = arith.select %and3A_28, %sub3A_29, %div3A : i32
    %mul3A_31 = arith.constant 163840 : i32
    %mul3A_32 = arith.muli %select_n3A_30, %mul3A_31 : i32
    %mul3A_33 = arith.constant 4 : i32
    %mul3A_34 = arith.muli %select_n3A_9, %mul3A_33 : i32
    %dma_start3A = arith.constant 0 : i32
    %dma_start3A_35 = tpu.memref_slice %arg2[%mul3A_34, %dma_start3A] : memref<64x10240xf32, #tpu.memory_space<hbm>> -> memref<4x10240xf32, #tpu.memory_space<hbm>>
    %dma_start3A_36 = arith.constant 0 : i32
    %dma_start3A_37 = tpu.memref_slice %arg2[%mul3A_34, %dma_start3A_36] : memref<64x10240xf32, #tpu.memory_space<hbm>> -> memref<4x10240xf32, #tpu.memory_space<hbm>>
    tpu.enqueue_dma source(%dma_start3A_37 : memref<4x10240xf32, #tpu.memory_space<hbm>>) target(%arg7 : memref<4x10240xf32, #tpu.memory_space<vmem>>) target_semaphore(%arg14 : memref<!tpu.dma_semaphore, #tpu.memory_space<semaphore_mem>>)
    %add3A_38 = arith.constant 0 : i32
    %add3A_39 = arith.addi %mul3A_32, %add3A_38 : i32
    %dma_start3A_40 = arith.constant 0 : i32
    %dma_start3A_41 = arith.constant 0 : i32
    %dma_start3A_42 = tpu.memref_slice %arg9[%dma_start3A_40, %dma_start3A_41] : memref<2x4096xi32, #tpu.memory_space<vmem>> -> memref<1x4096xi32, #tpu.memory_space<vmem>>
    %dma_start3A_43 = tpu.memref_squeeze %dma_start3A_42 : memref<1x4096xi32, #tpu.memory_space<vmem>> -> memref<4096xi32, #tpu.memory_space<vmem>>
    %dma_start3A_44 = tpu.memref_slice %arg3[%add3A_39] : memref<327680xi32, #tpu.memory_space<hbm>> -> memref<4096xi32, #tpu.memory_space<hbm>>
    %dma_start3A_45 = arith.constant 0 : i32
    %dma_start3A_46 = tpu.memref_slice %arg9[%dma_start3A_40, %dma_start3A_45] : memref<2x4096xi32, #tpu.memory_space<vmem>> -> memref<1x4096xi32, #tpu.memory_space<vmem>>
    %dma_start3A_47 = tpu.memref_squeeze %dma_start3A_46 : memref<1x4096xi32, #tpu.memory_space<vmem>> -> memref<4096xi32, #tpu.memory_space<vmem>>
    %dma_start3A_48 = tpu.memref_slice %arg3[%add3A_39] : memref<327680xi32, #tpu.memory_space<hbm>> -> memref<4096xi32, #tpu.memory_space<hbm>>
    tpu.enqueue_dma source(%dma_start3A_48 : memref<4096xi32, #tpu.memory_space<hbm>>) target(%dma_start3A_47 : memref<4096xi32, #tpu.memory_space<vmem>>) target_semaphore(%arg12 : memref<!tpu.dma_semaphore, #tpu.memory_space<semaphore_mem>>)
    %dma_start3A_49 = arith.constant 0 : i32
    %dma_start3A_50 = arith.constant 0 : i32
    %dma_start3A_51 = tpu.memref_slice %arg10[%dma_start3A_49, %dma_start3A_50] : memref<2x4096xi32, #tpu.memory_space<vmem>> -> memref<1x4096xi32, #tpu.memory_space<vmem>>
    %dma_start3A_52 = tpu.memref_squeeze %dma_start3A_51 : memref<1x4096xi32, #tpu.memory_space<vmem>> -> memref<4096xi32, #tpu.memory_space<vmem>>
    %dma_start3A_53 = tpu.memref_slice %arg4[%add3A_39] : memref<327680xi32, #tpu.memory_space<hbm>> -> memref<4096xi32, #tpu.memory_space<hbm>>
    %dma_start3A_54 = arith.constant 0 : i32
    %dma_start3A_55 = tpu.memref_slice %arg10[%dma_start3A_49, %dma_start3A_54] : memref<2x4096xi32, #tpu.memory_space<vmem>> -> memref<1x4096xi32, #tpu.memory_space<vmem>>
    %dma_start3A_56 = tpu.memref_squeeze %dma_start3A_55 : memref<1x4096xi32, #tpu.memory_space<vmem>> -> memref<4096xi32, #tpu.memory_space<vmem>>
    %dma_start3A_57 = tpu.memref_slice %arg4[%add3A_39] : memref<327680xi32, #tpu.memory_space<hbm>> -> memref<4096xi32, #tpu.memory_space<hbm>>
    tpu.enqueue_dma source(%dma_start3A_57 : memref<4096xi32, #tpu.memory_space<hbm>>) target(%dma_start3A_56 : memref<4096xi32, #tpu.memory_space<vmem>>) target_semaphore(%arg12 : memref<!tpu.dma_semaphore, #tpu.memory_space<semaphore_mem>>)
    %dma_start3A_58 = arith.constant 0 : i32
    %dma_start3A_59 = arith.constant 0 : i32
    %dma_start3A_60 = tpu.memref_slice %arg11[%dma_start3A_58, %dma_start3A_59] : memref<2x4096xf32, #tpu.memory_space<vmem>> -> memref<1x4096xf32, #tpu.memory_space<vmem>>
    %dma_start3A_61 = tpu.memref_squeeze %dma_start3A_60 : memref<1x4096xf32, #tpu.memory_space<vmem>> -> memref<4096xf32, #tpu.memory_space<vmem>>
    %dma_start3A_62 = tpu.memref_slice %arg5[%add3A_39] : memref<327680xf32, #tpu.memory_space<hbm>> -> memref<4096xf32, #tpu.memory_space<hbm>>
    %dma_start3A_63 = arith.constant 0 : i32
    %dma_start3A_64 = tpu.memref_slice %arg11[%dma_start3A_58, %dma_start3A_63] : memref<2x4096xf32, #tpu.memory_space<vmem>> -> memref<1x4096xf32, #tpu.memory_space<vmem>>
    %dma_start3A_65 = tpu.memref_squeeze %dma_start3A_64 : memref<1x4096xf32, #tpu.memory_space<vmem>> -> memref<4096xf32, #tpu.memory_space<vmem>>
    %dma_start3A_66 = tpu.memref_slice %arg5[%add3A_39] : memref<327680xf32, #tpu.memory_space<hbm>> -> memref<4096xf32, #tpu.memory_space<hbm>>
    tpu.enqueue_dma source(%dma_start3A_66 : memref<4096xf32, #tpu.memory_space<hbm>>) target(%dma_start3A_65 : memref<4096xf32, #tpu.memory_space<vmem>>) target_semaphore(%arg12 : memref<!tpu.dma_semaphore, #tpu.memory_space<semaphore_mem>>)
    %broadcast_in_dim3A = arith.constant 0.000000e+00 : f32
    %broadcast_in_dim3A_67 = vector.broadcast %broadcast_in_dim3A : f32 to vector<16xf32>
    %scan3A = arith.constant 0 : i32
    %scan3A_68 = arith.constant 0 : i32
    %scan3A_69 = arith.constant 640 : i32
    %scan3A_70 = arith.addi %scan3A_68, %scan3A_69 : i32
    %scan3A_71 = arith.constant 1 : i32
    %scan3A_72 = scf.for %scan3A_86 = %scan3A_68 to %scan3A_70 step %scan3A_71 iter_args(%scan3A_87 = %scan3A) -> (i32)  : i32 {
      %mul3A_88 = arith.constant 16 : i32
      %mul3A_89 = arith.muli %scan3A_86, %mul3A_88 : i32
      %swap3A = arith.constant 0 : i32
      %swap3A_90 = arith.index_cast %swap3A : i32 to index
      %swap3A_91 = arith.index_cast %mul3A_89 : i32 to index
      %swap3A_92 = tpu.vector_load %arg8[%swap3A_90, %swap3A_91] {strides = array<i32>} : memref<4x10240xf32, #tpu.memory_space<vmem>>, vector<16xf32>,
      tpu.vector_store %arg8[%swap3A_90, %swap3A_91], %broadcast_in_dim3A_67 {strides = array<i32>} : memref<4x10240xf32, #tpu.memory_space<vmem>>, vector<16xf32>,
      %mul3A_93 = arith.constant 16 : i32
      %mul3A_94 = arith.muli %scan3A_86, %mul3A_93 : i32
      %swap3A_95 = arith.constant 1 : i32
      %swap3A_96 = arith.index_cast %swap3A_95 : i32 to index
      %swap3A_97 = arith.index_cast %mul3A_94 : i32 to index
      %swap3A_98 = tpu.vector_load %arg8[%swap3A_96, %swap3A_97] {strides = array<i32>} : memref<4x10240xf32, #tpu.memory_space<vmem>>, vector<16xf32>,
      tpu.vector_store %arg8[%swap3A_96, %swap3A_97], %broadcast_in_dim3A_67 {strides = array<i32>} : memref<4x10240xf32, #tpu.memory_space<vmem>>, vector<16xf32>,
      %mul3A_99 = arith.constant 16 : i32
      %mul3A_100 = arith.muli %scan3A_86, %mul3A_99 : i32
      %swap3A_101 = arith.constant 2 : i32
      %swap3A_102 = arith.index_cast %swap3A_101 : i32 to index
      %swap3A_103 = arith.index_cast %mul3A_100 : i32 to index
      %swap3A_104 = tpu.vector_load %arg8[%swap3A_102, %swap3A_103] {strides = array<i32>} : memref<4x10240xf32, #tpu.memory_space<vmem>>, vector<16xf32>,
      tpu.vector_store %arg8[%swap3A_102, %swap3A_103], %broadcast_in_dim3A_67 {strides = array<i32>} : memref<4x10240xf32, #tpu.memory_space<vmem>>, vector<16xf32>,
      %mul3A_105 = arith.constant 16 : i32
      %mul3A_106 = arith.muli %scan3A_86, %mul3A_105 : i32
      %swap3A_107 = arith.constant 3 : i32
      %swap3A_108 = arith.index_cast %swap3A_107 : i32 to index
      %swap3A_109 = arith.index_cast %mul3A_106 : i32 to index
      %swap3A_110 = tpu.vector_load %arg8[%swap3A_108, %swap3A_109] {strides = array<i32>} : memref<4x10240xf32, #tpu.memory_space<vmem>>, vector<16xf32>,
      tpu.vector_store %arg8[%swap3A_108, %swap3A_109], %broadcast_in_dim3A_67 {strides = array<i32>} : memref<4x10240xf32, #tpu.memory_space<vmem>>, vector<16xf32>,
      %scan3A_111 = arith.constant 0 : i32
      scf.yield %scan3A_111 : i32
    }
    %scan3A_73 = arith.constant 640 : i32
    %dma_wait3A = arith.constant 0 : i32
    %dma_wait3A_74 = tpu.memref_slice %arg2[%mul3A_34, %dma_wait3A] : memref<64x10240xf32, #tpu.memory_space<hbm>> -> memref<4x10240xf32, #tpu.memory_space<hbm>>
    %dma_wait3A_75 = arith.constant 0 : i32
    %dma_wait3A_76 = tpu.memref_slice %arg2[%mul3A_34, %dma_wait3A_75] : memref<64x10240xf32, #tpu.memory_space<hbm>> -> memref<4x10240xf32, #tpu.memory_space<hbm>>
    tpu.wait_dma2 semaphore(%arg14 : memref<!tpu.dma_semaphore, #tpu.memory_space<semaphore_mem>>) src(%dma_wait3A_76 : memref<4x10240xf32, #tpu.memory_space<hbm>>) dst(%arg7 : memref<4x10240xf32, #tpu.memory_space<vmem>>)
    %scan3A_77 = arith.constant 0 : i32
    %scan3A_78 = arith.constant 0 : i32
    %scan3A_79 = arith.constant 20 : i32
    %scan3A_80 = arith.addi %scan3A_78, %scan3A_79 : i32
    %scan3A_81 = arith.constant 1 : i32
    %scan3A_82 = scf.for %scan3A_86 = %scan3A_78 to %scan3A_80 step %scan3A_81 iter_args(%scan3A_87 = %scan3A_77) -> (i32)  : i32 {
      %mul3A_88 = arith.constant 2 : i32
      %mul3A_89 = arith.muli %scan3A_86, %mul3A_88 : i32
      %dma_wait3A_90 = arith.constant 0 : i32
      %dma_wait3A_91 = arith.constant 0 : i32
      %dma_wait3A_92 = tpu.memref_slice %arg9[%dma_wait3A_90, %dma_wait3A_91] : memref<2x4096xi32, #tpu.memory_space<vmem>> -> memref<1x4096xi32, #tpu.memory_space<vmem>>
      %dma_wait3A_93 = tpu.memref_squeeze %dma_wait3A_92 : memref<1x4096xi32, #tpu.memory_space<vmem>> -> memref<4096xi32, #tpu.memory_space<vmem>>
      %dma_wait3A_94 = arith.constant 0 : i32
      %dma_wait3A_95 = tpu.memref_slice %arg3[%dma_wait3A_94] : memref<327680xi32, #tpu.memory_space<hbm>> -> memref<4096xi32, #tpu.memory_space<hbm>>
      %dma_wait3A_96 = arith.constant 0 : i32
      %dma_wait3A_97 = tpu.memref_slice %arg9[%dma_wait3A_90, %dma_wait3A_96] : memref<2x4096xi32, #tpu.memory_space<vmem>> -> memref<1x4096xi32, #tpu.memory_space<vmem>>
      %dma_wait3A_98 = tpu.memref_squeeze %dma_wait3A_97 : memref<1x4096xi32, #tpu.memory_space<vmem>> -> memref<4096xi32, #tpu.memory_space<vmem>>
      %dma_wait3A_99 = arith.constant 0 : i32
      %dma_wait3A_100 = tpu.memref_slice %arg3[%dma_wait3A_99] : memref<327680xi32, #tpu.memory_space<hbm>> -> memref<4096xi32, #tpu.memory_space<hbm>>
      tpu.wait_dma2 semaphore(%arg12 : memref<!tpu.dma_semaphore, #tpu.memory_space<semaphore_mem>>) src(%dma_wait3A_100 : memref<4096xi32, #tpu.memory_space<hbm>>) dst(%dma_wait3A_98 : memref<4096xi32, #tpu.memory_space<vmem>>)
      %dma_wait3A_101 = arith.constant 0 : i32
      %dma_wait3A_102 = arith.constant 0 : i32
      %dma_wait3A_103 = tpu.memref_slice %arg10[%dma_wait3A_101, %dma_wait3A_102] : memref<2x4096xi32, #tpu.memory_space<vmem>> -> memref<1x4096xi32, #tpu.memory_space<vmem>>
      %dma_wait3A_104 = tpu.memref_squeeze %dma_wait3A_103 : memref<1x4096xi32, #tpu.memory_space<vmem>> -> memref<4096xi32, #tpu.memory_space<vmem>>
      %dma_wait3A_105 = arith.constant 0 : i32
      %dma_wait3A_106 = tpu.memref_slice %arg4[%dma_wait3A_105] : memref<327680xi32, #tpu.memory_space<hbm>> -> memref<4096xi32, #tpu.memory_space<hbm>>
      %dma_wait3A_107 = arith.constant 0 : i32
      %dma_wait3A_108 = tpu.memref_slice %arg10[%dma_wait3A_101, %dma_wait3A_107] : memref<2x4096xi32, #tpu.memory_space<vmem>> -> memref<1x4096xi32, #tpu.memory_space<vmem>>
      %dma_wait3A_109 = tpu.memref_squeeze %dma_wait3A_108 : memref<1x4096xi32, #tpu.memory_space<vmem>> -> memref<4096xi32, #tpu.memory_space<vmem>>
      %dma_wait3A_110 = arith.constant 0 : i32
      %dma_wait3A_111 = tpu.memref_slice %arg4[%dma_wait3A_110] : memref<327680xi32, #tpu.memory_space<hbm>> -> memref<4096xi32, #tpu.memory_space<hbm>>
      tpu.wait_dma2 semaphore(%arg12 : memref<!tpu.dma_semaphore, #tpu.memory_space<semaphore_mem>>) src(%dma_wait3A_111 : memref<4096xi32, #tpu.memory_space<hbm>>) dst(%dma_wait3A_109 : memref<4096xi32, #tpu.memory_space<vmem>>)
      %dma_wait3A_112 = arith.constant 0 : i32
      %dma_wait3A_113 = arith.constant 0 : i32
      %dma_wait3A_114 = tpu.memref_slice %arg11[%dma_wait3A_112, %dma_wait3A_113] : memref<2x4096xf32, #tpu.memory_space<vmem>> -> memref<1x4096xf32, #tpu.memory_space<vmem>>
      %dma_wait3A_115 = tpu.memref_squeeze %dma_wait3A_114 : memref<1x4096xf32, #tpu.memory_space<vmem>> -> memref<4096xf32, #tpu.memory_space<vmem>>
      %dma_wait3A_116 = arith.constant 0 : i32
      %dma_wait3A_117 = tpu.memref_slice %arg5[%dma_wait3A_116] : memref<327680xf32, #tpu.memory_space<hbm>> -> memref<4096xf32, #tpu.memory_space<hbm>>
      %dma_wait3A_118 = arith.constant 0 : i32
      %dma_wait3A_119 = tpu.memref_slice %arg11[%dma_wait3A_112, %dma_wait3A_118] : memref<2x4096xf32, #tpu.memory_space<vmem>> -> memref<1x4096xf32, #tpu.memory_space<vmem>>
      %dma_wait3A_120 = tpu.memref_squeeze %dma_wait3A_119 : memref<1x4096xf32, #tpu.memory_space<vmem>> -> memref<4096xf32, #tpu.memory_space<vmem>>
      %dma_wait3A_121 = arith.constant 0 : i32
      %dma_wait3A_122 = tpu.memref_slice %arg5[%dma_wait3A_121] : memref<327680xf32, #tpu.memory_space<hbm>> -> memref<4096xf32, #tpu.memory_space<hbm>>
      tpu.wait_dma2 semaphore(%arg12 : memref<!tpu.dma_semaphore, #tpu.memory_space<semaphore_mem>>) src(%dma_wait3A_122 : memref<4096xf32, #tpu.memory_space<hbm>>) dst(%dma_wait3A_120 : memref<4096xf32, #tpu.memory_space<vmem>>)
      %add3A_123 = arith.constant 1 : i32
      %add3A_124 = arith.addi %mul3A_89, %add3A_123 : i32
      %lt3A_125 = arith.constant 40 : i32
      %lt3A_126 = arith.cmpi slt, %add3A_124, %lt3A_125 : i32
      %convert_element_type3A = arith.extui %lt3A_126 : i1 to i32
      %cond3A = arith.constant 0 : i32
      %cond3A_127 = arith.cmpi ne, %convert_element_type3A, %cond3A : i32
      scf.if %cond3A_127 {
        %add3A_178 = arith.constant 1 : i32
        %add3A_179 = arith.addi %mul3A_89, %add3A_178 : i32
        %mul3A_180 = arith.constant 4096 : i32
        %mul3A_181 = arith.muli %add3A_179, %mul3A_180 : i32
        %add3A_182 = arith.addi %mul3A_32, %mul3A_181 : i32
        %dma_start3A_183 = arith.constant 1 : i32
        %dma_start3A_184 = arith.constant 0 : i32
        %dma_start3A_185 = tpu.memref_slice %arg9[%dma_start3A_183, %dma_start3A_184] : memref<2x4096xi32, #tpu.memory_space<vmem>> -> memref<1x4096xi32, #tpu.memory_space<vmem>>
        %dma_start3A_186 = tpu.memref_squeeze %dma_start3A_185 : memref<1x4096xi32, #tpu.memory_space<vmem>> -> memref<4096xi32, #tpu.memory_space<vmem>>
        %dma_start3A_187 = tpu.memref_slice %arg3[%add3A_182] : memref<327680xi32, #tpu.memory_space<hbm>> -> memref<4096xi32, #tpu.memory_space<hbm>>
        %dma_start3A_188 = arith.constant 0 : i32
        %dma_start3A_189 = tpu.memref_slice %arg9[%dma_start3A_183, %dma_start3A_188] : memref<2x4096xi32, #tpu.memory_space<vmem>> -> memref<1x4096xi32, #tpu.memory_space<vmem>>
        %dma_start3A_190 = tpu.memref_squeeze %dma_start3A_189 : memref<1x4096xi32, #tpu.memory_space<vmem>> -> memref<4096xi32, #tpu.memory_space<vmem>>
        %dma_start3A_191 = tpu.memref_slice %arg3[%add3A_182] : memref<327680xi32, #tpu.memory_space<hbm>> -> memref<4096xi32, #tpu.memory_space<hbm>>
        tpu.enqueue_dma source(%dma_start3A_191 : memref<4096xi32, #tpu.memory_space<hbm>>) target(%dma_start3A_190 : memref<4096xi32, #tpu.memory_space<vmem>>) target_semaphore(%arg13 : memref<!tpu.dma_semaphore, #tpu.memory_space<semaphore_mem>>)
        %dma_start3A_192 = arith.constant 1 : i32
        %dma_start3A_193 = arith.constant 0 : i32
        %dma_start3A_194 = tpu.memref_slice %arg10[%dma_start3A_192, %dma_start3A_193] : memref<2x4096xi32, #tpu.memory_space<vmem>> -> memref<1x4096xi32, #tpu.memory_space<vmem>>
        %dma_start3A_195 = tpu.memref_squeeze %dma_start3A_194 : memref<1x4096xi32, #tpu.memory_space<vmem>> -> memref<4096xi32, #tpu.memory_space<vmem>>
        %dma_start3A_196 = tpu.memref_slice %arg4[%add3A_182] : memref<327680xi32, #tpu.memory_space<hbm>> -> memref<4096xi32, #tpu.memory_space<hbm>>
        %dma_start3A_197 = arith.constant 0 : i32
        %dma_start3A_198 = tpu.memref_slice %arg10[%dma_start3A_192, %dma_start3A_197] : memref<2x4096xi32, #tpu.memory_space<vmem>> -> memref<1x4096xi32, #tpu.memory_space<vmem>>
        %dma_start3A_199 = tpu.memref_squeeze %dma_start3A_198 : memref<1x4096xi32, #tpu.memory_space<vmem>> -> memref<4096xi32, #tpu.memory_space<vmem>>
        %dma_start3A_200 = tpu.memref_slice %arg4[%add3A_182] : memref<327680xi32, #tpu.memory_space<hbm>> -> memref<4096xi32, #tpu.memory_space<hbm>>
        tpu.enqueue_dma source(%dma_start3A_200 : memref<4096xi32, #tpu.memory_space<hbm>>) target(%dma_start3A_199 : memref<4096xi32, #tpu.memory_space<vmem>>) target_semaphore(%arg13 : memref<!tpu.dma_semaphore, #tpu.memory_space<semaphore_mem>>)
        %dma_start3A_201 = arith.constant 1 : i32
        %dma_start3A_202 = arith.constant 0 : i32
        %dma_start3A_203 = tpu.memref_slice %arg11[%dma_start3A_201, %dma_start3A_202] : memref<2x4096xf32, #tpu.memory_space<vmem>> -> memref<1x4096xf32, #tpu.memory_space<vmem>>
        %dma_start3A_204 = tpu.memref_squeeze %dma_start3A_203 : memref<1x4096xf32, #tpu.memory_space<vmem>> -> memref<4096xf32, #tpu.memory_space<vmem>>
        %dma_start3A_205 = tpu.memref_slice %arg5[%add3A_182] : memref<327680xf32, #tpu.memory_space<hbm>> -> memref<4096xf32, #tpu.memory_space<hbm>>
        %dma_start3A_206 = arith.constant 0 : i32
        %dma_start3A_207 = tpu.memref_slice %arg11[%dma_start3A_201, %dma_start3A_206] : memref<2x4096xf32, #tpu.memory_space<vmem>> -> memref<1x4096xf32, #tpu.memory_space<vmem>>
        %dma_start3A_208 = tpu.memref_squeeze %dma_start3A_207 : memref<1x4096xf32, #tpu.memory_space<vmem>> -> memref<4096xf32, #tpu.memory_space<vmem>>
        %dma_start3A_209 = tpu.memref_slice %arg5[%add3A_182] : memref<327680xf32, #tpu.memory_space<hbm>> -> memref<4096xf32, #tpu.memory_space<hbm>>
        tpu.enqueue_dma source(%dma_start3A_209 : memref<4096xf32, #tpu.memory_space<hbm>>) target(%dma_start3A_208 : memref<4096xf32, #tpu.memory_space<vmem>>) target_semaphore(%arg13 : memref<!tpu.dma_semaphore, #tpu.memory_space<semaphore_mem>>)
      } else {
      }
      %parallel_loop3A = arith.constant 0 : i32
      %parallel_loop3A_128 = arith.constant 256 : i32
      %parallel_loop3A_129 = arith.constant 1 : i32
      scf.for %parallel_loop3A_178 = %parallel_loop3A to %parallel_loop3A_128 step %parallel_loop3A_129  : i32 {
        %parallel_loop3A_179 = arith.constant 16 : i32
        %parallel_loop3A_180 = arith.muli %parallel_loop3A_178, %parallel_loop3A_179 : i32
        %parallel_loop3A_181 = arith.constant 0 : i32
        %parallel_loop3A_182 = arith.index_cast %parallel_loop3A_181 : i32 to index
        %parallel_loop3A_183 = arith.index_cast %parallel_loop3A_180 : i32 to index
        %parallel_loop3A_184 = tpu.vector_load %arg9[%parallel_loop3A_182, %parallel_loop3A_183] {strides = array<i32>} : memref<2x4096xi32, #tpu.memory_space<vmem>>, vector<16xi32>,
        %parallel_loop3A_185 = arith.constant 0 : i32
        %parallel_loop3A_186 = arith.index_cast %parallel_loop3A_185 : i32 to index
        %parallel_loop3A_187 = arith.index_cast %parallel_loop3A_180 : i32 to index
        %parallel_loop3A_188 = tpu.vector_load %arg10[%parallel_loop3A_186, %parallel_loop3A_187] {strides = array<i32>} : memref<2x4096xi32, #tpu.memory_space<vmem>>, vector<16xi32>,
        %parallel_loop3A_189 = arith.constant 0 : i32
        %parallel_loop3A_190 = arith.index_cast %parallel_loop3A_189 : i32 to index
        %parallel_loop3A_191 = arith.index_cast %parallel_loop3A_180 : i32 to index
        %parallel_loop3A_192 = tpu.vector_load %arg11[%parallel_loop3A_190, %parallel_loop3A_191] {strides = array<i32>} : memref<2x4096xf32, #tpu.memory_space<vmem>>, vector<16xf32>,
        %parallel_loop3A_193 = arith.constant 0 : i32
        %parallel_loop3A_194 = arith.constant 0 : i32
        %parallel_loop3A_195 = tpu.memref_slice %arg7[%parallel_loop3A_193, %parallel_loop3A_194] : memref<4x10240xf32, #tpu.memory_space<vmem>> -> memref<1x10240xf32, #tpu.memory_space<vmem>>
        %parallel_loop3A_196 = tpu.memref_squeeze %parallel_loop3A_195 : memref<1x10240xf32, #tpu.memory_space<vmem>> -> memref<10240xf32, #tpu.memory_space<vmem>>
        %parallel_loop3A_197 = tpu.vector_load_idx %parallel_loop3A_196[%parallel_loop3A_184] : memref<10240xf32, #tpu.memory_space<vmem>>[vector<16xi32>], vector<16xf32>,
        %parallel_loop3A_198 = arith.mulf %parallel_loop3A_197, %parallel_loop3A_192 : vector<16xf32>
        %parallel_loop3A_199 = arith.constant 0 : i32
        %parallel_loop3A_200 = arith.constant 0 : i32
        %parallel_loop3A_201 = tpu.memref_slice %arg8[%parallel_loop3A_199, %parallel_loop3A_200] : memref<4x10240xf32, #tpu.memory_space<vmem>> -> memref<1x10240xf32, #tpu.memory_space<vmem>>
        %parallel_loop3A_202 = tpu.memref_squeeze %parallel_loop3A_201 : memref<1x10240xf32, #tpu.memory_space<vmem>> -> memref<10240xf32, #tpu.memory_space<vmem>>
        tpu.vector_store_idx %parallel_loop3A_202[%parallel_loop3A_188], %parallel_loop3A_198 {add = true} : memref<10240xf32, #tpu.memory_space<vmem>>[vector<16xi32>], vector<16xf32>,
        %parallel_loop3A_203 = arith.constant 1 : i32
        %parallel_loop3A_204 = arith.constant 0 : i32
        %parallel_loop3A_205 = tpu.memref_slice %arg7[%parallel_loop3A_203, %parallel_loop3A_204] : memref<4x10240xf32, #tpu.memory_space<vmem>> -> memref<1x10240xf32, #tpu.memory_space<vmem>>
        %parallel_loop3A_206 = tpu.memref_squeeze %parallel_loop3A_205 : memref<1x10240xf32, #tpu.memory_space<vmem>> -> memref<10240xf32, #tpu.memory_space<vmem>>
        %parallel_loop3A_207 = tpu.vector_load_idx %parallel_loop3A_206[%parallel_loop3A_184] : memref<10240xf32, #tpu.memory_space<vmem>>[vector<16xi32>], vector<16xf32>,
        %parallel_loop3A_208 = arith.mulf %parallel_loop3A_207, %parallel_loop3A_192 : vector<16xf32>
        %parallel_loop3A_209 = arith.constant 1 : i32
        %parallel_loop3A_210 = arith.constant 0 : i32
        %parallel_loop3A_211 = tpu.memref_slice %arg8[%parallel_loop3A_209, %parallel_loop3A_210] : memref<4x10240xf32, #tpu.memory_space<vmem>> -> memref<1x10240xf32, #tpu.memory_space<vmem>>
        %parallel_loop3A_212 = tpu.memref_squeeze %parallel_loop3A_211 : memref<1x10240xf32, #tpu.memory_space<vmem>> -> memref<10240xf32, #tpu.memory_space<vmem>>
        tpu.vector_store_idx %parallel_loop3A_212[%parallel_loop3A_188], %parallel_loop3A_208 {add = true} : memref<10240xf32, #tpu.memory_space<vmem>>[vector<16xi32>], vector<16xf32>,
        %parallel_loop3A_213 = arith.constant 2 : i32
        %parallel_loop3A_214 = arith.constant 0 : i32
        %parallel_loop3A_215 = tpu.memref_slice %arg7[%parallel_loop3A_213, %parallel_loop3A_214] : memref<4x10240xf32, #tpu.memory_space<vmem>> -> memref<1x10240xf32, #tpu.memory_space<vmem>>
        %parallel_loop3A_216 = tpu.memref_squeeze %parallel_loop3A_215 : memref<1x10240xf32, #tpu.memory_space<vmem>> -> memref<10240xf32, #tpu.memory_space<vmem>>
        %parallel_loop3A_217 = tpu.vector_load_idx %parallel_loop3A_216[%parallel_loop3A_184] : memref<10240xf32, #tpu.memory_space<vmem>>[vector<16xi32>], vector<16xf32>,
        %parallel_loop3A_218 = arith.mulf %parallel_loop3A_217, %parallel_loop3A_192 : vector<16xf32>
        %parallel_loop3A_219 = arith.constant 2 : i32
        %parallel_loop3A_220 = arith.constant 0 : i32
        %parallel_loop3A_221 = tpu.memref_slice %arg8[%parallel_loop3A_219, %parallel_loop3A_220] : memref<4x10240xf32, #tpu.memory_space<vmem>> -> memref<1x10240xf32, #tpu.memory_space<vmem>>
        %parallel_loop3A_222 = tpu.memref_squeeze %parallel_loop3A_221 : memref<1x10240xf32, #tpu.memory_space<vmem>> -> memref<10240xf32, #tpu.memory_space<vmem>>
        tpu.vector_store_idx %parallel_loop3A_222[%parallel_loop3A_188], %parallel_loop3A_218 {add = true} : memref<10240xf32, #tpu.memory_space<vmem>>[vector<16xi32>], vector<16xf32>,
        %parallel_loop3A_223 = arith.constant 3 : i32
        %parallel_loop3A_224 = arith.constant 0 : i32
        %parallel_loop3A_225 = tpu.memref_slice %arg7[%parallel_loop3A_223, %parallel_loop3A_224] : memref<4x10240xf32, #tpu.memory_space<vmem>> -> memref<1x10240xf32, #tpu.memory_space<vmem>>
        %parallel_loop3A_226 = tpu.memref_squeeze %parallel_loop3A_225 : memref<1x10240xf32, #tpu.memory_space<vmem>> -> memref<10240xf32, #tpu.memory_space<vmem>>
        %parallel_loop3A_227 = tpu.vector_load_idx %parallel_loop3A_226[%parallel_loop3A_184] : memref<10240xf32, #tpu.memory_space<vmem>>[vector<16xi32>], vector<16xf32>,
        %parallel_loop3A_228 = arith.mulf %parallel_loop3A_227, %parallel_loop3A_192 : vector<16xf32>
        %parallel_loop3A_229 = arith.constant 3 : i32
        %parallel_loop3A_230 = arith.constant 0 : i32
        %parallel_loop3A_231 = tpu.memref_slice %arg8[%parallel_loop3A_229, %parallel_loop3A_230] : memref<4x10240xf32, #tpu.memory_space<vmem>> -> memref<1x10240xf32, #tpu.memory_space<vmem>>
        %parallel_loop3A_232 = tpu.memref_squeeze %parallel_loop3A_231 : memref<1x10240xf32, #tpu.memory_space<vmem>> -> memref<10240xf32, #tpu.memory_space<vmem>>
        tpu.vector_store_idx %parallel_loop3A_232[%parallel_loop3A_188], %parallel_loop3A_228 {add = true} : memref<10240xf32, #tpu.memory_space<vmem>>[vector<16xi32>], vector<16xf32>,
      } {sc.loop_unroll_factor = 4 : i64, sc.parallel_access}
      %mul3A_130 = arith.constant 2 : i32
      %mul3A_131 = arith.muli %scan3A_86, %mul3A_130 : i32
      %add3A_132 = arith.constant 1 : i32
      %add3A_133 = arith.addi %mul3A_131, %add3A_132 : i32
      %dma_wait3A_134 = arith.constant 1 : i32
      %dma_wait3A_135 = arith.constant 0 : i32
      %dma_wait3A_136 = tpu.memref_slice %arg9[%dma_wait3A_134, %dma_wait3A_135] : memref<2x4096xi32, #tpu.memory_space<vmem>> -> memref<1x4096xi32, #tpu.memory_space<vmem>>
      %dma_wait3A_137 = tpu.memref_squeeze %dma_wait3A_136 : memref<1x4096xi32, #tpu.memory_space<vmem>> -> memref<4096xi32, #tpu.memory_space<vmem>>
      %dma_wait3A_138 = arith.constant 0 : i32
      %dma_wait3A_139 = tpu.memref_slice %arg3[%dma_wait3A_138] : memref<327680xi32, #tpu.memory_space<hbm>> -> memref<4096xi32, #tpu.memory_space<hbm>>
      %dma_wait3A_140 = arith.constant 0 : i32
      %dma_wait3A_141 = tpu.memref_slice %arg9[%dma_wait3A_134, %dma_wait3A_140] : memref<2x4096xi32, #tpu.memory_space<vmem>> -> memref<1x4096xi32, #tpu.memory_space<vmem>>
      %dma_wait3A_142 = tpu.memref_squeeze %dma_wait3A_141 : memref<1x4096xi32, #tpu.memory_space<vmem>> -> memref<4096xi32, #tpu.memory_space<vmem>>
      %dma_wait3A_143 = arith.constant 0 : i32
      %dma_wait3A_144 = tpu.memref_slice %arg3[%dma_wait3A_143] : memref<327680xi32, #tpu.memory_space<hbm>> -> memref<4096xi32, #tpu.memory_space<hbm>>
      tpu.wait_dma2 semaphore(%arg13 : memref<!tpu.dma_semaphore, #tpu.memory_space<semaphore_mem>>) src(%dma_wait3A_144 : memref<4096xi32, #tpu.memory_space<hbm>>) dst(%dma_wait3A_142 : memref<4096xi32, #tpu.memory_space<vmem>>)
      %dma_wait3A_145 = arith.constant 1 : i32
      %dma_wait3A_146 = arith.constant 0 : i32
      %dma_wait3A_147 = tpu.memref_slice %arg10[%dma_wait3A_145, %dma_wait3A_146] : memref<2x4096xi32, #tpu.memory_space<vmem>> -> memref<1x4096xi32, #tpu.memory_space<vmem>>
      %dma_wait3A_148 = tpu.memref_squeeze %dma_wait3A_147 : memref<1x4096xi32, #tpu.memory_space<vmem>> -> memref<4096xi32, #tpu.memory_space<vmem>>
      %dma_wait3A_149 = arith.constant 0 : i32
      %dma_wait3A_150 = tpu.memref_slice %arg4[%dma_wait3A_149] : memref<327680xi32, #tpu.memory_space<hbm>> -> memref<4096xi32, #tpu.memory_space<hbm>>
      %dma_wait3A_151 = arith.constant 0 : i32
      %dma_wait3A_152 = tpu.memref_slice %arg10[%dma_wait3A_145, %dma_wait3A_151] : memref<2x4096xi32, #tpu.memory_space<vmem>> -> memref<1x4096xi32, #tpu.memory_space<vmem>>
      %dma_wait3A_153 = tpu.memref_squeeze %dma_wait3A_152 : memref<1x4096xi32, #tpu.memory_space<vmem>> -> memref<4096xi32, #tpu.memory_space<vmem>>
      %dma_wait3A_154 = arith.constant 0 : i32
      %dma_wait3A_155 = tpu.memref_slice %arg4[%dma_wait3A_154] : memref<327680xi32, #tpu.memory_space<hbm>> -> memref<4096xi32, #tpu.memory_space<hbm>>
      tpu.wait_dma2 semaphore(%arg13 : memref<!tpu.dma_semaphore, #tpu.memory_space<semaphore_mem>>) src(%dma_wait3A_155 : memref<4096xi32, #tpu.memory_space<hbm>>) dst(%dma_wait3A_153 : memref<4096xi32, #tpu.memory_space<vmem>>)
      %dma_wait3A_156 = arith.constant 1 : i32
      %dma_wait3A_157 = arith.constant 0 : i32
      %dma_wait3A_158 = tpu.memref_slice %arg11[%dma_wait3A_156, %dma_wait3A_157] : memref<2x4096xf32, #tpu.memory_space<vmem>> -> memref<1x4096xf32, #tpu.memory_space<vmem>>
      %dma_wait3A_159 = tpu.memref_squeeze %dma_wait3A_158 : memref<1x4096xf32, #tpu.memory_space<vmem>> -> memref<4096xf32, #tpu.memory_space<vmem>>
      %dma_wait3A_160 = arith.constant 0 : i32
      %dma_wait3A_161 = tpu.memref_slice %arg5[%dma_wait3A_160] : memref<327680xf32, #tpu.memory_space<hbm>> -> memref<4096xf32, #tpu.memory_space<hbm>>
      %dma_wait3A_162 = arith.constant 0 : i32
      %dma_wait3A_163 = tpu.memref_slice %arg11[%dma_wait3A_156, %dma_wait3A_162] : memref<2x4096xf32, #tpu.memory_space<vmem>> -> memref<1x4096xf32, #tpu.memory_space<vmem>>
      %dma_wait3A_164 = tpu.memref_squeeze %dma_wait3A_163 : memref<1x4096xf32, #tpu.memory_space<vmem>> -> memref<4096xf32, #tpu.memory_space<vmem>>
      %dma_wait3A_165 = arith.constant 0 : i32
      %dma_wait3A_166 = tpu.memref_slice %arg5[%dma_wait3A_165] : memref<327680xf32, #tpu.memory_space<hbm>> -> memref<4096xf32, #tpu.memory_space<hbm>>
      tpu.wait_dma2 semaphore(%arg13 : memref<!tpu.dma_semaphore, #tpu.memory_space<semaphore_mem>>) src(%dma_wait3A_166 : memref<4096xf32, #tpu.memory_space<hbm>>) dst(%dma_wait3A_164 : memref<4096xf32, #tpu.memory_space<vmem>>)
      %add3A_167 = arith.constant 1 : i32
      %add3A_168 = arith.addi %add3A_133, %add3A_167 : i32
      %lt3A_169 = arith.constant 40 : i32
      %lt3A_170 = arith.cmpi slt, %add3A_168, %lt3A_169 : i32
      %convert_element_type3A_171 = arith.extui %lt3A_170 : i1 to i32
      %cond3A_172 = arith.constant 0 : i32
      %cond3A_173 = arith.cmpi ne, %convert_element_type3A_171, %cond3A_172 : i32
      scf.if %cond3A_173 {
        %add3A_178 = arith.constant 1 : i32
        %add3A_179 = arith.addi %add3A_133, %add3A_178 : i32
        %mul3A_180 = arith.constant 4096 : i32
        %mul3A_181 = arith.muli %add3A_179, %mul3A_180 : i32
        %add3A_182 = arith.addi %mul3A_32, %mul3A_181 : i32
        %dma_start3A_183 = arith.constant 0 : i32
        %dma_start3A_184 = arith.constant 0 : i32
        %dma_start3A_185 = tpu.memref_slice %arg9[%dma_start3A_183, %dma_start3A_184] : memref<2x4096xi32, #tpu.memory_space<vmem>> -> memref<1x4096xi32, #tpu.memory_space<vmem>>
        %dma_start3A_186 = tpu.memref_squeeze %dma_start3A_185 : memref<1x4096xi32, #tpu.memory_space<vmem>> -> memref<4096xi32, #tpu.memory_space<vmem>>
        %dma_start3A_187 = tpu.memref_slice %arg3[%add3A_182] : memref<327680xi32, #tpu.memory_space<hbm>> -> memref<4096xi32, #tpu.memory_space<hbm>>
        %dma_start3A_188 = arith.constant 0 : i32
        %dma_start3A_189 = tpu.memref_slice %arg9[%dma_start3A_183, %dma_start3A_188] : memref<2x4096xi32, #tpu.memory_space<vmem>> -> memref<1x4096xi32, #tpu.memory_space<vmem>>
        %dma_start3A_190 = tpu.memref_squeeze %dma_start3A_189 : memref<1x4096xi32, #tpu.memory_space<vmem>> -> memref<4096xi32, #tpu.memory_space<vmem>>
        %dma_start3A_191 = tpu.memref_slice %arg3[%add3A_182] : memref<327680xi32, #tpu.memory_space<hbm>> -> memref<4096xi32, #tpu.memory_space<hbm>>
        tpu.enqueue_dma source(%dma_start3A_191 : memref<4096xi32, #tpu.memory_space<hbm>>) target(%dma_start3A_190 : memref<4096xi32, #tpu.memory_space<vmem>>) target_semaphore(%arg12 : memref<!tpu.dma_semaphore, #tpu.memory_space<semaphore_mem>>)
        %dma_start3A_192 = arith.constant 0 : i32
        %dma_start3A_193 = arith.constant 0 : i32
        %dma_start3A_194 = tpu.memref_slice %arg10[%dma_start3A_192, %dma_start3A_193] : memref<2x4096xi32, #tpu.memory_space<vmem>> -> memref<1x4096xi32, #tpu.memory_space<vmem>>
        %dma_start3A_195 = tpu.memref_squeeze %dma_start3A_194 : memref<1x4096xi32, #tpu.memory_space<vmem>> -> memref<4096xi32, #tpu.memory_space<vmem>>
        %dma_start3A_196 = tpu.memref_slice %arg4[%add3A_182] : memref<327680xi32, #tpu.memory_space<hbm>> -> memref<4096xi32, #tpu.memory_space<hbm>>
        %dma_start3A_197 = arith.constant 0 : i32
        %dma_start3A_198 = tpu.memref_slice %arg10[%dma_start3A_192, %dma_start3A_197] : memref<2x4096xi32, #tpu.memory_space<vmem>> -> memref<1x4096xi32, #tpu.memory_space<vmem>>
        %dma_start3A_199 = tpu.memref_squeeze %dma_start3A_198 : memref<1x4096xi32, #tpu.memory_space<vmem>> -> memref<4096xi32, #tpu.memory_space<vmem>>
        %dma_start3A_200 = tpu.memref_slice %arg4[%add3A_182] : memref<327680xi32, #tpu.memory_space<hbm>> -> memref<4096xi32, #tpu.memory_space<hbm>>
        tpu.enqueue_dma source(%dma_start3A_200 : memref<4096xi32, #tpu.memory_space<hbm>>) target(%dma_start3A_199 : memref<4096xi32, #tpu.memory_space<vmem>>) target_semaphore(%arg12 : memref<!tpu.dma_semaphore, #tpu.memory_space<semaphore_mem>>)
        %dma_start3A_201 = arith.constant 0 : i32
        %dma_start3A_202 = arith.constant 0 : i32
        %dma_start3A_203 = tpu.memref_slice %arg11[%dma_start3A_201, %dma_start3A_202] : memref<2x4096xf32, #tpu.memory_space<vmem>> -> memref<1x4096xf32, #tpu.memory_space<vmem>>
        %dma_start3A_204 = tpu.memref_squeeze %dma_start3A_203 : memref<1x4096xf32, #tpu.memory_space<vmem>> -> memref<4096xf32, #tpu.memory_space<vmem>>
        %dma_start3A_205 = tpu.memref_slice %arg5[%add3A_182] : memref<327680xf32, #tpu.memory_space<hbm>> -> memref<4096xf32, #tpu.memory_space<hbm>>
        %dma_start3A_206 = arith.constant 0 : i32
        %dma_start3A_207 = tpu.memref_slice %arg11[%dma_start3A_201, %dma_start3A_206] : memref<2x4096xf32, #tpu.memory_space<vmem>> -> memref<1x4096xf32, #tpu.memory_space<vmem>>
        %dma_start3A_208 = tpu.memref_squeeze %dma_start3A_207 : memref<1x4096xf32, #tpu.memory_space<vmem>> -> memref<4096xf32, #tpu.memory_space<vmem>>
        %dma_start3A_209 = tpu.memref_slice %arg5[%add3A_182] : memref<327680xf32, #tpu.memory_space<hbm>> -> memref<4096xf32, #tpu.memory_space<hbm>>
        tpu.enqueue_dma source(%dma_start3A_209 : memref<4096xf32, #tpu.memory_space<hbm>>) target(%dma_start3A_208 : memref<4096xf32, #tpu.memory_space<vmem>>) target_semaphore(%arg12 : memref<!tpu.dma_semaphore, #tpu.memory_space<semaphore_mem>>)
      } else {
      }
      %parallel_loop3A_174 = arith.constant 0 : i32
      %parallel_loop3A_175 = arith.constant 256 : i32
      %parallel_loop3A_176 = arith.constant 1 : i32
      scf.for %parallel_loop3A_178 = %parallel_loop3A_174 to %parallel_loop3A_175 step %parallel_loop3A_176  : i32 {
        %parallel_loop3A_179 = arith.constant 16 : i32
        %parallel_loop3A_180 = arith.muli %parallel_loop3A_178, %parallel_loop3A_179 : i32
        %parallel_loop3A_181 = arith.constant 1 : i32
        %parallel_loop3A_182 = arith.index_cast %parallel_loop3A_181 : i32 to index
        %parallel_loop3A_183 = arith.index_cast %parallel_loop3A_180 : i32 to index
        %parallel_loop3A_184 = tpu.vector_load %arg9[%parallel_loop3A_182, %parallel_loop3A_183] {strides = array<i32>} : memref<2x4096xi32, #tpu.memory_space<vmem>>, vector<16xi32>,
        %parallel_loop3A_185 = arith.constant 1 : i32
        %parallel_loop3A_186 = arith.index_cast %parallel_loop3A_185 : i32 to index
        %parallel_loop3A_187 = arith.index_cast %parallel_loop3A_180 : i32 to index
        %parallel_loop3A_188 = tpu.vector_load %arg10[%parallel_loop3A_186, %parallel_loop3A_187] {strides = array<i32>} : memref<2x4096xi32, #tpu.memory_space<vmem>>, vector<16xi32>,
        %parallel_loop3A_189 = arith.constant 1 : i32
        %parallel_loop3A_190 = arith.index_cast %parallel_loop3A_189 : i32 to index
        %parallel_loop3A_191 = arith.index_cast %parallel_loop3A_180 : i32 to index
        %parallel_loop3A_192 = tpu.vector_load %arg11[%parallel_loop3A_190, %parallel_loop3A_191] {strides = array<i32>} : memref<2x4096xf32, #tpu.memory_space<vmem>>, vector<16xf32>,
        %parallel_loop3A_193 = arith.constant 0 : i32
        %parallel_loop3A_194 = arith.constant 0 : i32
        %parallel_loop3A_195 = tpu.memref_slice %arg7[%parallel_loop3A_193, %parallel_loop3A_194] : memref<4x10240xf32, #tpu.memory_space<vmem>> -> memref<1x10240xf32, #tpu.memory_space<vmem>>
        %parallel_loop3A_196 = tpu.memref_squeeze %parallel_loop3A_195 : memref<1x10240xf32, #tpu.memory_space<vmem>> -> memref<10240xf32, #tpu.memory_space<vmem>>
        %parallel_loop3A_197 = tpu.vector_load_idx %parallel_loop3A_196[%parallel_loop3A_184] : memref<10240xf32, #tpu.memory_space<vmem>>[vector<16xi32>], vector<16xf32>,
        %parallel_loop3A_198 = arith.mulf %parallel_loop3A_197, %parallel_loop3A_192 : vector<16xf32>
        %parallel_loop3A_199 = arith.constant 0 : i32
        %parallel_loop3A_200 = arith.constant 0 : i32
        %parallel_loop3A_201 = tpu.memref_slice %arg8[%parallel_loop3A_199, %parallel_loop3A_200] : memref<4x10240xf32, #tpu.memory_space<vmem>> -> memref<1x10240xf32, #tpu.memory_space<vmem>>
        %parallel_loop3A_202 = tpu.memref_squeeze %parallel_loop3A_201 : memref<1x10240xf32, #tpu.memory_space<vmem>> -> memref<10240xf32, #tpu.memory_space<vmem>>
        tpu.vector_store_idx %parallel_loop3A_202[%parallel_loop3A_188], %parallel_loop3A_198 {add = true} : memref<10240xf32, #tpu.memory_space<vmem>>[vector<16xi32>], vector<16xf32>,
        %parallel_loop3A_203 = arith.constant 1 : i32
        %parallel_loop3A_204 = arith.constant 0 : i32
        %parallel_loop3A_205 = tpu.memref_slice %arg7[%parallel_loop3A_203, %parallel_loop3A_204] : memref<4x10240xf32, #tpu.memory_space<vmem>> -> memref<1x10240xf32, #tpu.memory_space<vmem>>
        %parallel_loop3A_206 = tpu.memref_squeeze %parallel_loop3A_205 : memref<1x10240xf32, #tpu.memory_space<vmem>> -> memref<10240xf32, #tpu.memory_space<vmem>>
        %parallel_loop3A_207 = tpu.vector_load_idx %parallel_loop3A_206[%parallel_loop3A_184] : memref<10240xf32, #tpu.memory_space<vmem>>[vector<16xi32>], vector<16xf32>,
        %parallel_loop3A_208 = arith.mulf %parallel_loop3A_207, %parallel_loop3A_192 : vector<16xf32>
        %parallel_loop3A_209 = arith.constant 1 : i32
        %parallel_loop3A_210 = arith.constant 0 : i32
        %parallel_loop3A_211 = tpu.memref_slice %arg8[%parallel_loop3A_209, %parallel_loop3A_210] : memref<4x10240xf32, #tpu.memory_space<vmem>> -> memref<1x10240xf32, #tpu.memory_space<vmem>>
        %parallel_loop3A_212 = tpu.memref_squeeze %parallel_loop3A_211 : memref<1x10240xf32, #tpu.memory_space<vmem>> -> memref<10240xf32, #tpu.memory_space<vmem>>
        tpu.vector_store_idx %parallel_loop3A_212[%parallel_loop3A_188], %parallel_loop3A_208 {add = true} : memref<10240xf32, #tpu.memory_space<vmem>>[vector<16xi32>], vector<16xf32>,
        %parallel_loop3A_213 = arith.constant 2 : i32
        %parallel_loop3A_214 = arith.constant 0 : i32
        %parallel_loop3A_215 = tpu.memref_slice %arg7[%parallel_loop3A_213, %parallel_loop3A_214] : memref<4x10240xf32, #tpu.memory_space<vmem>> -> memref<1x10240xf32, #tpu.memory_space<vmem>>
        %parallel_loop3A_216 = tpu.memref_squeeze %parallel_loop3A_215 : memref<1x10240xf32, #tpu.memory_space<vmem>> -> memref<10240xf32, #tpu.memory_space<vmem>>
        %parallel_loop3A_217 = tpu.vector_load_idx %parallel_loop3A_216[%parallel_loop3A_184] : memref<10240xf32, #tpu.memory_space<vmem>>[vector<16xi32>], vector<16xf32>,
        %parallel_loop3A_218 = arith.mulf %parallel_loop3A_217, %parallel_loop3A_192 : vector<16xf32>
        %parallel_loop3A_219 = arith.constant 2 : i32
        %parallel_loop3A_220 = arith.constant 0 : i32
        %parallel_loop3A_221 = tpu.memref_slice %arg8[%parallel_loop3A_219, %parallel_loop3A_220] : memref<4x10240xf32, #tpu.memory_space<vmem>> -> memref<1x10240xf32, #tpu.memory_space<vmem>>
        %parallel_loop3A_222 = tpu.memref_squeeze %parallel_loop3A_221 : memref<1x10240xf32, #tpu.memory_space<vmem>> -> memref<10240xf32, #tpu.memory_space<vmem>>
        tpu.vector_store_idx %parallel_loop3A_222[%parallel_loop3A_188], %parallel_loop3A_218 {add = true} : memref<10240xf32, #tpu.memory_space<vmem>>[vector<16xi32>], vector<16xf32>,
        %parallel_loop3A_223 = arith.constant 3 : i32
        %parallel_loop3A_224 = arith.constant 0 : i32
        %parallel_loop3A_225 = tpu.memref_slice %arg7[%parallel_loop3A_223, %parallel_loop3A_224] : memref<4x10240xf32, #tpu.memory_space<vmem>> -> memref<1x10240xf32, #tpu.memory_space<vmem>>
        %parallel_loop3A_226 = tpu.memref_squeeze %parallel_loop3A_225 : memref<1x10240xf32, #tpu.memory_space<vmem>> -> memref<10240xf32, #tpu.memory_space<vmem>>
        %parallel_loop3A_227 = tpu.vector_load_idx %parallel_loop3A_226[%parallel_loop3A_184] : memref<10240xf32, #tpu.memory_space<vmem>>[vector<16xi32>], vector<16xf32>,
        %parallel_loop3A_228 = arith.mulf %parallel_loop3A_227, %parallel_loop3A_192 : vector<16xf32>
        %parallel_loop3A_229 = arith.constant 3 : i32
        %parallel_loop3A_230 = arith.constant 0 : i32
        %parallel_loop3A_231 = tpu.memref_slice %arg8[%parallel_loop3A_229, %parallel_loop3A_230] : memref<4x10240xf32, #tpu.memory_space<vmem>> -> memref<1x10240xf32, #tpu.memory_space<vmem>>
        %parallel_loop3A_232 = tpu.memref_squeeze %parallel_loop3A_231 : memref<1x10240xf32, #tpu.memory_space<vmem>> -> memref<10240xf32, #tpu.memory_space<vmem>>
        tpu.vector_store_idx %parallel_loop3A_232[%parallel_loop3A_188], %parallel_loop3A_228 {add = true} : memref<10240xf32, #tpu.memory_space<vmem>>[vector<16xi32>], vector<16xf32>,
      } {sc.loop_unroll_factor = 4 : i64, sc.parallel_access}
      %scan3A_177 = arith.constant 0 : i32
      scf.yield %scan3A_177 : i32
    }
    %scan3A_83 = arith.constant 20 : i32
    %mul3A_84 = arith.constant 4 : i32
    %mul3A_85 = arith.muli %select_n3A_9, %mul3A_84 : i32
    "tpu.region"() ({
      %run_scoped3A = tpu.sem_alloc : memref<!tpu.dma_semaphore, #tpu.memory_space<semaphore_mem>>
      %dma_start3A_86 = arith.constant 0 : i32
      %dma_start3A_87 = tpu.memref_slice %arg6[%select_n3A_30, %mul3A_85, %dma_start3A_86] : memref<2x64x10240xf32, #tpu.memory_space<hbm>> -> memref<1x4x10240xf32, #tpu.memory_space<hbm>>
      %dma_start3A_88 = tpu.memref_squeeze %dma_start3A_87 : memref<1x4x10240xf32, #tpu.memory_space<hbm>> -> memref<4x10240xf32, #tpu.memory_space<hbm>>
      %dma_start3A_89 = arith.constant 0 : i32
      %dma_start3A_90 = tpu.memref_slice %arg6[%select_n3A_30, %mul3A_85, %dma_start3A_89] : memref<2x64x10240xf32, #tpu.memory_space<hbm>> -> memref<1x4x10240xf32, #tpu.memory_space<hbm>>
      %dma_start3A_91 = tpu.memref_squeeze %dma_start3A_90 : memref<1x4x10240xf32, #tpu.memory_space<hbm>> -> memref<4x10240xf32, #tpu.memory_space<hbm>>
      tpu.enqueue_dma source(%arg8 : memref<4x10240xf32, #tpu.memory_space<vmem>>) target(%dma_start3A_91 : memref<4x10240xf32, #tpu.memory_space<hbm>>) target_semaphore(%run_scoped3A : memref<!tpu.dma_semaphore, #tpu.memory_space<semaphore_mem>>)
      %dma_wait3A_92 = arith.constant 0 : i32
      %dma_wait3A_93 = tpu.memref_slice %arg6[%select_n3A_30, %mul3A_85, %dma_wait3A_92] : memref<2x64x10240xf32, #tpu.memory_space<hbm>> -> memref<1x4x10240xf32, #tpu.memory_space<hbm>>
      %dma_wait3A_94 = tpu.memref_squeeze %dma_wait3A_93 : memref<1x4x10240xf32, #tpu.memory_space<hbm>> -> memref<4x10240xf32, #tpu.memory_space<hbm>>
      %dma_wait3A_95 = arith.constant 0 : i32
      %dma_wait3A_96 = tpu.memref_slice %arg6[%select_n3A_30, %mul3A_85, %dma_wait3A_95] : memref<2x64x10240xf32, #tpu.memory_space<hbm>> -> memref<1x4x10240xf32, #tpu.memory_space<hbm>>
      %dma_wait3A_97 = tpu.memref_squeeze %dma_wait3A_96 : memref<1x4x10240xf32, #tpu.memory_space<hbm>> -> memref<4x10240xf32, #tpu.memory_space<hbm>>
      tpu.wait_dma2 semaphore(%run_scoped3A : memref<!tpu.dma_semaphore, #tpu.memory_space<semaphore_mem>>) src(%arg8 : memref<4x10240xf32, #tpu.memory_space<vmem>>) dst(%dma_wait3A_97 : memref<4x10240xf32, #tpu.memory_space<hbm>>)
      tpu.yield
    }) : () -> ()
    return
  }
}

module attributes {stable_mosaic.version = 14 : i64} {
  func.func @_lin1_body(%arg0: memref<128x10240xf32, #tpu.memory_space<vmem>>, %arg1: memref<64x128xf32, #tpu.memory_space<vmem>>, %arg2: memref<64x1xf32, #tpu.memory_space<vmem>>, %arg3: memref<64x10240xf32, #tpu.memory_space<vmem>>) attributes {dimension_semantics = [], scalar_prefetch = 0 : i64, scratch_operands = 0 : i64, tpu.core_type = #tpu.core_type<tc>} {
    %get3A = arith.constant 0 : index
    %get3A_0 = arith.constant 0 : index
    %get3A_1 = vector.load %arg1[%get3A, %get3A_0] : memref<64x128xf32, #tpu.memory_space<vmem>>, vector<64x128xf32>
    %get3A_2 = arith.constant 0 : index
    %get3A_3 = arith.constant 0 : index
    %get3A_4 = vector.load %arg0[%get3A_2, %get3A_3] : memref<128x10240xf32, #tpu.memory_space<vmem>>, vector<128x10240xf32>
    %dot_general3A = arith.constant dense<0.000000e+00> : vector<64x10240xf32>
    %dot_general3A_5 = tpu.matmul %get3A_1, %get3A_4, %dot_general3A {dimension_numbers = #tpu.dot_dimension_numbers<[1], [0], [0], [1], [0, 0, 1, 1], [], []>, transpose_lhs_hint = false} : vector<64x128xf32>, vector<128x10240xf32>, vector<64x10240xf32> -> vector<64x10240xf32>
    %get3A_6 = arith.constant 0 : index
    %get3A_7 = arith.constant 0 : index
    %get3A_8 = vector.load %arg2[%get3A_6, %get3A_7] : memref<64x1xf32, #tpu.memory_space<vmem>>, vector<64x1xf32>
    %add3A = vector.broadcast %get3A_8 : vector<64x1xf32> to vector<64x10240xf32>
    %add3A_9 = arith.addf %dot_general3A_5, %add3A : vector<64x10240xf32>
    %swap3A = arith.constant 0 : index
    %swap3A_10 = arith.constant 0 : index
    %swap3A_11 = vector.load %arg3[%swap3A, %swap3A_10] : memref<64x10240xf32, #tpu.memory_space<vmem>>, vector<64x10240xf32>
    tpu.vector_store %arg3[%swap3A, %swap3A_10], %add3A_9 {strides = array<i32>} : memref<64x10240xf32, #tpu.memory_space<vmem>>, vector<64x10240xf32>,
    return
  }
}

module attributes {stable_mosaic.version = 14 : i64} {
  func.func @_comb1_body(%arg0: memref<2x64x10240xf32, #tpu.memory_space<vmem>>, %arg1: memref<32x64xf32, #tpu.memory_space<vmem>>, %arg2: memref<32x1xf32, #tpu.memory_space<vmem>>, %arg3: memref<32x10240xf32, #tpu.memory_space<vmem>>) attributes {dimension_semantics = [], scalar_prefetch = 0 : i64, scratch_operands = 0 : i64, tpu.core_type = #tpu.core_type<tc>} {
    %get3A = arith.constant 0 : index
    %get3A_0 = arith.constant 0 : index
    %get3A_1 = arith.constant 0 : index
    %get3A_2 = vector.load %arg0[%get3A, %get3A_0, %get3A_1] : memref<2x64x10240xf32, #tpu.memory_space<vmem>>, vector<1x64x10240xf32>
    %get3A_3 = vector.shape_cast %get3A_2 : vector<1x64x10240xf32> to vector<64x10240xf32>
    %get3A_4 = arith.constant 1 : index
    %get3A_5 = arith.constant 0 : index
    %get3A_6 = arith.constant 0 : index
    %get3A_7 = vector.load %arg0[%get3A_4, %get3A_5, %get3A_6] : memref<2x64x10240xf32, #tpu.memory_space<vmem>>, vector<1x64x10240xf32>
    %get3A_8 = vector.shape_cast %get3A_7 : vector<1x64x10240xf32> to vector<64x10240xf32>
    %add3A = arith.addf %get3A_3, %get3A_8 : vector<64x10240xf32>
    %max3A = arith.constant 0.000000e+00 : f32
    %max3A_9 = vector.broadcast %max3A : f32 to vector<64x10240xf32>
    %max3A_10 = arith.maximumf %add3A, %max3A_9 : vector<64x10240xf32>
    %get3A_11 = arith.constant 0 : index
    %get3A_12 = arith.constant 0 : index
    %get3A_13 = vector.load %arg1[%get3A_11, %get3A_12] : memref<32x64xf32, #tpu.memory_space<vmem>>, vector<32x64xf32>
    %dot_general3A = arith.constant dense<0.000000e+00> : vector<32x10240xf32>
    %dot_general3A_14 = tpu.matmul %get3A_13, %max3A_10, %dot_general3A {dimension_numbers = #tpu.dot_dimension_numbers<[1], [0], [0], [1], [0, 0, 1, 1], [], []>, transpose_lhs_hint = false} : vector<32x64xf32>, vector<64x10240xf32>, vector<32x10240xf32> -> vector<32x10240xf32>
    %get3A_15 = arith.constant 0 : index
    %get3A_16 = arith.constant 0 : index
    %get3A_17 = vector.load %arg2[%get3A_15, %get3A_16] : memref<32x1xf32, #tpu.memory_space<vmem>>, vector<32x1xf32>
    %add3A_18 = vector.broadcast %get3A_17 : vector<32x1xf32> to vector<32x10240xf32>
    %add3A_19 = arith.addf %dot_general3A_14, %add3A_18 : vector<32x10240xf32>
    %swap3A = arith.constant 0 : index
    %swap3A_20 = arith.constant 0 : index
    %swap3A_21 = vector.load %arg3[%swap3A, %swap3A_20] : memref<32x10240xf32, #tpu.memory_space<vmem>>, vector<32x10240xf32>
    tpu.vector_store %arg3[%swap3A, %swap3A_20], %add3A_19 {strides = array<i32>} : memref<32x10240xf32, #tpu.memory_space<vmem>>, vector<32x10240xf32>,
    return
  }
}

module attributes {stable_mosaic.version = 14 : i64} {
  func.func @_comb2_body(%arg0: memref<4x32x10240xf32, #tpu.memory_space<vmem>>, %arg1: memref<32x10240xf32, #tpu.memory_space<vmem>>) attributes {dimension_semantics = [], scalar_prefetch = 0 : i64, scratch_operands = 0 : i64, tpu.core_type = #tpu.core_type<tc>} {
    %get3A = arith.constant 0 : index
    %get3A_0 = arith.constant 0 : index
    %get3A_1 = arith.constant 0 : index
    %get3A_2 = vector.load %arg0[%get3A, %get3A_0, %get3A_1] : memref<4x32x10240xf32, #tpu.memory_space<vmem>>, vector<1x32x10240xf32>
    %get3A_3 = vector.shape_cast %get3A_2 : vector<1x32x10240xf32> to vector<32x10240xf32>
    %get3A_4 = arith.constant 1 : index
    %get3A_5 = arith.constant 0 : index
    %get3A_6 = arith.constant 0 : index
    %get3A_7 = vector.load %arg0[%get3A_4, %get3A_5, %get3A_6] : memref<4x32x10240xf32, #tpu.memory_space<vmem>>, vector<1x32x10240xf32>
    %get3A_8 = vector.shape_cast %get3A_7 : vector<1x32x10240xf32> to vector<32x10240xf32>
    %add3A = arith.addf %get3A_3, %get3A_8 : vector<32x10240xf32>
    %get3A_9 = arith.constant 2 : index
    %get3A_10 = arith.constant 0 : index
    %get3A_11 = arith.constant 0 : index
    %get3A_12 = vector.load %arg0[%get3A_9, %get3A_10, %get3A_11] : memref<4x32x10240xf32, #tpu.memory_space<vmem>>, vector<1x32x10240xf32>
    %get3A_13 = vector.shape_cast %get3A_12 : vector<1x32x10240xf32> to vector<32x10240xf32>
    %add3A_14 = arith.addf %add3A, %get3A_13 : vector<32x10240xf32>
    %get3A_15 = arith.constant 3 : index
    %get3A_16 = arith.constant 0 : index
    %get3A_17 = arith.constant 0 : index
    %get3A_18 = vector.load %arg0[%get3A_15, %get3A_16, %get3A_17] : memref<4x32x10240xf32, #tpu.memory_space<vmem>>, vector<1x32x10240xf32>
    %get3A_19 = vector.shape_cast %get3A_18 : vector<1x32x10240xf32> to vector<32x10240xf32>
    %add3A_20 = arith.addf %add3A_14, %get3A_19 : vector<32x10240xf32>
    %max3A = arith.constant 0.000000e+00 : f32
    %max3A_21 = vector.broadcast %max3A : f32 to vector<32x10240xf32>
    %max3A_22 = arith.maximumf %add3A_20, %max3A_21 : vector<32x10240xf32>
    %swap3A = arith.constant 0 : index
    %swap3A_23 = arith.constant 0 : index
    %swap3A_24 = vector.load %arg1[%swap3A, %swap3A_23] : memref<32x10240xf32, #tpu.memory_space<vmem>>, vector<32x10240xf32>
    tpu.vector_store %arg1[%swap3A, %swap3A_23], %max3A_22 {strides = array<i32>} : memref<32x10240xf32, #tpu.memory_space<vmem>>, vector<32x10240xf32>,
    return
  }
}

module attributes {stable_mosaic.version = 14 : i64} {
  func.func @_enew_body(%arg0: memref<2000x2000xf32, #tpu.memory_space<vmem>>, %arg1: memref<2000x16xf32, #tpu.memory_space<vmem>>, %arg2: memref<16x32xf32, #tpu.memory_space<vmem>>, %arg3: memref<2000x32xf32, #tpu.memory_space<vmem>>) attributes {dimension_semantics = [], scalar_prefetch = 0 : i64, scratch_operands = 0 : i64, tpu.core_type = #tpu.core_type<tc>} {
    %get3A = arith.constant 0 : index
    %get3A_0 = arith.constant 0 : index
    %get3A_1 = vector.load %arg1[%get3A, %get3A_0] : memref<2000x16xf32, #tpu.memory_space<vmem>>, vector<2000x16xf32>
    %get3A_2 = arith.constant 0 : index
    %get3A_3 = arith.constant 0 : index
    %get3A_4 = vector.load %arg2[%get3A_2, %get3A_3] : memref<16x32xf32, #tpu.memory_space<vmem>>, vector<16x32xf32>
    %dot_general3A = arith.constant dense<0.000000e+00> : vector<2000x32xf32>
    %dot_general3A_5 = tpu.matmul %get3A_1, %get3A_4, %dot_general3A {dimension_numbers = #tpu.dot_dimension_numbers<[1], [0], [0], [1], [0, 0, 1, 1], [], []>, transpose_lhs_hint = false} : vector<2000x16xf32>, vector<16x32xf32>, vector<2000x32xf32> -> vector<2000x32xf32>
    %get3A_6 = arith.constant 0 : index
    %get3A_7 = arith.constant 0 : index
    %get3A_8 = vector.load %arg0[%get3A_6, %get3A_7] : memref<2000x2000xf32, #tpu.memory_space<vmem>>, vector<2000x2000xf32>
    %dot_general3A_9 = arith.constant dense<0.000000e+00> : vector<2000x32xf32>
    %dot_general3A_10 = tpu.matmul %get3A_8, %dot_general3A_5, %dot_general3A_9 {dimension_numbers = #tpu.dot_dimension_numbers<[1], [0], [0], [1], [0, 0, 1, 1], [], []>, transpose_lhs_hint = false} : vector<2000x2000xf32>, vector<2000x32xf32>, vector<2000x32xf32> -> vector<2000x32xf32>
    %max3A = arith.constant 0.000000e+00 : f32
    %max3A_11 = vector.broadcast %max3A : f32 to vector<2000x32xf32>
    %max3A_12 = arith.maximumf %dot_general3A_10, %max3A_11 : vector<2000x32xf32>
    %swap3A = arith.constant 0 : index
    %swap3A_13 = arith.constant 0 : index
    %swap3A_14 = vector.load %arg3[%swap3A, %swap3A_13] : memref<2000x32xf32, #tpu.memory_space<vmem>>, vector<2000x32xf32>
    tpu.vector_store %arg3[%swap3A, %swap3A_13], %max3A_12 {strides = array<i32>} : memref<2000x32xf32, #tpu.memory_space<vmem>>, vector<2000x32xf32>,
    return
  }
}

module attributes {stable_mosaic.version = 14 : i64} {
  func.func @_final_body(%arg0: i32, %arg1: memref<4x32x1280xf32, #tpu.memory_space<vmem>>, %arg2: memref<1280x2000xf32, #tpu.memory_space<vmem>>, %arg3: memref<2000x32xf32, #tpu.memory_space<vmem>>, %arg4: memref<32x32xf32, #tpu.memory_space<vmem>>, %arg5: memref<32x32xf32, #tpu.memory_space<vmem>>, %arg6: memref<1x32xf32, #tpu.memory_space<vmem>>, %arg7: memref<32x2xf32, #tpu.memory_space<vmem>>, %arg8: memref<1x2xf32, #tpu.memory_space<vmem>>, %arg9: memref<1280x2xf32, #tpu.memory_space<vmem>>) attributes {dimension_semantics = [#tpu.dimension_semantics<arbitrary>], iteration_bounds = array<i64: 8>, scalar_prefetch = 0 : i64, scratch_operands = 0 : i64, tpu.core_type = #tpu.core_type<tc>, window_params = [{transform_indices = @transform_0, window_bounds = array<i64: 4, 32, 1280>}, {transform_indices = @transform_1, window_bounds = array<i64: 1280, 2000>}, {pipeline_mode = #tpu.pipeline_mode<synchronous>, transform_indices = @transform_2, window_bounds = array<i64: 2000, 32>}, {pipeline_mode = #tpu.pipeline_mode<synchronous>, transform_indices = @transform_3, window_bounds = array<i64: 32, 32>}, {pipeline_mode = #tpu.pipeline_mode<synchronous>, transform_indices = @transform_4, window_bounds = array<i64: 32, 32>}, {pipeline_mode = #tpu.pipeline_mode<synchronous>, transform_indices = @transform_5, window_bounds = array<i64: 1, 32>}, {pipeline_mode = #tpu.pipeline_mode<synchronous>, transform_indices = @transform_6, window_bounds = array<i64: 32, 2>}, {pipeline_mode = #tpu.pipeline_mode<synchronous>, transform_indices = @transform_7, window_bounds = array<i64: 1, 2>}, {transform_indices = @transform_8, window_bounds = array<i64: 1280, 2>}]} {
    %get3A = arith.constant 0 : index
    %get3A_0 = arith.constant 0 : index
    %get3A_1 = arith.constant 0 : index
    %get3A_2 = vector.load %arg1[%get3A, %get3A_0, %get3A_1] : memref<4x32x1280xf32, #tpu.memory_space<vmem>>, vector<1x32x1280xf32>
    %get3A_3 = vector.shape_cast %get3A_2 : vector<1x32x1280xf32> to vector<32x1280xf32>
    %get3A_4 = arith.constant 1 : index
    %get3A_5 = arith.constant 0 : index
    %get3A_6 = arith.constant 0 : index
    %get3A_7 = vector.load %arg1[%get3A_4, %get3A_5, %get3A_6] : memref<4x32x1280xf32, #tpu.memory_space<vmem>>, vector<1x32x1280xf32>
    %get3A_8 = vector.shape_cast %get3A_7 : vector<1x32x1280xf32> to vector<32x1280xf32>
    %add3A = arith.addf %get3A_3, %get3A_8 : vector<32x1280xf32>
    %get3A_9 = arith.constant 2 : index
    %get3A_10 = arith.constant 0 : index
    %get3A_11 = arith.constant 0 : index
    %get3A_12 = vector.load %arg1[%get3A_9, %get3A_10, %get3A_11] : memref<4x32x1280xf32, #tpu.memory_space<vmem>>, vector<1x32x1280xf32>
    %get3A_13 = vector.shape_cast %get3A_12 : vector<1x32x1280xf32> to vector<32x1280xf32>
    %add3A_14 = arith.addf %add3A, %get3A_13 : vector<32x1280xf32>
    %get3A_15 = arith.constant 3 : index
    %get3A_16 = arith.constant 0 : index
    %get3A_17 = arith.constant 0 : index
    %get3A_18 = vector.load %arg1[%get3A_15, %get3A_16, %get3A_17] : memref<4x32x1280xf32, #tpu.memory_space<vmem>>, vector<1x32x1280xf32>
    %get3A_19 = vector.shape_cast %get3A_18 : vector<1x32x1280xf32> to vector<32x1280xf32>
    %add3A_20 = arith.addf %add3A_14, %get3A_19 : vector<32x1280xf32>
    %mul3A = arith.constant 3.125000e-06 : f32
    %mul3A_21 = vector.broadcast %mul3A : f32 to vector<32x1280xf32>
    %mul3A_22 = arith.mulf %add3A_20, %mul3A_21 : vector<32x1280xf32>
    %transpose3A = tpu.transpose %mul3A_22, [1, 0] : vector<32x1280xf32> -> vector<1280x32xf32>
    %get3A_23 = arith.constant 0 : index
    %get3A_24 = arith.constant 0 : index
    %get3A_25 = vector.load %arg4[%get3A_23, %get3A_24] : memref<32x32xf32, #tpu.memory_space<vmem>>, vector<32x32xf32>
    %dot_general3A = arith.constant dense<0.000000e+00> : vector<1280x32xf32>
    %dot_general3A_26 = tpu.matmul %transpose3A, %get3A_25, %dot_general3A {dimension_numbers = #tpu.dot_dimension_numbers<[1], [0], [0], [1], [0, 0, 1, 1], [], []>, transpose_lhs_hint = false} : vector<1280x32xf32>, vector<32x32xf32>, vector<1280x32xf32> -> vector<1280x32xf32>
    %get3A_27 = arith.constant 0 : index
    %get3A_28 = arith.constant 0 : index
    %get3A_29 = vector.load %arg2[%get3A_27, %get3A_28] : memref<1280x2000xf32, #tpu.memory_space<vmem>>, vector<1280x2000xf32>
    %get3A_30 = arith.constant 0 : index
    %get3A_31 = arith.constant 0 : index
    %get3A_32 = vector.load %arg3[%get3A_30, %get3A_31] : memref<2000x32xf32, #tpu.memory_space<vmem>>, vector<2000x32xf32>
    %dot_general3A_33 = arith.constant dense<0.000000e+00> : vector<1280x32xf32>
    %dot_general3A_34 = tpu.matmul %get3A_29, %get3A_32, %dot_general3A_33 {dimension_numbers = #tpu.dot_dimension_numbers<[1], [0], [0], [1], [0, 0, 1, 1], [], []>, transpose_lhs_hint = false} : vector<1280x2000xf32>, vector<2000x32xf32>, vector<1280x32xf32> -> vector<1280x32xf32>
    %add3A_35 = arith.addf %dot_general3A_26, %dot_general3A_34 : vector<1280x32xf32>
    %max3A = arith.constant 0.000000e+00 : f32
    %max3A_36 = vector.broadcast %max3A : f32 to vector<1280x32xf32>
    %max3A_37 = arith.maximumf %add3A_35, %max3A_36 : vector<1280x32xf32>
    %get3A_38 = arith.constant 0 : index
    %get3A_39 = arith.constant 0 : index
    %get3A_40 = vector.load %arg5[%get3A_38, %get3A_39] : memref<32x32xf32, #tpu.memory_space<vmem>>, vector<32x32xf32>
    %dot_general3A_41 = arith.constant dense<0.000000e+00> : vector<1280x32xf32>
    %dot_general3A_42 = tpu.matmul %max3A_37, %get3A_40, %dot_general3A_41 {dimension_numbers = #tpu.dot_dimension_numbers<[1], [0], [0], [1], [0, 0, 1, 1], [], []>, transpose_lhs_hint = false} : vector<1280x32xf32>, vector<32x32xf32>, vector<1280x32xf32> -> vector<1280x32xf32>
    %get3A_43 = arith.constant 0 : index
    %get3A_44 = arith.constant 0 : index
    %get3A_45 = vector.load %arg6[%get3A_43, %get3A_44] : memref<1x32xf32, #tpu.memory_space<vmem>>, vector<1x32xf32>
    %add3A_46 = vector.broadcast %get3A_45 : vector<1x32xf32> to vector<1280x32xf32>
    %add3A_47 = arith.addf %dot_general3A_42, %add3A_46 : vector<1280x32xf32>
    %max3A_48 = arith.constant 0.000000e+00 : f32
    %max3A_49 = vector.broadcast %max3A_48 : f32 to vector<1280x32xf32>
    %max3A_50 = arith.maximumf %add3A_47, %max3A_49 : vector<1280x32xf32>
    %get3A_51 = arith.constant 0 : index
    %get3A_52 = arith.constant 0 : index
    %get3A_53 = vector.load %arg7[%get3A_51, %get3A_52] : memref<32x2xf32, #tpu.memory_space<vmem>>, vector<32x2xf32>
    %dot_general3A_54 = arith.constant dense<0.000000e+00> : vector<1280x2xf32>
    %dot_general3A_55 = tpu.matmul %max3A_50, %get3A_53, %dot_general3A_54 {dimension_numbers = #tpu.dot_dimension_numbers<[1], [0], [0], [1], [0, 0, 1, 1], [], []>, transpose_lhs_hint = false} : vector<1280x32xf32>, vector<32x2xf32>, vector<1280x2xf32> -> vector<1280x2xf32>
    %get3A_56 = arith.constant 0 : index
    %get3A_57 = arith.constant 0 : index
    %get3A_58 = vector.load %arg8[%get3A_56, %get3A_57] : memref<1x2xf32, #tpu.memory_space<vmem>>, vector<1x2xf32>
    %add3A_59 = vector.broadcast %get3A_58 : vector<1x2xf32> to vector<1280x2xf32>
    %add3A_60 = arith.addf %dot_general3A_55, %add3A_59 : vector<1280x2xf32>
    %reduce_max3A = arith.constant dense<0xFF800000> : vector<1280xf32>
    %reduce_max3A_61 = vector.multi_reduction <maximumf>, %add3A_60, %reduce_max3A [1] : vector<1280x2xf32> to vector<1280xf32>
    %broadcast_in_dim3A = vector.shape_cast %reduce_max3A_61 : vector<1280xf32> to vector<1280x1xf32>
    %sub3A = vector.broadcast %broadcast_in_dim3A : vector<1280x1xf32> to vector<1280x2xf32>
    %sub3A_62 = arith.subf %add3A_60, %sub3A : vector<1280x2xf32>
    %exp3A = math.exp %sub3A_62 : vector<1280x2xf32>
    %reduce_sum3A = arith.constant dense<0.000000e+00> : vector<1280xf32>
    %reduce_sum3A_63 = vector.multi_reduction <add>, %exp3A, %reduce_sum3A [1] : vector<1280x2xf32> to vector<1280xf32>
    %broadcast_in_dim3A_64 = vector.shape_cast %reduce_sum3A_63 : vector<1280xf32> to vector<1280x1xf32>
    %div3A = vector.broadcast %broadcast_in_dim3A_64 : vector<1280x1xf32> to vector<1280x2xf32>
    %div3A_65 = arith.divf %exp3A, %div3A : vector<1280x2xf32>
    %swap3A = arith.constant 0 : index
    %swap3A_66 = arith.constant 0 : index
    %swap3A_67 = vector.load %arg9[%swap3A, %swap3A_66] : memref<1280x2xf32, #tpu.memory_space<vmem>>, vector<1280x2xf32>
    tpu.vector_store %arg9[%swap3A, %swap3A_66], %div3A_65 {strides = array<i32>} : memref<1280x2xf32, #tpu.memory_space<vmem>>, vector<1280x2xf32>,
    return
  }
  func.func @transform_0(%arg0: i32) -> (i32, i32, i32) {
    %c0_i32 = arith.constant 0 : i32
    %c0_i32_0 = arith.constant 0 : i32
    %c0_i32_1 = arith.constant 0 : i32
    return %c0_i32, %c0_i32_0, %arg0 : i32, i32, i32
  }
  func.func @transform_1(%arg0: i32) -> (i32, i32) {
    %c0_i32 = arith.constant 0 : i32
    %c0_i32_0 = arith.constant 0 : i32
    return %arg0, %c0_i32 : i32, i32
  }
  func.func @transform_2(%arg0: i32) -> (i32, i32) {
    %c0_i32 = arith.constant 0 : i32
    %c0_i32_0 = arith.constant 0 : i32
    %c0_i32_1 = arith.constant 0 : i32
    return %c0_i32, %c0_i32_0 : i32, i32
  }
  func.func @transform_3(%arg0: i32) -> (i32, i32) {
    %c0_i32 = arith.constant 0 : i32
    %c0_i32_0 = arith.constant 0 : i32
    %c0_i32_1 = arith.constant 0 : i32
    return %c0_i32, %c0_i32_0 : i32, i32
  }
  func.func @transform_4(%arg0: i32) -> (i32, i32) {
    %c0_i32 = arith.constant 0 : i32
    %c0_i32_0 = arith.constant 0 : i32
    %c0_i32_1 = arith.constant 0 : i32
    return %c0_i32, %c0_i32_0 : i32, i32
  }
  func.func @transform_5(%arg0: i32) -> (i32, i32) {
    %c0_i32 = arith.constant 0 : i32
    %c0_i32_0 = arith.constant 0 : i32
    %c0_i32_1 = arith.constant 0 : i32
    return %c0_i32, %c0_i32_0 : i32, i32
  }
  func.func @transform_6(%arg0: i32) -> (i32, i32) {
    %c0_i32 = arith.constant 0 : i32
    %c0_i32_0 = arith.constant 0 : i32
    %c0_i32_1 = arith.constant 0 : i32
    return %c0_i32, %c0_i32_0 : i32, i32
  }
  func.func @transform_7(%arg0: i32) -> (i32, i32) {
    %c0_i32 = arith.constant 0 : i32
    %c0_i32_0 = arith.constant 0 : i32
    %c0_i32_1 = arith.constant 0 : i32
    return %c0_i32, %c0_i32_0 : i32, i32
  }
  func.func @transform_8(%arg0: i32) -> (i32, i32) {
    %c0_i32 = arith.constant 0 : i32
    %c0_i32_0 = arith.constant 0 : i32
    return %arg0, %c0_i32 : i32, i32
  }
}

</mosaic_0001>

<sc_bundles>
// kernel: kernel.10.cloned.1.call-start
scs
__scs_entry_jumppad:
0x0: {  	(pc) =	sbr.rel $0x88, $3  }
0x1: {  	(tag) =	ssettag $0x0;
	lr =	simm.s32 $0x1  }
0x2: {  	[smem:$0x3F91] =	sst lr;
	_ =	strace $0xD0000000  }
0x3: {  	_ = 	snop  }
0x4: {  	_ = 	snop  }
0x5: {  	_ = 	snop  }
0x6: {  	_ = 	snop  }
0x7: {  	_ = 	snop  }
__scs_overlays_trampoline_lowered:
0x8: {  	[smem:$0x3FA0] =	sst s0  }
0x9: {  	[smem:$0x3FA1] =	sst s1  }
0xa: {  	[smem:$0x3FA2] =	sst s2  }
0xb: {  	[smem:$0x3FA3] =	sst s3  }
0xc: {  	[smem:$0x3FA4] =	sst s4  }
0xd: {  	[smem:$0x3FA5] =	sst s5  }
0xe: {  	[smem:$0x3FA6] =	sst s6  }
0xf: {  	[smem:$0x3FA7] =	sst s7  }
0x10: {  	[smem:$0x3FA8] =	sst s8  }
0x11: {  	[smem:$0x3FA9] =	sst s9;
	s0 =	simm.s32 @!p0 $0x0  }
0x12: {  	s1 =	sld [smem:$0x3F8F];
	s0 =	simm.s32 @p0 $0x1  }
0x13: {  	[smem:$0x3FAA] =	sst s0;
	s0 =	simm.s32 @!p1 $0x0  }
0x14: {  	s2 =	sld [smem:$0x3F8E];
	s0 =	simm.s32 @p1 $0x1  }
0x15: {  	[smem:$0x3FAB] =	sst s0;
	s0 =	simm.s32 @!p2 $0x0  }
0x16: {  	s3 =	sld [smem:$0x3FDB];
	s0 =	simm.s32 @p2 $0x1  }
0x17: {  	s4 =	simm.s32 $0x1BF5;
	[smem:$0x3FAD] =	sst s0  }
0x18: {  	s0 =	sld [smem:$0x3F90];
	_ =	swait.ge [sflag:s4], $0x0  }
0x19: {  	s7 =	sld [smem:$0x3F91]  }
0x1a: {  	s8 =	sadd.s32 $0xFFFFE003, lr  }
0x1b: {  	s9 =	sadd.s32 $0xFFFFFEF7, lr;
	s5 =	simm.s32 $0xFFFFFFFF;
	p2 =	slt.u32 s8, $0xFFFFF086  }
0x1c: {  	p1 =	slt.u32 s9, $0xF7A;
	s5 =	simm.s32 @!p2 $0x0  }
0x1d: {  	s5 =	simm.s32 @p1 $0x1;
	p0 =	seq.s32 s7, s2  }
0x1e: {  	s7 =	smul.u32 @!p0 $0xF7A, s2;
	p2 =	seq.s32 @!p0 s5, $0x0  }
0x1f: {  	s9 =	smul.u32 $0xF7A, s1;
	s8 =	simm.s32 @!p0 $0x1BF5;
	p2 =	por !p2, p0  }
0x20: {  	[sflag:s8] =	ssyncset.s32 @!p0 $0xFFFFF086;
	s6 =	sadd.s32 @!p0 s3, s7;
	s7 =	simm.s32 @!p0 $0x108  }
0x21: {  	s3 =	sadd.s32 s3, s9;
	s6 =	sadd.s32 @!p0 $0x88, s6;
	s7 =	simm.s32 @p2 $0x1082  }
0x22: {  	[simem:s7], [sflag:s8] =	dma.local @!p0 [hbm:s6], $0xF7A  }
0x23: {  	s9 =	sor.u32 $0xD0000000, s2;
	s6 =	simm.s32 $0x108;
	_ =	swait.ge @!p0 [sflag:s8], $0x0  }
0x24: {  	s3 =	sadd.s32 $0x88, s3;
	s6 =	simm.s32 @!p1 $0x1082;
	[sflag:s4] =	ssyncset.s32 $0xFFFFF086  }
0x25: {  	[simem:s6], [sflag:s4] =	dma.local [hbm:s3], $0xF7A  }
0x26: {  	[smem:$0x3F91] =	sst s1;
	(tag) =	ssettag s2;
	_ =	strace s9  }
0x27: {  	s1 =	sld [smem:$0x3FA1]  }
0x28: {  	s2 =	sld [smem:$0x3FA2]  }
0x29: {  	s4 =	sld [smem:$0x3FA4]  }
0x2a: {  	p0 =	seq.s32 s5, $0x0;
	s5 =	sld [smem:$0x3FA5]  }
0x2b: {  	s6 =	sld [smem:$0x3FA6]  }
0x2c: {  	s7 =	sld [smem:$0x3FA7]  }
0x2d: {  	s3 =	simm.s32 $0x108;
	s8 =	sld [smem:$0x3FA8]  }
0x2e: {  	s3 =	simm.s32 @!p0 $0x1082;
	s9 =	sld [smem:$0x3FA9]  }
0x2f: {  	lr =	sadd.s32 s0, s3;
	s0 =	sld [smem:$0x3FA0]  }
0x30: {  	s3 =	sld [smem:$0x3FA3]  }
0x31: {  	[smem:$0x3FAC] =	sst s10  }
0x32: {  	s10 =	sld [smem:$0x3FAA];
	_ =	sdelay $0x3  }
0x33: {  	p0 =	seq.s32 s10, $0x1;
	s10 =	sld [smem:$0x3FAC];
	_ =	sdelay $0x3  }
0x34: {  	[smem:$0x3FAC] =	sst s10  }
0x35: {  	s10 =	sld [smem:$0x3FAB];
	_ =	sdelay $0x3  }
0x36: {  	p1 =	seq.s32 s10, $0x1;
	s10 =	sld [smem:$0x3FAC];
	_ =	sdelay $0x3  }
0x37: {  	[smem:$0x3FAC] =	sst s10  }
0x38: {  	s10 =	sld [smem:$0x3FAD]  }
0x39: {  	_ = 	snop;
	(pc) =	sbr.ind lr, $3  }
0x3a: {  	_ = 	snop  }
0x3b: {  	_ = 	snop  }
0x3c: {  	p2 =	seq.s32 s10, $0x1;
	s10 =	sld [smem:$0x3FAC]  }
0x3d: {  	_ =	shalt  }
0x3e: {  	_ =	shalt  }
0x3f: {  	_ =	shalt  }
0x40: {  	_ =	shalt  }
0x41: {  	_ =	shalt  }
0x42: {  	_ =	shalt  }
0x43: {  	_ =	shalt  }
0x44: {  	_ =	shalt  }
0x45: {  	_ =	shalt  }
0x46: {  	_ =	shalt  }
0x47: {  	_ =	shalt  }
0x48: {  	_ =	shalt  }
0x49: {  	_ =	shalt  }
0x4a: {  	_ =	shalt  }
0x4b: {  	_ =	shalt  }
0x4c: {  	_ =	shalt  }
0x4d: {  	_ =	shalt  }
0x4e: {  	_ =	shalt  }
0x4f: {  	_ =	shalt  }
0x50: {  	_ =	shalt  }
0x51: {  	_ =	shalt  }
0x52: {  	_ =	shalt  }
0x53: {  	_ =	shalt  }
0x54: {  	_ =	shalt  }
0x55: {  	_ =	shalt  }
0x56: {  	_ =	shalt  }
0x57: {  	_ =	shalt  }
0x58: {  	_ =	shalt  }
0x59: {  	_ =	shalt  }
0x5a: {  	_ =	shalt  }
0x5b: {  	_ =	shalt  }
0x5c: {  	_ =	shalt  }
0x5d: {  	_ =	shalt  }
0x5e: {  	_ =	shalt  }
0x5f: {  	_ =	shalt  }
0x60: {  	_ =	shalt  }
0x61: {  	_ =	shalt  }
0x62: {  	_ =	shalt  }
0x63: {  	_ =	shalt  }
0x64: {  	_ =	shalt  }
0x65: {  	_ =	shalt  }
0x66: {  	_ =	shalt  }
0x67: {  	_ =	shalt  }
0x68: {  	_ =	shalt  }
0x69: {  	_ =	shalt  }
0x6a: {  	_ =	shalt  }
0x6b: {  	_ =	shalt  }
0x6c: {  	_ =	shalt  }
0x6d: {  	_ =	shalt  }
0x6e: {  	_ =	shalt  }
0x6f: {  	_ =	shalt  }
0x70: {  	_ =	shalt  }
0x71: {  	_ =	shalt  }
0x72: {  	_ =	shalt  }
0x73: {  	_ =	shalt  }
0x74: {  	_ =	shalt  }
0x75: {  	_ =	shalt  }
0x76: {  	_ =	shalt  }
0x77: {  	_ =	shalt  }
0x78: {  	_ =	shalt  }
0x79: {  	_ =	shalt  }
0x7a: {  	_ =	shalt  }
0x7b: {  	_ =	shalt  }
0x7c: {  	_ =	shalt  }
0x7d: {  	_ =	shalt  }
0x7e: {  	_ =	shalt  }
0x7f: {  	_ =	shalt  }
0x80: {  	_ =	shalt  }
0x81: {  	_ =	shalt  }
0x82: {  	_ =	shalt  }
0x83: {  	_ =	shalt  }
0x84: {  	_ =	shalt  }
0x85: {  	_ =	shalt  }
0x86: {  	_ =	shalt  }
0x87: {  	_ =	shalt  }
.Lfunc_end0:
.L_simem_size_0:
called_computation_lowered:
.L_overlay_start_0:
0x88: {  	s2 =	sld [smem:$0x3FD9]  }
0x89: {  	s3 =	sld [smem:$0x3FFE];
	_ =	sdelay $0x1  }
0x8a: {  	s1 =	srdreg.scid  }
0x8b: {  	s0 =	sand.u32 $0x1, s1  }
0x8c: {  	s16 =	sshll.u32 s0, $0xA;
	s2 =	sadd.s32 s3, s2  }
0x8d: {  	s2 =	sadd.s32 s2, s16  }
0x8e: {  	[smem:$0x3FB8] =	sst s2  }
0x8f: {  	_ = 	snop  }
0x90: {  	(tm) =	ssettm $0x1  }
0x91: {  	s17 =	sld [smem:$0x3FFB];
	_ =	sdelay $0x3  }
0x92: {  	_ =	strace s17  }
0x93: {  	s2 =	sld [smem:$0x3FFC];
	_ =	sdelay $0x3  }
0x94: {  	_ =	strace s2  }
0x95: {  	s2 =	sld [smem:$0x3FFD];
	_ =	sdelay $0x3  }
0x96: {  	_ =	strace s2  }
0x97: {  	_ =	strace $0x8FFFFFFF  }
0x98: {  	s18 =	sld [smem:$0x3FDB];
	_ =	sdelay $0x1  }
0x99: {  	s19 =	simm.s32 $_scs_section_size  }
0x9a: {  	s4 =	simm.s32 $_size__tile_overlayer_lowered;
	s5 =	simm.s32 $_tile_overlayer_lowered  }
0x9b: {  	s22 =	simm.s32 $0x1BFF;
	s21 =	sshll.u32 s5, $0x1;
	s2 =	sadd.s32 s19, s18  }
0x9c: {  	s6 =	simm.s32 $0x0;
	s20 =	sshll.u32 s4, $0x1;
	s4 =	sadd.s32 s21, s2  }
0x9d: {  	[timem:s6], [sflag:s22] =	dma.local [hbm:s4], s20  }
0x9e: {  	_ =	swait.ge [sflag:s22], s20  }
0x9f: {  	s3 =	ssub.s32 $0x0, s20;
	[sflag:s22] =	ssyncset.done $0x0  }
0xa0: {  	[sflag:s22] =	ssyncadd.s32 s3;
	_ =	sdelay $0x1  }
0xa1: {  	s23 =	simm.s32 $0x1B8B  }
0xa2: {  	_ =	swait.ge [sflag:s23], $0x1  }
0xa3: {  	[sflag:s23] =	ssyncset.done $0x0  }
0xa4: {  	s25 =	simm.s32 $0x1B8E;
	s24 =	sld [smem:$0x3FFE];
	[sflag:s23] =	ssyncadd.s32 $0xFFFFFFFF  }
0xa5: {  	s26 =	simm.s32 $execute0_lowered;
	[smem:$0x3FD2] =	sst s25  }
0xa6: {  	s4 =	sshll.u32 s26, $0x1;
	_ =	strace $0x80000046;
	[dreg:$0x1] =	wrdreg $0xFFFFFFFF  }
0xa7: {  	s28 =	simm.s32 $_size_execute0_lowered;
	s2 =	sadd.s32 s2, s4;
	[dreg:$0x0] =	wrdreg $0x0  }
0xa8: {  	s4 =	sshll.u32 s28, $0x1;
	[dreg:$0x2] =	wrdreg s2  }
0xa9: {  	[dreg:$0x3] =	wrdreg s4  }
0xaa: {  	[dreg:$0x4] =	wrdreg $0xC0  }
0xab: {  	_ =	task [dreg:s6], $0x5FFFF  }
0xac: {  	[dreg:$0x1] =	wrdreg $0xFFFFFFFF  }
0xad: {  	[dreg:$0x0] =	wrdreg $0x60  }
0xae: {  	[dreg:$0x2] =	wrdreg s24  }
0xaf: {  	[dreg:$0x3] =	wrdreg $0x9  }
0xb0: {  	_ =	task.clear_ibuf [dreg:s6], $0x4FFFF;
	_ =	strace $0x90000046  }
0xb1: {  	s29 =	simm.s32 $0x9;
	_ =	strace $0x80000048  }
0xb2: {  	_ =	swait.ge [sflag:s29], $0x1  }
0xb3: {  	[sflag:s29] =	ssyncadd.s32 $0xFFFFFFFF  }
0xb4: {  	_ =	strace $0x90000048  }
0xb5: {  	_ =	sfence  }
0xb6: {  	s30 =	sld [smem:$0x0];
	_ =	sdelay $0x2  }
0xb7: {  	s31 =	sshll.u32 s1, $0xD;
	s1 =	sshrl.u32 s1, $0x2  }
0xb8: {  	s3 =	sand.u32 $0x4000, s31;
	s1 =	sadd.s32 s1, s30  }
0xb9: {  	s0 =	sor.u32 s3, s0;
	s1 =	sshll.u32 s1, $0x11  }
0xba: {  	s0 =	sor.u32 s1, s0  }
0xbb: {  	s0 =	sadd.s32 $0x8F2B, s0  }
0xbc: {  	[sflag:s0] =	ssyncadd.remote.s32 $0x1  }
0xbd: {  	_ =	sfence.sel $0xFFFF  }
0xbe: {  	[dreg:$0x0] =	wrdreg $0xFFFFFFFF;
	(pc) =	sbr.abs _section_cstart, $3  }
0xbf: {  	[dreg:$0x1] =	wrdreg $0xFFFFFFFF  }
0xc0: {  	_ =	task.clear_ibuf [dreg:s6], $0x2FFFF;
	_ =	strace $0x9FFFFFFF  }
0xc1: {  	(tm) =	ssettm $0x7FFFFFFF  }
tec
execute0_lowered:
.L_overlay_start_1:
0x0: {  	(tag) =	ssettag $0x1  }
0x1: {  	s3 =	stileid.u32  }
0x2: {  	s0 =	srdreg.scid;
	s6 =	rddreg [dreg:$0x0]  }
0x3: {  	s2 =	simm.s32 $0x0;
	s17 =	simm.s32 $0x3;
	s18 =	simm.s32 $0x1  }
0x4: {  	s19 =	simm.s32 $0x15000;
	s20 =	simm.s32 $0x17000;
	s21 =	simm.s32 $0x19000  }
0x5: {  	s28 =	simm.s32 $0x7800;
	s29 =	simm.s32 $0x11800;
	s30 =	simm.s32 $0x2  }
0x6: {  	s31 =	simm.s32 $0x4;
	s1 =	sshll.u32 s3, $0x1;
	s0 =	sand.u32 $0x1, s0  }
0x7: {  	s5 =	sshrl.u32 s3, $0x3;
	[smem:$0x7FF] =	sst s2;
	s3 =	sadd.s32 $0x2AC00, s6  }
0x8: {  	s4 =	sadd.s32 $0x20C00, s6;
	s1 =	sand.u32 $0xE, s1;
	s7 =	smul.u32 $0xA0000, s5  }
0x9: {  	_ =	strace $0x80000047;
	s23 =	smul.u32 $0x28000, s5;
	s1 =	sor.u32 s0, s1  }
0xa: {  	s5 =	sadd.s32 $0x2C00, s6;
	s0 =	ssub.s32 $0x2, s0;
	s1 =	smul.u32 $0xA000, s1  }
0xb: {  	s24 =	sshrl.u32 s0, $0x1;
	s9 =	sshrl.u32 s23, $0x3;
	s10 =	sor.u32 $0x1000, s23  }
0xc: {  	s11 =	sor.u32 $0x2000, s23;
	s23 =	simm.s32 $0x2800;
	s0 =	ssub.s32 s0, s24  }
0xd: {  	s26 =	sadd.s32 s3, s9;
	s24 =	simm.s32 $0xC800;
	s22 =	sshrl.u32 s1, $0x3  }
0xe: {  	s1 =	sadd.s32 s7, s1;
	[dreg:$0x3] =	wrdreg s26;
	s13 =	smax.u32 s0, $0x1  }
0xf: {  	s26 =	simm.s32 $0xF000;
	s8 =	sadd.s32 s22, s6;
	s1 =	sshrl.u32 s1, $0x3  }
0x10: {  	s22 =	simm.s32 $0xA000;
	s1 =	sadd.s32 s1, s6;
	s25 =	sadd.s32 $0xCC00, s8  }
0x11: {  	s8 =	sadd.s32 s4, s9;
	s9 =	sadd.s32 s5, s9;
	[dreg:$0x2] =	wrdreg s25  }
0x12: {  	v0 =	vimm.f32 $0.0e+00;
	s12 =	sadd.s32 $0x34C00, s1;
	s25 =	simm.s32 $0x5000;
	s1 =	simm.s32 $0x0  }
.LBB2_1:
0x13: {  	s0 =	rddreg [dreg:$0x2]  }
0x14: {  	[tilespmem:s2], [sflag:$0x3] =	stream.linear.gather [hbm4b:s0+s2], $0xA000, $0x38;
	[tilespmem:$0x1A000] =	vst v63  }
0x15: {  	s14 =	rddreg [dreg:$0x3];
	s6 =	simm.s32 $0x14000  }
0x16: {  	[tilespmem:s6], [sflag:$0x1] =	stream.linear.gather [hbm4b:s14+s2], $0x1000, $0x38;
	[tilespmem:$0x1A000] =	vst v63  }
0x17: {  	s15 =	simm.s32 $0x16000  }
0x18: {  	[tilespmem:s15], [sflag:$0x1] =	stream.linear.gather [hbm4b:s8+s2], $0x1000, $0x38;
	[tilespmem:$0x1A000] =	vst v63  }
0x19: {  	s16 =	simm.s32 $0x18000;
	s0 =	simm.s32 $0x0;
	s6 =	simm.s32 $0x40  }
0x1a: {  	[tilespmem:s16], [sflag:$0x1] =	stream.linear.gather [hbm4b:s9+s2], $0x1000, $0x38;
	[tilespmem:$0x1A000] =	vst v63  }
.LBB2_2:
0x1b: {  	p0 =	sne.s32 s6, $0x9FC0;
	[tilespmem:s0+$0x11800] =	vst v0;
	s7 =	smov.u32 s6;
	s6 =	sadd.s32 $0x40, s6  }
.Ltmp0:
0x1c: {  	[tilespmem:s0+$0xF000] =	vst v0;
	(pc) =	sbr.rel @p0 .LBB2_2-.Ltmp0, $3  }
0x1d: {  	[tilespmem:s0+$0xA000] =	vst v0  }
0x1e: {  	[tilespmem:s0+$0xC800] =	vst v0;
	_ =	sdelay $0x1  }
0x1f: {  	s0 =	sshra.s32 s7, $0x2  }
0x20: {  	[tilespmem:s0+$0x11800] =	vst v0  }
0x21: {  	[tilespmem:s0+$0xF000] =	vst v0  }
0x22: {  	[tilespmem:s0+$0xA000] =	vst v0  }
0x23: {  	[tilespmem:s0+$0xC800] =	vst v0  }
0x24: {  	_ =	swait.ge [sflag:s17], $0xA000  }
0x25: {  	[sflag:s17] =	ssyncset.done $0x0  }
0x26: {  	s0 =	simm.s32 $0x0;
	[sflag:s17] =	ssyncadd.s32 $0xFFFF6000  }
.LBB2_4:
0x27: {  	_ =	swait.ge [sflag:s18], $0x1000  }
0x28: {  	[sflag:s18] =	ssyncset.done $0x0  }
0x29: {  	[sflag:s18] =	ssyncadd.s32 $0xFFFFF000  }
0x2a: {  	_ =	swait.ge [sflag:s18], $0x1000  }
0x2b: {  	[sflag:s18] =	ssyncset.done $0x0  }
0x2c: {  	s14 =	sshll.u32 s0, $0xD;
	[sflag:s18] =	ssyncadd.s32 $0xFFFFF000  }
0x2d: {  	s6 =	sadd.s32 s14, s10;
	_ =	swait.ge [sflag:s18], $0x1000  }
0x2e: {  	s6 =	sshrl.u32 s6, $0x3;
	[sflag:s18] =	ssyncset.done $0x0  }
0x2f: {  	s7 =	sadd.s32 s3, s6;
	[sflag:s18] =	ssyncadd.s32 $0xFFFFF000  }
0x30: {  	[tilespmem:s19], [sflag:$0x2] =	stream.linear.gather [hbm4b:s7+s2], $0x1000, $0x38;
	[tilespmem:$0x1A000] =	vst v63  }
0x31: {  	s15 =	sadd.s32 s4, s6  }
0x32: {  	[tilespmem:s20], [sflag:$0x2] =	stream.linear.gather [hbm4b:s15+s2], $0x1000, $0x38;
	[tilespmem:$0x1A000] =	vst v63  }
0x33: {  	s16 =	simm.s32 $0x14020;
	s6 =	sadd.s32 s5, s6  }
0x34: {  	[tilespmem:s21], [sflag:$0x2] =	stream.linear.gather [hbm4b:s6+s2], $0x1000, $0x38;
	[tilespmem:$0x1A000] =	vst v63  }
0x35: {  	v10 =	vld [tilespmem:s16+$0x10];
	_ =	sdelay $0x2  }
0x36: {  	v1 =	vld [tilespmem:s16+$0xFFFFFFF0]  }
0x37: {  	v3 =	vld [tilespmem:s16+$0xFFFFFFE0]  }
0x38: {  	s15 =	simm.s32 $0x16020;
	v2 =	vld [tilespmem:s16+$0x0]  }
0x39: {  	v12 =	vld [tilespmem:s15+$0x10];
	s16 =	simm.s32 $0x18020  }
0x3a: {  	v11 =	vld [tilespmem:s16+$0x10]  }
0x3b: {  	v5 =	vld.idx.msk [tilespmem:v10+s2+$0x0], $0xffff  }
0x3c: {  	v7 =	vld [tilespmem:s15+$0xFFFFFFF0]  }
0x3d: {  	v8 =	vld [tilespmem:s15+$0x0]  }
0x3e: {  	v4 =	vld [tilespmem:s16+$0xFFFFFFE0]  }
0x3f: {  	v9 =	vld [tilespmem:s16+$0x0]  }
0x40: {  	v13 =	vld.idx.msk [tilespmem:v1+s2+$0x0], $0xffff;
	v6 =	vmul.f32 v5, v11  }
0x41: {  	v15 =	vld.idx.msk [tilespmem:v2+s2+$0x0], $0xffff  }
0x42: {  	[tilespmem:v12+s22+$0x0] =	vst.idx.add.f32.msk $0xffff, v6  }
0x43: {  	v16 =	vld.idx.msk [tilespmem:v10+s23+$0x0], $0xffff  }
0x44: {  	v5 =	vld [tilespmem:s16+$0xFFFFFFF0]  }
0x45: {  	v6 =	vld [tilespmem:s15+$0xFFFFFFE0]  }
0x46: {  	v14 =	vld.idx.msk [tilespmem:v3+s2+$0x0], $0xffff  }
0x47: {  	v15 =	vmul.f32 v15, v9  }
0x48: {  	v16 =	vmul.f32 v16, v11  }
0x49: {  	[tilespmem:v8+s22+$0x0] =	vst.idx.add.f32.msk $0xffff, v15  }
0x4a: {  	v13 =	vmul.f32 v13, v5;
	[tilespmem:v12+s24+$0x0] =	vst.idx.add.f32.msk $0xffff, v16  }
0x4b: {  	v14 =	vmul.f32 v14, v4;
	v16 =	vld.idx.msk [tilespmem:v10+s25+$0x0], $0xffff  }
0x4c: {  	[tilespmem:v7+s22+$0x0] =	vst.idx.add.f32.msk $0xffff, v13  }
0x4d: {  	[tilespmem:v6+s22+$0x0] =	vst.idx.add.f32.msk $0xffff, v14  }
0x4e: {  	v60 =	vld.idx.msk [tilespmem:v3+s23+$0x0], $0xffff  }
0x4f: {  	v61 =	vld.idx.msk [tilespmem:v1+s23+$0x0], $0xffff  }
0x50: {  	v15 =	vld.idx.msk [tilespmem:v2+s23+$0x0], $0xffff;
	v16 =	vmul.f32 v16, v11;
	_ =	sdelay $0x1  }
0x51: {  	[tilespmem:v12+s26+$0x0] =	vst.idx.add.f32.msk $0xffff, v16  }
0x52: {  	v16 =	vld.idx.msk [tilespmem:v10+s28+$0x0], $0xffff;
	v10 =	vmul.f32 v60, v4  }
0x53: {  	v62 =	vmul.f32 v61, v5  }
0x54: {  	[tilespmem:v6+s24+$0x0] =	vst.idx.add.f32.msk $0xffff, v10;
	v10 =	vmul.f32 v15, v9  }
0x55: {  	[tilespmem:v7+s24+$0x0] =	vst.idx.add.f32.msk $0xffff, v62  }
0x56: {  	[tilespmem:v8+s24+$0x0] =	vst.idx.add.f32.msk $0xffff, v10  }
0x57: {  	v10 =	vld.idx.msk [tilespmem:v3+s25+$0x0], $0xffff;
	v63 =	vmul.f32 v16, v11  }
0x58: {  	v11 =	vld.idx.msk [tilespmem:v1+s25+$0x0], $0xffff  }
0x59: {  	s7 =	simm.s32 $0x14060;
	s6 =	simm.s32 $0x0;
	[tilespmem:v12+s29+$0x0] =	vst.idx.add.f32.msk $0xffff, v63  }
.LBB2_5:
0x5a: {  	v12 =	vld [tilespmem:s7+$0x10];
	s6 =	sadd.s32 $0x4, s6  }
0x5b: {  	v13 =	vld [tilespmem:s7+$0xFFFFFFF0];
	p0 =	slt.u32 s6, $0xFC  }
0x5c: {  	v14 =	vld [tilespmem:s7+$0x0]  }
0x5d: {  	v10 =	vmul.f32 v10, v4;
	v15 =	vld [tilespmem:s7+$0xFFFFFFE0]  }
0x5e: {  	v11 =	vmul.f32 v11, v5;
	v16 =	vld.idx.msk [tilespmem:v2+s25+$0x0], $0xffff  }
0x5f: {  	[tilespmem:v6+s26+$0x0] =	vst.idx.add.f32.msk $0xffff, v10  }
0x60: {  	s15 =	sadd.s32 $0x40, s15;
	[tilespmem:v7+s26+$0x0] =	vst.idx.add.f32.msk $0xffff, v11  }
0x61: {  	v17 =	vld [tilespmem:s15+$0x10]  }
0x62: {  	s16 =	sadd.s32 $0x40, s16;
	v10 =	vld.idx.msk [tilespmem:v12+s2+$0x0], $0xffff  }
0x63: {  	v11 =	vld [tilespmem:s16+$0x10]  }
0x64: {  	v16 =	vmul.f32 v16, v9;
	v18 =	vld.idx.msk [tilespmem:v13+s2+$0x0], $0xffff  }
0x65: {  	v19 =	vld.idx.msk [tilespmem:v15+s2+$0x0], $0xffff  }
0x66: {  	v20 =	vld.idx.msk [tilespmem:v14+s2+$0x0], $0xffff  }
0x67: {  	v21 =	vld [tilespmem:s16+$0xFFFFFFE0]  }
0x68: {  	v22 =	vld [tilespmem:s16+$0xFFFFFFF0];
	v10 =	vmul.f32 v10, v11  }
0x69: {  	v23 =	vld [tilespmem:s16+$0x0]  }
0x6a: {  	[tilespmem:v17+s22+$0x0] =	vst.idx.add.f32.msk $0xffff, v10  }
0x6b: {  	v10 =	vld.idx.msk [tilespmem:v12+s23+$0x0], $0xffff  }
0x6c: {  	v24 =	vld [tilespmem:s15+$0xFFFFFFE0];
	v19 =	vmul.f32 v19, v21  }
0x6d: {  	v25 =	vld [tilespmem:s15+$0xFFFFFFF0];
	v18 =	vmul.f32 v18, v22  }
0x6e: {  	v26 =	vld [tilespmem:s15+$0x0];
	v20 =	vmul.f32 v20, v23  }
0x6f: {  	[tilespmem:v8+s26+$0x0] =	vst.idx.add.f32.msk $0xffff, v16  }
0x70: {  	v16 =	vld.idx.msk [tilespmem:v3+s28+$0x0], $0xffff;
	v3 =	vmov v15  }
0x71: {  	v10 =	vmul.f32 v10, v11;
	v15 =	vld.idx.msk [tilespmem:v1+s28+$0x0], $0xffff;
	v1 =	vmov v13  }
0x72: {  	v13 =	vld.idx.msk [tilespmem:v2+s28+$0x0], $0xffff;
	v2 =	vmov v14  }
0x73: {  	[tilespmem:v17+s24+$0x0] =	vst.idx.add.f32.msk $0xffff, v10  }
0x74: {  	v10 =	vld.idx.msk [tilespmem:v12+s25+$0x0], $0xffff  }
0x75: {  	[tilespmem:v24+s22+$0x0] =	vst.idx.add.f32.msk $0xffff, v19  }
0x76: {  	v14 =	vmul.f32 v16, v4;
	v4 =	vmov v21;
	[tilespmem:v25+s22+$0x0] =	vst.idx.add.f32.msk $0xffff, v18  }
0x77: {  	v15 =	vmul.f32 v15, v5;
	v5 =	vmov v22;
	[tilespmem:v26+s22+$0x0] =	vst.idx.add.f32.msk $0xffff, v20  }
0x78: {  	v13 =	vmul.f32 v13, v9;
	v9 =	vmov v23;
	v16 =	vld.idx.msk [tilespmem:v3+s23+$0x0], $0xffff  }
0x79: {  	v18 =	vld.idx.msk [tilespmem:v1+s23+$0x0], $0xffff  }
0x7a: {  	v10 =	vmul.f32 v10, v11;
	v19 =	vld.idx.msk [tilespmem:v2+s23+$0x0], $0xffff  }
0x7b: {  	[tilespmem:v6+s29+$0x0] =	vst.idx.add.f32.msk $0xffff, v14;
	v6 =	vmov v24  }
0x7c: {  	[tilespmem:v17+s26+$0x0] =	vst.idx.add.f32.msk $0xffff, v10  }
0x7d: {  	v12 =	vld.idx.msk [tilespmem:v12+s28+$0x0], $0xffff  }
0x7e: {  	v10 =	vmul.f32 v16, v4;
	[tilespmem:v7+s29+$0x0] =	vst.idx.add.f32.msk $0xffff, v15;
	v7 =	vmov v25  }
0x7f: {  	v14 =	vmul.f32 v18, v5;
	[tilespmem:v8+s29+$0x0] =	vst.idx.add.f32.msk $0xffff, v13;
	v8 =	vmov v26  }
0x80: {  	[tilespmem:v24+s24+$0x0] =	vst.idx.add.f32.msk $0xffff, v10;
	v10 =	vmul.f32 v19, v9  }
.Ltmp1:
0x81: {  	[tilespmem:v25+s24+$0x0] =	vst.idx.add.f32.msk $0xffff, v14;
	(pc) =	sbr.rel @p0 .LBB2_5-.Ltmp1, $4  }
0x82: {  	[tilespmem:v26+s24+$0x0] =	vst.idx.add.f32.msk $0xffff, v10  }
0x83: {  	v12 =	vmul.f32 v12, v11;
	v10 =	vld.idx.msk [tilespmem:v3+s25+$0x0], $0xffff  }
0x84: {  	v11 =	vld.idx.msk [tilespmem:v1+s25+$0x0], $0xffff  }
0x85: {  	s7 =	sadd.s32 $0x40, s7;
	[tilespmem:v17+s29+$0x0] =	vst.idx.add.f32.msk $0xffff, v12  }
0x86: {  	_ =	sdelay $0x3  }
0x87: {  	v12 =	vld.idx.msk [tilespmem:v2+s25+$0x0], $0xffff  }
0x88: {  	v10 =	vmul.f32 v10, v4  }
0x89: {  	v11 =	vmul.f32 v11, v5  }
0x8a: {  	[tilespmem:v6+s26+$0x0] =	vst.idx.add.f32.msk $0xffff, v10  }
0x8b: {  	[tilespmem:v7+s26+$0x0] =	vst.idx.add.f32.msk $0xffff, v11  }
0x8c: {  	v10 =	vmul.f32 v12, v9;
	v3 =	vld.idx.msk [tilespmem:v3+s28+$0x0], $0xffff  }
0x8d: {  	v1 =	vld.idx.msk [tilespmem:v1+s28+$0x0], $0xffff  }
0x8e: {  	[tilespmem:v8+s26+$0x0] =	vst.idx.add.f32.msk $0xffff, v10  }
0x8f: {  	v2 =	vld.idx.msk [tilespmem:v2+s28+$0x0], $0xffff;
	_ =	sdelay $0x2  }
0x90: {  	v3 =	vmul.f32 v3, v4  }
0x91: {  	v1 =	vmul.f32 v1, v5  }
0x92: {  	[tilespmem:v6+s29+$0x0] =	vst.idx.add.f32.msk $0xffff, v3;
	v2 =	vmul.f32 v2, v9  }
0x93: {  	[tilespmem:v7+s29+$0x0] =	vst.idx.add.f32.msk $0xffff, v1  }
0x94: {  	[tilespmem:v8+s29+$0x0] =	vst.idx.add.f32.msk $0xffff, v2  }
0x95: {  	_ =	swait.ge [sflag:s30], $0x1000  }
0x96: {  	[sflag:s30] =	ssyncset.done $0x0  }
0x97: {  	[sflag:s30] =	ssyncadd.s32 $0xFFFFF000  }
0x98: {  	_ =	swait.ge [sflag:s30], $0x1000  }
0x99: {  	[sflag:s30] =	ssyncset.done $0x0  }
0x9a: {  	p0 =	seq.s32 s0, $0x13;
	[sflag:s30] =	ssyncadd.s32 $0xFFFFF000  }
0x9b: {  	s6 =	sadd.s32 @!p0 s14, s11;
	_ =	swait.ge [sflag:s30], $0x1000  }
0x9c: {  	s14 =	simm.s32 @!p0 $0x0;
	s6 =	sshrl.u32 @!p0 s6, $0x3;
	[sflag:s30] =	ssyncset.done $0x0  }
0x9d: {  	s15 =	simm.s32 @!p0 $0x14000;
	s7 =	sadd.s32 @!p0 s3, s6;
	[sflag:s30] =	ssyncadd.s32 $0xFFFFF000  }
0x9e: {  	[tilespmem:s15], [sflag:$0x1] =	stream.linear.gather @!p0 [hbm4b:s7+s14], $0x1000, $0x38;
	[tilespmem:$0x1A000] =	vst v63  }
0x9f: {  	s7 =	sadd.s32 @!p0 s4, s6;
	s15 =	simm.s32 @!p0 $0x16000  }
0xa0: {  	[tilespmem:s15], [sflag:$0x1] =	stream.linear.gather @!p0 [hbm4b:s7+s14], $0x1000, $0x38;
	[tilespmem:$0x1A000] =	vst v63  }
0xa1: {  	s16 =	simm.s32 $0x15030;
	s6 =	sadd.s32 @!p0 s5, s6;
	s7 =	simm.s32 @!p0 $0x18000  }
0xa2: {  	[tilespmem:s7], [sflag:$0x1] =	stream.linear.gather @!p0 [hbm4b:s6+s14], $0x1000, $0x38;
	[tilespmem:$0x1A000] =	vst v63  }
0xa3: {  	v10 =	vld [tilespmem:s16+$0x0];
	_ =	sdelay $0x4  }
0xa4: {  	s14 =	simm.s32 $0x17030;
	v3 =	vld [tilespmem:s16+$0xFFFFFFD0]  }
0xa5: {  	s15 =	simm.s32 $0x19030;
	v59 =	vld [tilespmem:s14+$0x0]  }
0xa6: {  	v11 =	vld [tilespmem:s15+$0x0]  }
0xa7: {  	v5 =	vld.idx.msk [tilespmem:v10+s2+$0x0], $0xffff  }
0xa8: {  	v1 =	vld [tilespmem:s16+$0xFFFFFFE0]  }
0xa9: {  	v2 =	vld [tilespmem:s16+$0xFFFFFFF0]  }
0xaa: {  	v4 =	vld [tilespmem:s15+$0xFFFFFFD0]  }
0xab: {  	v6 =	vld [tilespmem:s15+$0xFFFFFFE0]  }
0xac: {  	v8 =	vld [tilespmem:s14+$0xFFFFFFD0];
	v5 =	vmul.f32 v5, v11  }
0xad: {  	v14 =	vld.idx.msk [tilespmem:v3+s2+$0x0], $0xffff  }
0xae: {  	[tilespmem:v59+s22+$0x0] =	vst.idx.add.f32.msk $0xffff, v5  }
0xaf: {  	v16 =	vld.idx.msk [tilespmem:v10+s23+$0x0], $0xffff  }
0xb0: {  	v7 =	vld [tilespmem:s14+$0xFFFFFFE0]  }
0xb1: {  	v13 =	vld.idx.msk [tilespmem:v1+s2+$0x0], $0xffff  }
0xb2: {  	v9 =	vld [tilespmem:s15+$0xFFFFFFF0]  }
0xb3: {  	v14 =	vmul.f32 v14, v4;
	v5 =	vld [tilespmem:s14+$0xFFFFFFF0]  }
0xb4: {  	v15 =	vld.idx.msk [tilespmem:v2+s2+$0x0], $0xffff;
	v16 =	vmul.f32 v16, v11  }
0xb5: {  	[tilespmem:v8+s22+$0x0] =	vst.idx.add.f32.msk $0xffff, v14  }
0xb6: {  	v13 =	vmul.f32 v13, v6;
	[tilespmem:v59+s24+$0x0] =	vst.idx.add.f32.msk $0xffff, v16  }
0xb7: {  	v16 =	vld.idx.msk [tilespmem:v10+s25+$0x0], $0xffff  }
0xb8: {  	[tilespmem:v7+s22+$0x0] =	vst.idx.add.f32.msk $0xffff, v13  }
0xb9: {  	v15 =	vmul.f32 v15, v9;
	v60 =	vld.idx.msk [tilespmem:v3+s23+$0x0], $0xffff  }
0xba: {  	v61 =	vld.idx.msk [tilespmem:v1+s23+$0x0], $0xffff  }
0xbb: {  	[tilespmem:v5+s22+$0x0] =	vst.idx.add.f32.msk $0xffff, v15  }
0xbc: {  	v15 =	vld.idx.msk [tilespmem:v2+s23+$0x0], $0xffff;
	v16 =	vmul.f32 v16, v11;
	_ =	sdelay $0x1  }
0xbd: {  	[tilespmem:v59+s26+$0x0] =	vst.idx.add.f32.msk $0xffff, v16  }
0xbe: {  	v16 =	vld.idx.msk [tilespmem:v10+s28+$0x0], $0xffff;
	v10 =	vmul.f32 v60, v4  }
0xbf: {  	v62 =	vmul.f32 v61, v6  }
0xc0: {  	[tilespmem:v8+s24+$0x0] =	vst.idx.add.f32.msk $0xffff, v10;
	v10 =	vmul.f32 v15, v9  }
0xc1: {  	[tilespmem:v7+s24+$0x0] =	vst.idx.add.f32.msk $0xffff, v62  }
0xc2: {  	[tilespmem:v5+s24+$0x0] =	vst.idx.add.f32.msk $0xffff, v10  }
0xc3: {  	v10 =	vld.idx.msk [tilespmem:v3+s25+$0x0], $0xffff;
	v63 =	vmul.f32 v16, v11  }
0xc4: {  	v11 =	vld.idx.msk [tilespmem:v1+s25+$0x0], $0xffff  }
0xc5: {  	s6 =	simm.s32 $0x0;
	s7 =	simm.s32 $0x15070;
	[tilespmem:v59+s29+$0x0] =	vst.idx.add.f32.msk $0xffff, v63  }
.LBB2_7:
0xc6: {  	v12 =	vld [tilespmem:s7+$0x0];
	s6 =	sadd.s32 $0x4, s6  }
0xc7: {  	v13 =	vld [tilespmem:s7+$0xFFFFFFE0];
	p0 =	slt.u32 s6, $0xFC  }
0xc8: {  	v14 =	vld [tilespmem:s7+$0xFFFFFFF0]  }
0xc9: {  	v10 =	vmul.f32 v10, v4;
	v15 =	vld [tilespmem:s7+$0xFFFFFFD0]  }
0xca: {  	v11 =	vmul.f32 v11, v6;
	v16 =	vld.idx.msk [tilespmem:v2+s25+$0x0], $0xffff  }
0xcb: {  	[tilespmem:v8+s26+$0x0] =	vst.idx.add.f32.msk $0xffff, v10  }
0xcc: {  	s14 =	sadd.s32 $0x40, s14;
	[tilespmem:v7+s26+$0x0] =	vst.idx.add.f32.msk $0xffff, v11  }
0xcd: {  	v17 =	vld [tilespmem:s14+$0x0]  }
0xce: {  	s15 =	sadd.s32 $0x40, s15;
	v10 =	vld.idx.msk [tilespmem:v12+s2+$0x0], $0xffff  }
0xcf: {  	v11 =	vld [tilespmem:s15+$0x0]  }
0xd0: {  	v16 =	vmul.f32 v16, v9;
	v18 =	vld.idx.msk [tilespmem:v13+s2+$0x0], $0xffff  }
0xd1: {  	v19 =	vld.idx.msk [tilespmem:v15+s2+$0x0], $0xffff  }
0xd2: {  	v20 =	vld.idx.msk [tilespmem:v14+s2+$0x0], $0xffff  }
0xd3: {  	v21 =	vld [tilespmem:s15+$0xFFFFFFD0]  }
0xd4: {  	v22 =	vld [tilespmem:s15+$0xFFFFFFE0];
	v10 =	vmul.f32 v10, v11  }
0xd5: {  	v23 =	vld [tilespmem:s15+$0xFFFFFFF0]  }
0xd6: {  	[tilespmem:v17+s22+$0x0] =	vst.idx.add.f32.msk $0xffff, v10  }
0xd7: {  	v10 =	vld.idx.msk [tilespmem:v12+s23+$0x0], $0xffff  }
0xd8: {  	v24 =	vld [tilespmem:s14+$0xFFFFFFD0];
	v19 =	vmul.f32 v19, v21  }
0xd9: {  	v25 =	vld [tilespmem:s14+$0xFFFFFFE0];
	v18 =	vmul.f32 v18, v22  }
0xda: {  	v26 =	vld [tilespmem:s14+$0xFFFFFFF0];
	v20 =	vmul.f32 v20, v23  }
0xdb: {  	[tilespmem:v5+s26+$0x0] =	vst.idx.add.f32.msk $0xffff, v16  }
0xdc: {  	v16 =	vld.idx.msk [tilespmem:v3+s28+$0x0], $0xffff;
	v3 =	vmov v15  }
0xdd: {  	v10 =	vmul.f32 v10, v11;
	v15 =	vld.idx.msk [tilespmem:v1+s28+$0x0], $0xffff;
	v1 =	vmov v13  }
0xde: {  	v13 =	vld.idx.msk [tilespmem:v2+s28+$0x0], $0xffff;
	v2 =	vmov v14  }
0xdf: {  	[tilespmem:v17+s24+$0x0] =	vst.idx.add.f32.msk $0xffff, v10  }
0xe0: {  	v10 =	vld.idx.msk [tilespmem:v12+s25+$0x0], $0xffff  }
0xe1: {  	[tilespmem:v24+s22+$0x0] =	vst.idx.add.f32.msk $0xffff, v19  }
0xe2: {  	v14 =	vmul.f32 v16, v4;
	v4 =	vmov v21;
	[tilespmem:v25+s22+$0x0] =	vst.idx.add.f32.msk $0xffff, v18  }
0xe3: {  	v15 =	vmul.f32 v15, v6;
	v6 =	vmov v22;
	[tilespmem:v26+s22+$0x0] =	vst.idx.add.f32.msk $0xffff, v20  }
0xe4: {  	v13 =	vmul.f32 v13, v9;
	v9 =	vmov v23;
	v16 =	vld.idx.msk [tilespmem:v3+s23+$0x0], $0xffff  }
0xe5: {  	v18 =	vld.idx.msk [tilespmem:v1+s23+$0x0], $0xffff  }
0xe6: {  	v10 =	vmul.f32 v10, v11;
	v19 =	vld.idx.msk [tilespmem:v2+s23+$0x0], $0xffff  }
0xe7: {  	[tilespmem:v8+s29+$0x0] =	vst.idx.add.f32.msk $0xffff, v14;
	v8 =	vmov v24  }
0xe8: {  	[tilespmem:v17+s26+$0x0] =	vst.idx.add.f32.msk $0xffff, v10  }
0xe9: {  	v12 =	vld.idx.msk [tilespmem:v12+s28+$0x0], $0xffff  }
0xea: {  	v10 =	vmul.f32 v16, v4;
	[tilespmem:v7+s29+$0x0] =	vst.idx.add.f32.msk $0xffff, v15;
	v7 =	vmov v25  }
0xeb: {  	v14 =	vmul.f32 v18, v6;
	[tilespmem:v5+s29+$0x0] =	vst.idx.add.f32.msk $0xffff, v13;
	v5 =	vmov v26  }
0xec: {  	[tilespmem:v24+s24+$0x0] =	vst.idx.add.f32.msk $0xffff, v10;
	v10 =	vmul.f32 v19, v9  }
.Ltmp2:
0xed: {  	[tilespmem:v25+s24+$0x0] =	vst.idx.add.f32.msk $0xffff, v14;
	(pc) =	sbr.rel @p0 .LBB2_7-.Ltmp2, $4  }
0xee: {  	[tilespmem:v26+s24+$0x0] =	vst.idx.add.f32.msk $0xffff, v10  }
0xef: {  	v12 =	vmul.f32 v12, v11;
	v10 =	vld.idx.msk [tilespmem:v3+s25+$0x0], $0xffff  }
0xf0: {  	v11 =	vld.idx.msk [tilespmem:v1+s25+$0x0], $0xffff  }
0xf1: {  	s7 =	sadd.s32 $0x40, s7;
	[tilespmem:v17+s29+$0x0] =	vst.idx.add.f32.msk $0xffff, v12  }
0xf2: {  	_ =	sdelay $0x3  }
0xf3: {  	v12 =	vld.idx.msk [tilespmem:v2+s25+$0x0], $0xffff  }
0xf4: {  	v10 =	vmul.f32 v10, v4  }
0xf5: {  	v11 =	vmul.f32 v11, v6  }
0xf6: {  	[tilespmem:v8+s26+$0x0] =	vst.idx.add.f32.msk $0xffff, v10  }
0xf7: {  	[tilespmem:v7+s26+$0x0] =	vst.idx.add.f32.msk $0xffff, v11  }
0xf8: {  	v63 =	vmul.f32 v12, v9;
	v3 =	vld.idx.msk [tilespmem:v3+s28+$0x0], $0xffff  }
0xf9: {  	v1 =	vld.idx.msk [tilespmem:v1+s28+$0x0], $0xffff  }
0xfa: {  	[tilespmem:v5+s26+$0x0] =	vst.idx.add.f32.msk $0xffff, v63  }
0xfb: {  	v2 =	vld.idx.msk [tilespmem:v2+s28+$0x0], $0xffff  }
0xfc: {  	s0 =	sadd.s32 $0x1, s0  }
0xfd: {  	p0 =	sne.s32 s0, $0x14  }
.Ltmp3:
0xfe: {  	v3 =	vmul.f32 v3, v4;
	(pc) =	sbr.rel @p0 .LBB2_4-.Ltmp3, $4  }
0xff: {  	v1 =	vmul.f32 v1, v6  }
0x100: {  	[tilespmem:v8+s29+$0x0] =	vst.idx.add.f32.msk $0xffff, v3;
	v2 =	vmul.f32 v2, v9  }
0x101: {  	[tilespmem:v7+s29+$0x0] =	vst.idx.add.f32.msk $0xffff, v1  }
0x102: {  	[tilespmem:v5+s29+$0x0] =	vst.idx.add.f32.msk $0xffff, v2  }
0x103: {  	s1 =	sadd.s32 $0x1, s1  }
0x104: {  	p0 =	sne.s32 s1, s13  }
.Ltmp4:
0x105: {  	_ = 	snop;
	(pc) =	sbr.rel @p0 .LBB2_1-.Ltmp4, $4  }
0x106: {  	[hbm4b:s12+s2] =	stream.linear.scatter [tilespmem:s22], [sflag:$0x4], $0xA000, $0x38;
	[tilespmem:$0x1A000] =	vst v63  }
0x107: {  	_ =	swait.ge [sflag:s31], $0xA000  }
0x108: {  	[sflag:s31] =	ssyncset.done $0x0  }
0x109: {  	[sflag:s31] =	ssyncadd.s32 $0xFFFF6000  }
0x10a: {  	_ =	sfence.sel $0x180000  }
0x10b: {  	[bflag:$0x0] =	sbarrier.arrive $0xFFFF  }
0x10c: {  	_ =	strace $0x90000047  }
0x10d: {  	s0 =	stileid.u32;
	[bflag:$0x2] =	sbarrier.arrive $0xFFFF  }
0x10e: {  	p0 =	sne.s32 s0, $0x0;
	s0 =	rddreg [dreg:$0x1]  }
0x10f: {  	s0 =	sadd.s32 @!p0 $0x100000, s0  }
0x110: {  	[sflag:s0] =	ssyncadd.tile.s32 @!p0 $0x1;
	_ =	shalt  }
.Lfunc_end2:
_tile_overlayer_lowered:
.L_overlay_start_2:
0x111: {  	(tag) =	ssettag $0x2  }
0x112: {  	s0 =	rddreg [dreg:$0x0];
	s2 =	stileid.u32  }
0x113: {  	s1 =	rddreg [dreg:$0x1];
	p0 =	sne.s32 s2, $0x0  }
0x114: {  	s3 =	rddreg [dreg:$0x2];
	[bflag:$0x3] =	sbarrier.arrive $0xFFFF;
	s2 =	simm.s32 @!p0 $0x1C04  }
0x115: {  	[timem:s3], [sflag:s2] =	dma.local @!p0 [hbm:s0], s1  }
0x116: {  	s0 =	simm.s32 @!p0 $0x4  }
0x117: {  	_ =	swait.ge @!p0 [sflag:s0], s1  }
0x118: {  	s1 =	ssub.s32 @!p0 $0x0, s1;
	[sflag:s0] =	ssyncset.done @!p0 $0x0  }
0x119: {  	[sflag:s0] =	ssyncadd.s32 @!p0 s1  }
0x11a: {  	[bflag:$0x3] =	sbarrier.arrive $0xFFFF  }
0x11b: {  	_ =	shalt  }

// kernel: kernel.13.cloned.1.call-start
scs
__scs_entry_jumppad:
0x0: {  	(pc) =	sbr.rel $0x88, $3  }
0x1: {  	(tag) =	ssettag $0x0;
	lr =	simm.s32 $0x1  }
0x2: {  	[smem:$0x3F91] =	sst lr;
	_ =	strace $0xD0000000  }
0x3: {  	_ = 	snop  }
0x4: {  	_ = 	snop  }
0x5: {  	_ = 	snop  }
0x6: {  	_ = 	snop  }
0x7: {  	_ = 	snop  }
__scs_overlays_trampoline_lowered:
0x8: {  	[smem:$0x3FA0] =	sst s0  }
0x9: {  	[smem:$0x3FA1] =	sst s1  }
0xa: {  	[smem:$0x3FA2] =	sst s2  }
0xb: {  	[smem:$0x3FA3] =	sst s3  }
0xc: {  	[smem:$0x3FA4] =	sst s4  }
0xd: {  	[smem:$0x3FA5] =	sst s5  }
0xe: {  	[smem:$0x3FA6] =	sst s6  }
0xf: {  	[smem:$0x3FA7] =	sst s7  }
0x10: {  	[smem:$0x3FA8] =	sst s8  }
0x11: {  	[smem:$0x3FA9] =	sst s9;
	s0 =	simm.s32 @!p0 $0x0  }
0x12: {  	s1 =	sld [smem:$0x3F8F];
	s0 =	simm.s32 @p0 $0x1  }
0x13: {  	[smem:$0x3FAA] =	sst s0;
	s0 =	simm.s32 @!p1 $0x0  }
0x14: {  	s2 =	sld [smem:$0x3F8E];
	s0 =	simm.s32 @p1 $0x1  }
0x15: {  	[smem:$0x3FAB] =	sst s0;
	s0 =	simm.s32 @!p2 $0x0  }
0x16: {  	s3 =	sld [smem:$0x3FDB];
	s0 =	simm.s32 @p2 $0x1  }
0x17: {  	s4 =	simm.s32 $0x1BF5;
	[smem:$0x3FAD] =	sst s0  }
0x18: {  	s0 =	sld [smem:$0x3F90];
	_ =	swait.ge [sflag:s4], $0x0  }
0x19: {  	s7 =	sld [smem:$0x3F91]  }
0x1a: {  	s8 =	sadd.s32 $0xFFFFE003, lr  }
0x1b: {  	s9 =	sadd.s32 $0xFFFFFEF7, lr;
	s5 =	simm.s32 $0xFFFFFFFF;
	p2 =	slt.u32 s8, $0xFFFFF086  }
0x1c: {  	p1 =	slt.u32 s9, $0xF7A;
	s5 =	simm.s32 @!p2 $0x0  }
0x1d: {  	s5 =	simm.s32 @p1 $0x1;
	p0 =	seq.s32 s7, s2  }
0x1e: {  	s7 =	smul.u32 @!p0 $0xF7A, s2;
	p2 =	seq.s32 @!p0 s5, $0x0  }
0x1f: {  	s9 =	smul.u32 $0xF7A, s1;
	s8 =	simm.s32 @!p0 $0x1BF5;
	p2 =	por !p2, p0  }
0x20: {  	[sflag:s8] =	ssyncset.s32 @!p0 $0xFFFFF086;
	s6 =	sadd.s32 @!p0 s3, s7;
	s7 =	simm.s32 @!p0 $0x108  }
0x21: {  	s3 =	sadd.s32 s3, s9;
	s6 =	sadd.s32 @!p0 $0x88, s6;
	s7 =	simm.s32 @p2 $0x1082  }
0x22: {  	[simem:s7], [sflag:s8] =	dma.local @!p0 [hbm:s6], $0xF7A  }
0x23: {  	s9 =	sor.u32 $0xD0000000, s2;
	s6 =	simm.s32 $0x108;
	_ =	swait.ge @!p0 [sflag:s8], $0x0  }
0x24: {  	s3 =	sadd.s32 $0x88, s3;
	s6 =	simm.s32 @!p1 $0x1082;
	[sflag:s4] =	ssyncset.s32 $0xFFFFF086  }
0x25: {  	[simem:s6], [sflag:s4] =	dma.local [hbm:s3], $0xF7A  }
0x26: {  	[smem:$0x3F91] =	sst s1;
	(tag) =	ssettag s2;
	_ =	strace s9  }
0x27: {  	s1 =	sld [smem:$0x3FA1]  }
0x28: {  	s2 =	sld [smem:$0x3FA2]  }
0x29: {  	s4 =	sld [smem:$0x3FA4]  }
0x2a: {  	p0 =	seq.s32 s5, $0x0;
	s5 =	sld [smem:$0x3FA5]  }
0x2b: {  	s6 =	sld [smem:$0x3FA6]  }
0x2c: {  	s7 =	sld [smem:$0x3FA7]  }
0x2d: {  	s3 =	simm.s32 $0x108;
	s8 =	sld [smem:$0x3FA8]  }
0x2e: {  	s3 =	simm.s32 @!p0 $0x1082;
	s9 =	sld [smem:$0x3FA9]  }
0x2f: {  	lr =	sadd.s32 s0, s3;
	s0 =	sld [smem:$0x3FA0]  }
0x30: {  	s3 =	sld [smem:$0x3FA3]  }
0x31: {  	[smem:$0x3FAC] =	sst s10  }
0x32: {  	s10 =	sld [smem:$0x3FAA];
	_ =	sdelay $0x3  }
0x33: {  	p0 =	seq.s32 s10, $0x1;
	s10 =	sld [smem:$0x3FAC];
	_ =	sdelay $0x3  }
0x34: {  	[smem:$0x3FAC] =	sst s10  }
0x35: {  	s10 =	sld [smem:$0x3FAB];
	_ =	sdelay $0x3  }
0x36: {  	p1 =	seq.s32 s10, $0x1;
	s10 =	sld [smem:$0x3FAC];
	_ =	sdelay $0x3  }
0x37: {  	[smem:$0x3FAC] =	sst s10  }
0x38: {  	s10 =	sld [smem:$0x3FAD]  }
0x39: {  	_ = 	snop;
	(pc) =	sbr.ind lr, $3  }
0x3a: {  	_ = 	snop  }
0x3b: {  	_ = 	snop  }
0x3c: {  	p2 =	seq.s32 s10, $0x1;
	s10 =	sld [smem:$0x3FAC]  }
0x3d: {  	_ =	shalt  }
0x3e: {  	_ =	shalt  }
0x3f: {  	_ =	shalt  }
0x40: {  	_ =	shalt  }
0x41: {  	_ =	shalt  }
0x42: {  	_ =	shalt  }
0x43: {  	_ =	shalt  }
0x44: {  	_ =	shalt  }
0x45: {  	_ =	shalt  }
0x46: {  	_ =	shalt  }
0x47: {  	_ =	shalt  }
0x48: {  	_ =	shalt  }
0x49: {  	_ =	shalt  }
0x4a: {  	_ =	shalt  }
0x4b: {  	_ =	shalt  }
0x4c: {  	_ =	shalt  }
0x4d: {  	_ =	shalt  }
0x4e: {  	_ =	shalt  }
0x4f: {  	_ =	shalt  }
0x50: {  	_ =	shalt  }
0x51: {  	_ =	shalt  }
0x52: {  	_ =	shalt  }
0x53: {  	_ =	shalt  }
0x54: {  	_ =	shalt  }
0x55: {  	_ =	shalt  }
0x56: {  	_ =	shalt  }
0x57: {  	_ =	shalt  }
0x58: {  	_ =	shalt  }
0x59: {  	_ =	shalt  }
0x5a: {  	_ =	shalt  }
0x5b: {  	_ =	shalt  }
0x5c: {  	_ =	shalt  }
0x5d: {  	_ =	shalt  }
0x5e: {  	_ =	shalt  }
0x5f: {  	_ =	shalt  }
0x60: {  	_ =	shalt  }
0x61: {  	_ =	shalt  }
0x62: {  	_ =	shalt  }
0x63: {  	_ =	shalt  }
0x64: {  	_ =	shalt  }
0x65: {  	_ =	shalt  }
0x66: {  	_ =	shalt  }
0x67: {  	_ =	shalt  }
0x68: {  	_ =	shalt  }
0x69: {  	_ =	shalt  }
0x6a: {  	_ =	shalt  }
0x6b: {  	_ =	shalt  }
0x6c: {  	_ =	shalt  }
0x6d: {  	_ =	shalt  }
0x6e: {  	_ =	shalt  }
0x6f: {  	_ =	shalt  }
0x70: {  	_ =	shalt  }
0x71: {  	_ =	shalt  }
0x72: {  	_ =	shalt  }
0x73: {  	_ =	shalt  }
0x74: {  	_ =	shalt  }
0x75: {  	_ =	shalt  }
0x76: {  	_ =	shalt  }
0x77: {  	_ =	shalt  }
0x78: {  	_ =	shalt  }
0x79: {  	_ =	shalt  }
0x7a: {  	_ =	shalt  }
0x7b: {  	_ =	shalt  }
0x7c: {  	_ =	shalt  }
0x7d: {  	_ =	shalt  }
0x7e: {  	_ =	shalt  }
0x7f: {  	_ =	shalt  }
0x80: {  	_ =	shalt  }
0x81: {  	_ =	shalt  }
0x82: {  	_ =	shalt  }
0x83: {  	_ =	shalt  }
0x84: {  	_ =	shalt  }
0x85: {  	_ =	shalt  }
0x86: {  	_ =	shalt  }
0x87: {  	_ =	shalt  }
.Lfunc_end0:
.L_simem_size_0:
called_computation.1_lowered:
.L_overlay_start_0:
0x88: {  	s2 =	sld [smem:$0x3FD9]  }
0x89: {  	s3 =	sld [smem:$0x3FFE];
	_ =	sdelay $0x1  }
0x8a: {  	s1 =	srdreg.scid  }
0x8b: {  	s0 =	sand.u32 $0x1, s1  }
0x8c: {  	s16 =	sshll.u32 s0, $0xA;
	s2 =	sadd.s32 s3, s2  }
0x8d: {  	s2 =	sadd.s32 s2, s16  }
0x8e: {  	[smem:$0x3FB8] =	sst s2  }
0x8f: {  	_ = 	snop  }
0x90: {  	(tm) =	ssettm $0x1  }
0x91: {  	s17 =	sld [smem:$0x3FFB];
	_ =	sdelay $0x3  }
0x92: {  	_ =	strace s17  }
0x93: {  	s2 =	sld [smem:$0x3FFC];
	_ =	sdelay $0x3  }
0x94: {  	_ =	strace s2  }
0x95: {  	s2 =	sld [smem:$0x3FFD];
	_ =	sdelay $0x3  }
0x96: {  	_ =	strace s2  }
0x97: {  	_ =	strace $0x8FFFFFFF  }
0x98: {  	s18 =	sld [smem:$0x3FDB];
	_ =	sdelay $0x1  }
0x99: {  	s19 =	simm.s32 $_scs_section_size  }
0x9a: {  	s4 =	simm.s32 $_size__tile_overlayer_lowered;
	s5 =	simm.s32 $_tile_overlayer_lowered  }
0x9b: {  	s22 =	simm.s32 $0x1BFF;
	s21 =	sshll.u32 s5, $0x1;
	s2 =	sadd.s32 s19, s18  }
0x9c: {  	s6 =	simm.s32 $0x0;
	s20 =	sshll.u32 s4, $0x1;
	s4 =	sadd.s32 s21, s2  }
0x9d: {  	[timem:s6], [sflag:s22] =	dma.local [hbm:s4], s20  }
0x9e: {  	_ =	swait.ge [sflag:s22], s20  }
0x9f: {  	s3 =	ssub.s32 $0x0, s20;
	[sflag:s22] =	ssyncset.done $0x0  }
0xa0: {  	[sflag:s22] =	ssyncadd.s32 s3;
	_ =	sdelay $0x1  }
0xa1: {  	s23 =	simm.s32 $0x1B8B  }
0xa2: {  	_ =	swait.ge [sflag:s23], $0x1  }
0xa3: {  	[sflag:s23] =	ssyncset.done $0x0  }
0xa4: {  	s25 =	simm.s32 $0x1B8E;
	s24 =	sld [smem:$0x3FFE];
	[sflag:s23] =	ssyncadd.s32 $0xFFFFFFFF  }
0xa5: {  	s26 =	simm.s32 $execute0_lowered;
	[smem:$0x3FD2] =	sst s25  }
0xa6: {  	s4 =	sshll.u32 s26, $0x1;
	_ =	strace $0x80000049;
	[dreg:$0x1] =	wrdreg $0xFFFFFFFF  }
0xa7: {  	s28 =	simm.s32 $_size_execute0_lowered;
	s2 =	sadd.s32 s2, s4;
	[dreg:$0x0] =	wrdreg $0x0  }
0xa8: {  	s4 =	sshll.u32 s28, $0x1;
	[dreg:$0x2] =	wrdreg s2  }
0xa9: {  	[dreg:$0x3] =	wrdreg s4  }
0xaa: {  	[dreg:$0x4] =	wrdreg $0xC0  }
0xab: {  	_ =	task [dreg:s6], $0x5FFFF  }
0xac: {  	[dreg:$0x1] =	wrdreg $0xFFFFFFFF  }
0xad: {  	[dreg:$0x0] =	wrdreg $0x60  }
0xae: {  	[dreg:$0x2] =	wrdreg s24  }
0xaf: {  	[dreg:$0x3] =	wrdreg $0x9  }
0xb0: {  	_ =	task.clear_ibuf [dreg:s6], $0x4FFFF;
	_ =	strace $0x90000049  }
0xb1: {  	s29 =	simm.s32 $0x9;
	_ =	strace $0x8000004B  }
0xb2: {  	_ =	swait.ge [sflag:s29], $0x1  }
0xb3: {  	[sflag:s29] =	ssyncadd.s32 $0xFFFFFFFF  }
0xb4: {  	_ =	strace $0x9000004B  }
0xb5: {  	_ =	sfence  }
0xb6: {  	s30 =	sld [smem:$0x0];
	_ =	sdelay $0x2  }
0xb7: {  	s31 =	sshll.u32 s1, $0xD;
	s1 =	sshrl.u32 s1, $0x2  }
0xb8: {  	s3 =	sand.u32 $0x4000, s31;
	s1 =	sadd.s32 s1, s30  }
0xb9: {  	s0 =	sor.u32 s3, s0;
	s1 =	sshll.u32 s1, $0x11  }
0xba: {  	s0 =	sor.u32 s1, s0  }
0xbb: {  	s0 =	sadd.s32 $0x8F2B, s0  }
0xbc: {  	[sflag:s0] =	ssyncadd.remote.s32 $0x1  }
0xbd: {  	_ =	sfence.sel $0xFFFF  }
0xbe: {  	[dreg:$0x0] =	wrdreg $0xFFFFFFFF;
	(pc) =	sbr.abs _section_cstart, $3  }
0xbf: {  	[dreg:$0x1] =	wrdreg $0xFFFFFFFF  }
0xc0: {  	_ =	task.clear_ibuf [dreg:s6], $0x2FFFF;
	_ =	strace $0x9FFFFFFF  }
0xc1: {  	(tm) =	ssettm $0x7FFFFFFF  }
tec
execute0_lowered:
.L_overlay_start_1:
0x0: {  	(tag) =	ssettag $0x1  }
0x1: {  	s3 =	stileid.u32  }
0x2: {  	s0 =	srdreg.scid;
	s6 =	rddreg [dreg:$0x0]  }
0x3: {  	s2 =	simm.s32 $0x0;
	s17 =	simm.s32 $0x3;
	s18 =	simm.s32 $0x1  }
0x4: {  	s19 =	simm.s32 $0x15000;
	s20 =	simm.s32 $0x17000;
	s21 =	simm.s32 $0x19000  }
0x5: {  	s28 =	simm.s32 $0x7800;
	s29 =	simm.s32 $0x11800;
	s30 =	simm.s32 $0x2  }
0x6: {  	s31 =	simm.s32 $0x4;
	s1 =	sshll.u32 s3, $0x1;
	s0 =	sand.u32 $0x1, s0  }
0x7: {  	s5 =	sshrl.u32 s3, $0x2;
	[smem:$0x7FF] =	sst s2;
	s3 =	sadd.s32 $0x2AC00, s6  }
0x8: {  	s4 =	sadd.s32 $0x20C00, s6;
	s1 =	sand.u32 $0x6, s1;
	s7 =	smul.u32 $0x50000, s5  }
0x9: {  	_ =	strace $0x8000004A;
	s23 =	smul.u32 $0x14000, s5;
	s1 =	sor.u32 s0, s1  }
0xa: {  	s5 =	sadd.s32 $0x2C00, s6;
	s0 =	ssub.s32 $0x2, s0;
	s1 =	smul.u32 $0xA000, s1  }
0xb: {  	s24 =	sshrl.u32 s0, $0x1;
	s9 =	sshrl.u32 s23, $0x3;
	s10 =	sor.u32 $0x1000, s23  }
0xc: {  	s11 =	sor.u32 $0x2000, s23;
	s23 =	simm.s32 $0x2800;
	s0 =	ssub.s32 s0, s24  }
0xd: {  	s26 =	sadd.s32 s3, s9;
	s24 =	simm.s32 $0xC800;
	s22 =	sshrl.u32 s1, $0x3  }
0xe: {  	s1 =	sadd.s32 s7, s1;
	[dreg:$0x3] =	wrdreg s26;
	s13 =	smax.u32 s0, $0x1  }
0xf: {  	s26 =	simm.s32 $0xF000;
	s8 =	sadd.s32 s22, s6;
	s1 =	sshrl.u32 s1, $0x3  }
0x10: {  	s22 =	simm.s32 $0xA000;
	s1 =	sadd.s32 s1, s6;
	s25 =	sadd.s32 $0xCC00, s8  }
0x11: {  	s8 =	sadd.s32 s4, s9;
	s9 =	sadd.s32 s5, s9;
	[dreg:$0x2] =	wrdreg s25  }
0x12: {  	v0 =	vimm.f32 $0.0e+00;
	s12 =	sadd.s32 $0x34C00, s1;
	s25 =	simm.s32 $0x5000;
	s1 =	simm.s32 $0x0  }
.LBB2_1:
0x13: {  	s0 =	rddreg [dreg:$0x2]  }
0x14: {  	[tilespmem:s2], [sflag:$0x3] =	stream.linear.gather [hbm4b:s0+s2], $0xA000, $0x38;
	[tilespmem:$0x1A000] =	vst v63  }
0x15: {  	s14 =	rddreg [dreg:$0x3];
	s6 =	simm.s32 $0x14000  }
0x16: {  	[tilespmem:s6], [sflag:$0x1] =	stream.linear.gather [hbm4b:s14+s2], $0x1000, $0x38;
	[tilespmem:$0x1A000] =	vst v63  }
0x17: {  	s15 =	simm.s32 $0x16000  }
0x18: {  	[tilespmem:s15], [sflag:$0x1] =	stream.linear.gather [hbm4b:s8+s2], $0x1000, $0x38;
	[tilespmem:$0x1A000] =	vst v63  }
0x19: {  	s16 =	simm.s32 $0x18000;
	s0 =	simm.s32 $0x0;
	s6 =	simm.s32 $0x40  }
0x1a: {  	[tilespmem:s16], [sflag:$0x1] =	stream.linear.gather [hbm4b:s9+s2], $0x1000, $0x38;
	[tilespmem:$0x1A000] =	vst v63  }
.LBB2_2:
0x1b: {  	p0 =	sne.s32 s6, $0x9FC0;
	[tilespmem:s0+$0x11800] =	vst v0;
	s7 =	smov.u32 s6;
	s6 =	sadd.s32 $0x40, s6  }
.Ltmp0:
0x1c: {  	[tilespmem:s0+$0xF000] =	vst v0;
	(pc) =	sbr.rel @p0 .LBB2_2-.Ltmp0, $3  }
0x1d: {  	[tilespmem:s0+$0xA000] =	vst v0  }
0x1e: {  	[tilespmem:s0+$0xC800] =	vst v0;
	_ =	sdelay $0x1  }
0x1f: {  	s0 =	sshra.s32 s7, $0x2  }
0x20: {  	[tilespmem:s0+$0x11800] =	vst v0  }
0x21: {  	[tilespmem:s0+$0xF000] =	vst v0  }
0x22: {  	[tilespmem:s0+$0xA000] =	vst v0  }
0x23: {  	[tilespmem:s0+$0xC800] =	vst v0  }
0x24: {  	_ =	swait.ge [sflag:s17], $0xA000  }
0x25: {  	[sflag:s17] =	ssyncset.done $0x0  }
0x26: {  	s0 =	simm.s32 $0x0;
	[sflag:s17] =	ssyncadd.s32 $0xFFFF6000  }
.LBB2_4:
0x27: {  	_ =	swait.ge [sflag:s18], $0x1000  }
0x28: {  	[sflag:s18] =	ssyncset.done $0x0  }
0x29: {  	[sflag:s18] =	ssyncadd.s32 $0xFFFFF000  }
0x2a: {  	_ =	swait.ge [sflag:s18], $0x1000  }
0x2b: {  	[sflag:s18] =	ssyncset.done $0x0  }
0x2c: {  	s14 =	sshll.u32 s0, $0xD;
	[sflag:s18] =	ssyncadd.s32 $0xFFFFF000  }
0x2d: {  	s6 =	sadd.s32 s14, s10;
	_ =	swait.ge [sflag:s18], $0x1000  }
0x2e: {  	s6 =	sshrl.u32 s6, $0x3;
	[sflag:s18] =	ssyncset.done $0x0  }
0x2f: {  	s7 =	sadd.s32 s3, s6;
	[sflag:s18] =	ssyncadd.s32 $0xFFFFF000  }
0x30: {  	[tilespmem:s19], [sflag:$0x2] =	stream.linear.gather [hbm4b:s7+s2], $0x1000, $0x38;
	[tilespmem:$0x1A000] =	vst v63  }
0x31: {  	s15 =	sadd.s32 s4, s6  }
0x32: {  	[tilespmem:s20], [sflag:$0x2] =	stream.linear.gather [hbm4b:s15+s2], $0x1000, $0x38;
	[tilespmem:$0x1A000] =	vst v63  }
0x33: {  	s16 =	simm.s32 $0x14020;
	s6 =	sadd.s32 s5, s6  }
0x34: {  	[tilespmem:s21], [sflag:$0x2] =	stream.linear.gather [hbm4b:s6+s2], $0x1000, $0x38;
	[tilespmem:$0x1A000] =	vst v63  }
0x35: {  	v10 =	vld [tilespmem:s16+$0x10];
	_ =	sdelay $0x2  }
0x36: {  	v1 =	vld [tilespmem:s16+$0xFFFFFFF0]  }
0x37: {  	v3 =	vld [tilespmem:s16+$0xFFFFFFE0]  }
0x38: {  	s15 =	simm.s32 $0x16020;
	v2 =	vld [tilespmem:s16+$0x0]  }
0x39: {  	v12 =	vld [tilespmem:s15+$0x10];
	s16 =	simm.s32 $0x18020  }
0x3a: {  	v11 =	vld [tilespmem:s16+$0x10]  }
0x3b: {  	v5 =	vld.idx.msk [tilespmem:v10+s2+$0x0], $0xffff  }
0x3c: {  	v7 =	vld [tilespmem:s15+$0xFFFFFFF0]  }
0x3d: {  	v8 =	vld [tilespmem:s15+$0x0]  }
0x3e: {  	v4 =	vld [tilespmem:s16+$0xFFFFFFE0]  }
0x3f: {  	v9 =	vld [tilespmem:s16+$0x0]  }
0x40: {  	v13 =	vld.idx.msk [tilespmem:v1+s2+$0x0], $0xffff;
	v6 =	vmul.f32 v5, v11  }
0x41: {  	v15 =	vld.idx.msk [tilespmem:v2+s2+$0x0], $0xffff  }
0x42: {  	[tilespmem:v12+s22+$0x0] =	vst.idx.add.f32.msk $0xffff, v6  }
0x43: {  	v16 =	vld.idx.msk [tilespmem:v10+s23+$0x0], $0xffff  }
0x44: {  	v5 =	vld [tilespmem:s16+$0xFFFFFFF0]  }
0x45: {  	v6 =	vld [tilespmem:s15+$0xFFFFFFE0]  }
0x46: {  	v14 =	vld.idx.msk [tilespmem:v3+s2+$0x0], $0xffff  }
0x47: {  	v15 =	vmul.f32 v15, v9  }
0x48: {  	v16 =	vmul.f32 v16, v11  }
0x49: {  	[tilespmem:v8+s22+$0x0] =	vst.idx.add.f32.msk $0xffff, v15  }
0x4a: {  	v13 =	vmul.f32 v13, v5;
	[tilespmem:v12+s24+$0x0] =	vst.idx.add.f32.msk $0xffff, v16  }
0x4b: {  	v14 =	vmul.f32 v14, v4;
	v16 =	vld.idx.msk [tilespmem:v10+s25+$0x0], $0xffff  }
0x4c: {  	[tilespmem:v7+s22+$0x0] =	vst.idx.add.f32.msk $0xffff, v13  }
0x4d: {  	[tilespmem:v6+s22+$0x0] =	vst.idx.add.f32.msk $0xffff, v14  }
0x4e: {  	v60 =	vld.idx.msk [tilespmem:v3+s23+$0x0], $0xffff  }
0x4f: {  	v61 =	vld.idx.msk [tilespmem:v1+s23+$0x0], $0xffff  }
0x50: {  	v15 =	vld.idx.msk [tilespmem:v2+s23+$0x0], $0xffff;
	v16 =	vmul.f32 v16, v11;
	_ =	sdelay $0x1  }
0x51: {  	[tilespmem:v12+s26+$0x0] =	vst.idx.add.f32.msk $0xffff, v16  }
0x52: {  	v16 =	vld.idx.msk [tilespmem:v10+s28+$0x0], $0xffff;
	v10 =	vmul.f32 v60, v4  }
0x53: {  	v62 =	vmul.f32 v61, v5  }
0x54: {  	[tilespmem:v6+s24+$0x0] =	vst.idx.add.f32.msk $0xffff, v10;
	v10 =	vmul.f32 v15, v9  }
0x55: {  	[tilespmem:v7+s24+$0x0] =	vst.idx.add.f32.msk $0xffff, v62  }
0x56: {  	[tilespmem:v8+s24+$0x0] =	vst.idx.add.f32.msk $0xffff, v10  }
0x57: {  	v10 =	vld.idx.msk [tilespmem:v3+s25+$0x0], $0xffff;
	v63 =	vmul.f32 v16, v11  }
0x58: {  	v11 =	vld.idx.msk [tilespmem:v1+s25+$0x0], $0xffff  }
0x59: {  	s7 =	simm.s32 $0x14060;
	s6 =	simm.s32 $0x0;
	[tilespmem:v12+s29+$0x0] =	vst.idx.add.f32.msk $0xffff, v63  }
.LBB2_5:
0x5a: {  	v12 =	vld [tilespmem:s7+$0x10];
	s6 =	sadd.s32 $0x4, s6  }
0x5b: {  	v13 =	vld [tilespmem:s7+$0xFFFFFFF0];
	p0 =	slt.u32 s6, $0xFC  }
0x5c: {  	v14 =	vld [tilespmem:s7+$0x0]  }
0x5d: {  	v10 =	vmul.f32 v10, v4;
	v15 =	vld [tilespmem:s7+$0xFFFFFFE0]  }
0x5e: {  	v11 =	vmul.f32 v11, v5;
	v16 =	vld.idx.msk [tilespmem:v2+s25+$0x0], $0xffff  }
0x5f: {  	[tilespmem:v6+s26+$0x0] =	vst.idx.add.f32.msk $0xffff, v10  }
0x60: {  	s15 =	sadd.s32 $0x40, s15;
	[tilespmem:v7+s26+$0x0] =	vst.idx.add.f32.msk $0xffff, v11  }
0x61: {  	v17 =	vld [tilespmem:s15+$0x10]  }
0x62: {  	s16 =	sadd.s32 $0x40, s16;
	v10 =	vld.idx.msk [tilespmem:v12+s2+$0x0], $0xffff  }
0x63: {  	v11 =	vld [tilespmem:s16+$0x10]  }
0x64: {  	v16 =	vmul.f32 v16, v9;
	v18 =	vld.idx.msk [tilespmem:v13+s2+$0x0], $0xffff  }
0x65: {  	v19 =	vld.idx.msk [tilespmem:v15+s2+$0x0], $0xffff  }
0x66: {  	v20 =	vld.idx.msk [tilespmem:v14+s2+$0x0], $0xffff  }
0x67: {  	v21 =	vld [tilespmem:s16+$0xFFFFFFE0]  }
0x68: {  	v22 =	vld [tilespmem:s16+$0xFFFFFFF0];
	v10 =	vmul.f32 v10, v11  }
0x69: {  	v23 =	vld [tilespmem:s16+$0x0]  }
0x6a: {  	[tilespmem:v17+s22+$0x0] =	vst.idx.add.f32.msk $0xffff, v10  }
0x6b: {  	v10 =	vld.idx.msk [tilespmem:v12+s23+$0x0], $0xffff  }
0x6c: {  	v24 =	vld [tilespmem:s15+$0xFFFFFFE0];
	v19 =	vmul.f32 v19, v21  }
0x6d: {  	v25 =	vld [tilespmem:s15+$0xFFFFFFF0];
	v18 =	vmul.f32 v18, v22  }
0x6e: {  	v26 =	vld [tilespmem:s15+$0x0];
	v20 =	vmul.f32 v20, v23  }
0x6f: {  	[tilespmem:v8+s26+$0x0] =	vst.idx.add.f32.msk $0xffff, v16  }
0x70: {  	v16 =	vld.idx.msk [tilespmem:v3+s28+$0x0], $0xffff;
	v3 =	vmov v15  }
0x71: {  	v10 =	vmul.f32 v10, v11;
	v15 =	vld.idx.msk [tilespmem:v1+s28+$0x0], $0xffff;
	v1 =	vmov v13  }
0x72: {  	v13 =	vld.idx.msk [tilespmem:v2+s28+$0x0], $0xffff;
	v2 =	vmov v14  }
0x73: {  	[tilespmem:v17+s24+$0x0] =	vst.idx.add.f32.msk $0xffff, v10  }
0x74: {  	v10 =	vld.idx.msk [tilespmem:v12+s25+$0x0], $0xffff  }
0x75: {  	[tilespmem:v24+s22+$0x0] =	vst.idx.add.f32.msk $0xffff, v19  }
0x76: {  	v14 =	vmul.f32 v16, v4;
	v4 =	vmov v21;
	[tilespmem:v25+s22+$0x0] =	vst.idx.add.f32.msk $0xffff, v18  }
0x77: {  	v15 =	vmul.f32 v15, v5;
	v5 =	vmov v22;
	[tilespmem:v26+s22+$0x0] =	vst.idx.add.f32.msk $0xffff, v20  }
0x78: {  	v13 =	vmul.f32 v13, v9;
	v9 =	vmov v23;
	v16 =	vld.idx.msk [tilespmem:v3+s23+$0x0], $0xffff  }
0x79: {  	v18 =	vld.idx.msk [tilespmem:v1+s23+$0x0], $0xffff  }
0x7a: {  	v10 =	vmul.f32 v10, v11;
	v19 =	vld.idx.msk [tilespmem:v2+s23+$0x0], $0xffff  }
0x7b: {  	[tilespmem:v6+s29+$0x0] =	vst.idx.add.f32.msk $0xffff, v14;
	v6 =	vmov v24  }
0x7c: {  	[tilespmem:v17+s26+$0x0] =	vst.idx.add.f32.msk $0xffff, v10  }
0x7d: {  	v12 =	vld.idx.msk [tilespmem:v12+s28+$0x0], $0xffff  }
0x7e: {  	v10 =	vmul.f32 v16, v4;
	[tilespmem:v7+s29+$0x0] =	vst.idx.add.f32.msk $0xffff, v15;
	v7 =	vmov v25  }
0x7f: {  	v14 =	vmul.f32 v18, v5;
	[tilespmem:v8+s29+$0x0] =	vst.idx.add.f32.msk $0xffff, v13;
	v8 =	vmov v26  }
0x80: {  	[tilespmem:v24+s24+$0x0] =	vst.idx.add.f32.msk $0xffff, v10;
	v10 =	vmul.f32 v19, v9  }
.Ltmp1:
0x81: {  	[tilespmem:v25+s24+$0x0] =	vst.idx.add.f32.msk $0xffff, v14;
	(pc) =	sbr.rel @p0 .LBB2_5-.Ltmp1, $4  }
0x82: {  	[tilespmem:v26+s24+$0x0] =	vst.idx.add.f32.msk $0xffff, v10  }
0x83: {  	v12 =	vmul.f32 v12, v11;
	v10 =	vld.idx.msk [tilespmem:v3+s25+$0x0], $0xffff  }
0x84: {  	v11 =	vld.idx.msk [tilespmem:v1+s25+$0x0], $0xffff  }
0x85: {  	s7 =	sadd.s32 $0x40, s7;
	[tilespmem:v17+s29+$0x0] =	vst.idx.add.f32.msk $0xffff, v12  }
0x86: {  	_ =	sdelay $0x3  }
0x87: {  	v12 =	vld.idx.msk [tilespmem:v2+s25+$0x0], $0xffff  }
0x88: {  	v10 =	vmul.f32 v10, v4  }
0x89: {  	v11 =	vmul.f32 v11, v5  }
0x8a: {  	[tilespmem:v6+s26+$0x0] =	vst.idx.add.f32.msk $0xffff, v10  }
0x8b: {  	[tilespmem:v7+s26+$0x0] =	vst.idx.add.f32.msk $0xffff, v11  }
0x8c: {  	v10 =	vmul.f32 v12, v9;
	v3 =	vld.idx.msk [tilespmem:v3+s28+$0x0], $0xffff  }
0x8d: {  	v1 =	vld.idx.msk [tilespmem:v1+s28+$0x0], $0xffff  }
0x8e: {  	[tilespmem:v8+s26+$0x0] =	vst.idx.add.f32.msk $0xffff, v10  }
0x8f: {  	v2 =	vld.idx.msk [tilespmem:v2+s28+$0x0], $0xffff;
	_ =	sdelay $0x2  }
0x90: {  	v3 =	vmul.f32 v3, v4  }
0x91: {  	v1 =	vmul.f32 v1, v5  }
0x92: {  	[tilespmem:v6+s29+$0x0] =	vst.idx.add.f32.msk $0xffff, v3;
	v2 =	vmul.f32 v2, v9  }
0x93: {  	[tilespmem:v7+s29+$0x0] =	vst.idx.add.f32.msk $0xffff, v1  }
0x94: {  	[tilespmem:v8+s29+$0x0] =	vst.idx.add.f32.msk $0xffff, v2  }
0x95: {  	_ =	swait.ge [sflag:s30], $0x1000  }
0x96: {  	[sflag:s30] =	ssyncset.done $0x0  }
0x97: {  	[sflag:s30] =	ssyncadd.s32 $0xFFFFF000  }
0x98: {  	_ =	swait.ge [sflag:s30], $0x1000  }
0x99: {  	[sflag:s30] =	ssyncset.done $0x0  }
0x9a: {  	p0 =	seq.s32 s0, $0x9;
	[sflag:s30] =	ssyncadd.s32 $0xFFFFF000  }
0x9b: {  	s6 =	sadd.s32 @!p0 s14, s11;
	_ =	swait.ge [sflag:s30], $0x1000  }
0x9c: {  	s14 =	simm.s32 @!p0 $0x0;
	s6 =	sshrl.u32 @!p0 s6, $0x3;
	[sflag:s30] =	ssyncset.done $0x0  }
0x9d: {  	s15 =	simm.s32 @!p0 $0x14000;
	s7 =	sadd.s32 @!p0 s3, s6;
	[sflag:s30] =	ssyncadd.s32 $0xFFFFF000  }
0x9e: {  	[tilespmem:s15], [sflag:$0x1] =	stream.linear.gather @!p0 [hbm4b:s7+s14], $0x1000, $0x38;
	[tilespmem:$0x1A000] =	vst v63  }
0x9f: {  	s7 =	sadd.s32 @!p0 s4, s6;
	s15 =	simm.s32 @!p0 $0x16000  }
0xa0: {  	[tilespmem:s15], [sflag:$0x1] =	stream.linear.gather @!p0 [hbm4b:s7+s14], $0x1000, $0x38;
	[tilespmem:$0x1A000] =	vst v63  }
0xa1: {  	s16 =	simm.s32 $0x15030;
	s6 =	sadd.s32 @!p0 s5, s6;
	s7 =	simm.s32 @!p0 $0x18000  }
0xa2: {  	[tilespmem:s7], [sflag:$0x1] =	stream.linear.gather @!p0 [hbm4b:s6+s14], $0x1000, $0x38;
	[tilespmem:$0x1A000] =	vst v63  }
0xa3: {  	v10 =	vld [tilespmem:s16+$0x0];
	_ =	sdelay $0x4  }
0xa4: {  	s14 =	simm.s32 $0x17030;
	v3 =	vld [tilespmem:s16+$0xFFFFFFD0]  }
0xa5: {  	s15 =	simm.s32 $0x19030;
	v59 =	vld [tilespmem:s14+$0x0]  }
0xa6: {  	v11 =	vld [tilespmem:s15+$0x0]  }
0xa7: {  	v5 =	vld.idx.msk [tilespmem:v10+s2+$0x0], $0xffff  }
0xa8: {  	v1 =	vld [tilespmem:s16+$0xFFFFFFE0]  }
0xa9: {  	v2 =	vld [tilespmem:s16+$0xFFFFFFF0]  }
0xaa: {  	v4 =	vld [tilespmem:s15+$0xFFFFFFD0]  }
0xab: {  	v6 =	vld [tilespmem:s15+$0xFFFFFFE0]  }
0xac: {  	v8 =	vld [tilespmem:s14+$0xFFFFFFD0];
	v5 =	vmul.f32 v5, v11  }
0xad: {  	v14 =	vld.idx.msk [tilespmem:v3+s2+$0x0], $0xffff  }
0xae: {  	[tilespmem:v59+s22+$0x0] =	vst.idx.add.f32.msk $0xffff, v5  }
0xaf: {  	v16 =	vld.idx.msk [tilespmem:v10+s23+$0x0], $0xffff  }
0xb0: {  	v7 =	vld [tilespmem:s14+$0xFFFFFFE0]  }
0xb1: {  	v13 =	vld.idx.msk [tilespmem:v1+s2+$0x0], $0xffff  }
0xb2: {  	v9 =	vld [tilespmem:s15+$0xFFFFFFF0]  }
0xb3: {  	v14 =	vmul.f32 v14, v4;
	v5 =	vld [tilespmem:s14+$0xFFFFFFF0]  }
0xb4: {  	v15 =	vld.idx.msk [tilespmem:v2+s2+$0x0], $0xffff;
	v16 =	vmul.f32 v16, v11  }
0xb5: {  	[tilespmem:v8+s22+$0x0] =	vst.idx.add.f32.msk $0xffff, v14  }
0xb6: {  	v13 =	vmul.f32 v13, v6;
	[tilespmem:v59+s24+$0x0] =	vst.idx.add.f32.msk $0xffff, v16  }
0xb7: {  	v16 =	vld.idx.msk [tilespmem:v10+s25+$0x0], $0xffff  }
0xb8: {  	[tilespmem:v7+s22+$0x0] =	vst.idx.add.f32.msk $0xffff, v13  }
0xb9: {  	v15 =	vmul.f32 v15, v9;
	v60 =	vld.idx.msk [tilespmem:v3+s23+$0x0], $0xffff  }
0xba: {  	v61 =	vld.idx.msk [tilespmem:v1+s23+$0x0], $0xffff  }
0xbb: {  	[tilespmem:v5+s22+$0x0] =	vst.idx.add.f32.msk $0xffff, v15  }
0xbc: {  	v15 =	vld.idx.msk [tilespmem:v2+s23+$0x0], $0xffff;
	v16 =	vmul.f32 v16, v11;
	_ =	sdelay $0x1  }
0xbd: {  	[tilespmem:v59+s26+$0x0] =	vst.idx.add.f32.msk $0xffff, v16  }
0xbe: {  	v16 =	vld.idx.msk [tilespmem:v10+s28+$0x0], $0xffff;
	v10 =	vmul.f32 v60, v4  }
0xbf: {  	v62 =	vmul.f32 v61, v6  }
0xc0: {  	[tilespmem:v8+s24+$0x0] =	vst.idx.add.f32.msk $0xffff, v10;
	v10 =	vmul.f32 v15, v9  }
0xc1: {  	[tilespmem:v7+s24+$0x0] =	vst.idx.add.f32.msk $0xffff, v62  }
0xc2: {  	[tilespmem:v5+s24+$0x0] =	vst.idx.add.f32.msk $0xffff, v10  }
0xc3: {  	v10 =	vld.idx.msk [tilespmem:v3+s25+$0x0], $0xffff;
	v63 =	vmul.f32 v16, v11  }
0xc4: {  	v11 =	vld.idx.msk [tilespmem:v1+s25+$0x0], $0xffff  }
0xc5: {  	s6 =	simm.s32 $0x0;
	s7 =	simm.s32 $0x15070;
	[tilespmem:v59+s29+$0x0] =	vst.idx.add.f32.msk $0xffff, v63  }
.LBB2_7:
0xc6: {  	v12 =	vld [tilespmem:s7+$0x0];
	s6 =	sadd.s32 $0x4, s6  }
0xc7: {  	v13 =	vld [tilespmem:s7+$0xFFFFFFE0];
	p0 =	slt.u32 s6, $0xFC  }
0xc8: {  	v14 =	vld [tilespmem:s7+$0xFFFFFFF0]  }
0xc9: {  	v10 =	vmul.f32 v10, v4;
	v15 =	vld [tilespmem:s7+$0xFFFFFFD0]  }
0xca: {  	v11 =	vmul.f32 v11, v6;
	v16 =	vld.idx.msk [tilespmem:v2+s25+$0x0], $0xffff  }
0xcb: {  	[tilespmem:v8+s26+$0x0] =	vst.idx.add.f32.msk $0xffff, v10  }
0xcc: {  	s14 =	sadd.s32 $0x40, s14;
	[tilespmem:v7+s26+$0x0] =	vst.idx.add.f32.msk $0xffff, v11  }
0xcd: {  	v17 =	vld [tilespmem:s14+$0x0]  }
0xce: {  	s15 =	sadd.s32 $0x40, s15;
	v10 =	vld.idx.msk [tilespmem:v12+s2+$0x0], $0xffff  }
0xcf: {  	v11 =	vld [tilespmem:s15+$0x0]  }
0xd0: {  	v16 =	vmul.f32 v16, v9;
	v18 =	vld.idx.msk [tilespmem:v13+s2+$0x0], $0xffff  }
0xd1: {  	v19 =	vld.idx.msk [tilespmem:v15+s2+$0x0], $0xffff  }
0xd2: {  	v20 =	vld.idx.msk [tilespmem:v14+s2+$0x0], $0xffff  }
0xd3: {  	v21 =	vld [tilespmem:s15+$0xFFFFFFD0]  }
0xd4: {  	v22 =	vld [tilespmem:s15+$0xFFFFFFE0];
	v10 =	vmul.f32 v10, v11  }
0xd5: {  	v23 =	vld [tilespmem:s15+$0xFFFFFFF0]  }
0xd6: {  	[tilespmem:v17+s22+$0x0] =	vst.idx.add.f32.msk $0xffff, v10  }
0xd7: {  	v10 =	vld.idx.msk [tilespmem:v12+s23+$0x0], $0xffff  }
0xd8: {  	v24 =	vld [tilespmem:s14+$0xFFFFFFD0];
	v19 =	vmul.f32 v19, v21  }
0xd9: {  	v25 =	vld [tilespmem:s14+$0xFFFFFFE0];
	v18 =	vmul.f32 v18, v22  }
0xda: {  	v26 =	vld [tilespmem:s14+$0xFFFFFFF0];
	v20 =	vmul.f32 v20, v23  }
0xdb: {  	[tilespmem:v5+s26+$0x0] =	vst.idx.add.f32.msk $0xffff, v16  }
0xdc: {  	v16 =	vld.idx.msk [tilespmem:v3+s28+$0x0], $0xffff;
	v3 =	vmov v15  }
0xdd: {  	v10 =	vmul.f32 v10, v11;
	v15 =	vld.idx.msk [tilespmem:v1+s28+$0x0], $0xffff;
	v1 =	vmov v13  }
0xde: {  	v13 =	vld.idx.msk [tilespmem:v2+s28+$0x0], $0xffff;
	v2 =	vmov v14  }
0xdf: {  	[tilespmem:v17+s24+$0x0] =	vst.idx.add.f32.msk $0xffff, v10  }
0xe0: {  	v10 =	vld.idx.msk [tilespmem:v12+s25+$0x0], $0xffff  }
0xe1: {  	[tilespmem:v24+s22+$0x0] =	vst.idx.add.f32.msk $0xffff, v19  }
0xe2: {  	v14 =	vmul.f32 v16, v4;
	v4 =	vmov v21;
	[tilespmem:v25+s22+$0x0] =	vst.idx.add.f32.msk $0xffff, v18  }
0xe3: {  	v15 =	vmul.f32 v15, v6;
	v6 =	vmov v22;
	[tilespmem:v26+s22+$0x0] =	vst.idx.add.f32.msk $0xffff, v20  }
0xe4: {  	v13 =	vmul.f32 v13, v9;
	v9 =	vmov v23;
	v16 =	vld.idx.msk [tilespmem:v3+s23+$0x0], $0xffff  }
0xe5: {  	v18 =	vld.idx.msk [tilespmem:v1+s23+$0x0], $0xffff  }
0xe6: {  	v10 =	vmul.f32 v10, v11;
	v19 =	vld.idx.msk [tilespmem:v2+s23+$0x0], $0xffff  }
0xe7: {  	[tilespmem:v8+s29+$0x0] =	vst.idx.add.f32.msk $0xffff, v14;
	v8 =	vmov v24  }
0xe8: {  	[tilespmem:v17+s26+$0x0] =	vst.idx.add.f32.msk $0xffff, v10  }
0xe9: {  	v12 =	vld.idx.msk [tilespmem:v12+s28+$0x0], $0xffff  }
0xea: {  	v10 =	vmul.f32 v16, v4;
	[tilespmem:v7+s29+$0x0] =	vst.idx.add.f32.msk $0xffff, v15;
	v7 =	vmov v25  }
0xeb: {  	v14 =	vmul.f32 v18, v6;
	[tilespmem:v5+s29+$0x0] =	vst.idx.add.f32.msk $0xffff, v13;
	v5 =	vmov v26  }
0xec: {  	[tilespmem:v24+s24+$0x0] =	vst.idx.add.f32.msk $0xffff, v10;
	v10 =	vmul.f32 v19, v9  }
.Ltmp2:
0xed: {  	[tilespmem:v25+s24+$0x0] =	vst.idx.add.f32.msk $0xffff, v14;
	(pc) =	sbr.rel @p0 .LBB2_7-.Ltmp2, $4  }
0xee: {  	[tilespmem:v26+s24+$0x0] =	vst.idx.add.f32.msk $0xffff, v10  }
0xef: {  	v12 =	vmul.f32 v12, v11;
	v10 =	vld.idx.msk [tilespmem:v3+s25+$0x0], $0xffff  }
0xf0: {  	v11 =	vld.idx.msk [tilespmem:v1+s25+$0x0], $0xffff  }
0xf1: {  	s7 =	sadd.s32 $0x40, s7;
	[tilespmem:v17+s29+$0x0] =	vst.idx.add.f32.msk $0xffff, v12  }
0xf2: {  	_ =	sdelay $0x3  }
0xf3: {  	v12 =	vld.idx.msk [tilespmem:v2+s25+$0x0], $0xffff  }
0xf4: {  	v10 =	vmul.f32 v10, v4  }
0xf5: {  	v11 =	vmul.f32 v11, v6  }
0xf6: {  	[tilespmem:v8+s26+$0x0] =	vst.idx.add.f32.msk $0xffff, v10  }
0xf7: {  	[tilespmem:v7+s26+$0x0] =	vst.idx.add.f32.msk $0xffff, v11  }
0xf8: {  	v63 =	vmul.f32 v12, v9;
	v3 =	vld.idx.msk [tilespmem:v3+s28+$0x0], $0xffff  }
0xf9: {  	v1 =	vld.idx.msk [tilespmem:v1+s28+$0x0], $0xffff  }
0xfa: {  	[tilespmem:v5+s26+$0x0] =	vst.idx.add.f32.msk $0xffff, v63  }
0xfb: {  	v2 =	vld.idx.msk [tilespmem:v2+s28+$0x0], $0xffff  }
0xfc: {  	s0 =	sadd.s32 $0x1, s0  }
0xfd: {  	p0 =	sne.s32 s0, $0xA  }
.Ltmp3:
0xfe: {  	v3 =	vmul.f32 v3, v4;
	(pc) =	sbr.rel @p0 .LBB2_4-.Ltmp3, $4  }
0xff: {  	v1 =	vmul.f32 v1, v6  }
0x100: {  	[tilespmem:v8+s29+$0x0] =	vst.idx.add.f32.msk $0xffff, v3;
	v2 =	vmul.f32 v2, v9  }
0x101: {  	[tilespmem:v7+s29+$0x0] =	vst.idx.add.f32.msk $0xffff, v1  }
0x102: {  	[tilespmem:v5+s29+$0x0] =	vst.idx.add.f32.msk $0xffff, v2  }
0x103: {  	s1 =	sadd.s32 $0x1, s1  }
0x104: {  	p0 =	sne.s32 s1, s13  }
.Ltmp4:
0x105: {  	_ = 	snop;
	(pc) =	sbr.rel @p0 .LBB2_1-.Ltmp4, $4  }
0x106: {  	[hbm4b:s12+s2] =	stream.linear.scatter [tilespmem:s22], [sflag:$0x4], $0xA000, $0x38;
	[tilespmem:$0x1A000] =	vst v63  }
0x107: {  	_ =	swait.ge [sflag:s31], $0xA000  }
0x108: {  	[sflag:s31] =	ssyncset.done $0x0  }
0x109: {  	[sflag:s31] =	ssyncadd.s32 $0xFFFF6000  }
0x10a: {  	_ =	sfence.sel $0x180000  }
0x10b: {  	[bflag:$0x0] =	sbarrier.arrive $0xFFFF  }
0x10c: {  	_ =	strace $0x9000004A  }
0x10d: {  	s0 =	stileid.u32;
	[bflag:$0x2] =	sbarrier.arrive $0xFFFF  }
0x10e: {  	p0 =	sne.s32 s0, $0x0;
	s0 =	rddreg [dreg:$0x1]  }
0x10f: {  	s0 =	sadd.s32 @!p0 $0x100000, s0  }
0x110: {  	[sflag:s0] =	ssyncadd.tile.s32 @!p0 $0x1;
	_ =	shalt  }
.Lfunc_end2:
_tile_overlayer_lowered:
.L_overlay_start_2:
0x111: {  	(tag) =	ssettag $0x2  }
0x112: {  	s0 =	rddreg [dreg:$0x0];
	s2 =	stileid.u32  }
0x113: {  	s1 =	rddreg [dreg:$0x1];
	p0 =	sne.s32 s2, $0x0  }
0x114: {  	s3 =	rddreg [dreg:$0x2];
	[bflag:$0x3] =	sbarrier.arrive $0xFFFF;
	s2 =	simm.s32 @!p0 $0x1C04  }
0x115: {  	[timem:s3], [sflag:s2] =	dma.local @!p0 [hbm:s0], s1  }
0x116: {  	s0 =	simm.s32 @!p0 $0x4  }
0x117: {  	_ =	swait.ge @!p0 [sflag:s0], s1  }
0x118: {  	s1 =	ssub.s32 @!p0 $0x0, s1;
	[sflag:s0] =	ssyncset.done @!p0 $0x0  }
0x119: {  	[sflag:s0] =	ssyncadd.s32 @!p0 s1  }
0x11a: {  	[bflag:$0x3] =	sbarrier.arrive $0xFFFF  }
0x11b: {  	_ =	shalt  }

// kernel: kernel.16.cloned.1.call-start
scs
__scs_entry_jumppad:
0x0: {  	(pc) =	sbr.rel $0x88, $3  }
0x1: {  	(tag) =	ssettag $0x0;
	lr =	simm.s32 $0x1  }
0x2: {  	[smem:$0x3F91] =	sst lr;
	_ =	strace $0xD0000000  }
0x3: {  	_ = 	snop  }
0x4: {  	_ = 	snop  }
0x5: {  	_ = 	snop  }
0x6: {  	_ = 	snop  }
0x7: {  	_ = 	snop  }
__scs_overlays_trampoline_lowered:
0x8: {  	[smem:$0x3FA0] =	sst s0  }
0x9: {  	[smem:$0x3FA1] =	sst s1  }
0xa: {  	[smem:$0x3FA2] =	sst s2  }
0xb: {  	[smem:$0x3FA3] =	sst s3  }
0xc: {  	[smem:$0x3FA4] =	sst s4  }
0xd: {  	[smem:$0x3FA5] =	sst s5  }
0xe: {  	[smem:$0x3FA6] =	sst s6  }
0xf: {  	[smem:$0x3FA7] =	sst s7  }
0x10: {  	[smem:$0x3FA8] =	sst s8  }
0x11: {  	[smem:$0x3FA9] =	sst s9;
	s0 =	simm.s32 @!p0 $0x0  }
0x12: {  	s1 =	sld [smem:$0x3F8F];
	s0 =	simm.s32 @p0 $0x1  }
0x13: {  	[smem:$0x3FAA] =	sst s0;
	s0 =	simm.s32 @!p1 $0x0  }
0x14: {  	s2 =	sld [smem:$0x3F8E];
	s0 =	simm.s32 @p1 $0x1  }
0x15: {  	[smem:$0x3FAB] =	sst s0;
	s0 =	simm.s32 @!p2 $0x0  }
0x16: {  	s3 =	sld [smem:$0x3FDB];
	s0 =	simm.s32 @p2 $0x1  }
0x17: {  	s4 =	simm.s32 $0x1BF5;
	[smem:$0x3FAD] =	sst s0  }
0x18: {  	s0 =	sld [smem:$0x3F90];
	_ =	swait.ge [sflag:s4], $0x0  }
0x19: {  	s7 =	sld [smem:$0x3F91]  }
0x1a: {  	s8 =	sadd.s32 $0xFFFFE003, lr  }
0x1b: {  	s9 =	sadd.s32 $0xFFFFFEF7, lr;
	s5 =	simm.s32 $0xFFFFFFFF;
	p2 =	slt.u32 s8, $0xFFFFF086  }
0x1c: {  	p1 =	slt.u32 s9, $0xF7A;
	s5 =	simm.s32 @!p2 $0x0  }
0x1d: {  	s5 =	simm.s32 @p1 $0x1;
	p0 =	seq.s32 s7, s2  }
0x1e: {  	s7 =	smul.u32 @!p0 $0xF7A, s2;
	p2 =	seq.s32 @!p0 s5, $0x0  }
0x1f: {  	s9 =	smul.u32 $0xF7A, s1;
	s8 =	simm.s32 @!p0 $0x1BF5;
	p2 =	por !p2, p0  }
0x20: {  	[sflag:s8] =	ssyncset.s32 @!p0 $0xFFFFF086;
	s6 =	sadd.s32 @!p0 s3, s7;
	s7 =	simm.s32 @!p0 $0x108  }
0x21: {  	s3 =	sadd.s32 s3, s9;
	s6 =	sadd.s32 @!p0 $0x88, s6;
	s7 =	simm.s32 @p2 $0x1082  }
0x22: {  	[simem:s7], [sflag:s8] =	dma.local @!p0 [hbm:s6], $0xF7A  }
0x23: {  	s9 =	sor.u32 $0xD0000000, s2;
	s6 =	simm.s32 $0x108;
	_ =	swait.ge @!p0 [sflag:s8], $0x0  }
0x24: {  	s3 =	sadd.s32 $0x88, s3;
	s6 =	simm.s32 @!p1 $0x1082;
	[sflag:s4] =	ssyncset.s32 $0xFFFFF086  }
0x25: {  	[simem:s6], [sflag:s4] =	dma.local [hbm:s3], $0xF7A  }
0x26: {  	[smem:$0x3F91] =	sst s1;
	(tag) =	ssettag s2;
	_ =	strace s9  }
0x27: {  	s1 =	sld [smem:$0x3FA1]  }
0x28: {  	s2 =	sld [smem:$0x3FA2]  }
0x29: {  	s4 =	sld [smem:$0x3FA4]  }
0x2a: {  	p0 =	seq.s32 s5, $0x0;
	s5 =	sld [smem:$0x3FA5]  }
0x2b: {  	s6 =	sld [smem:$0x3FA6]  }
0x2c: {  	s7 =	sld [smem:$0x3FA7]  }
0x2d: {  	s3 =	simm.s32 $0x108;
	s8 =	sld [smem:$0x3FA8]  }
0x2e: {  	s3 =	simm.s32 @!p0 $0x1082;
	s9 =	sld [smem:$0x3FA9]  }
0x2f: {  	lr =	sadd.s32 s0, s3;
	s0 =	sld [smem:$0x3FA0]  }
0x30: {  	s3 =	sld [smem:$0x3FA3]  }
0x31: {  	[smem:$0x3FAC] =	sst s10  }
0x32: {  	s10 =	sld [smem:$0x3FAA];
	_ =	sdelay $0x3  }
0x33: {  	p0 =	seq.s32 s10, $0x1;
	s10 =	sld [smem:$0x3FAC];
	_ =	sdelay $0x3  }
0x34: {  	[smem:$0x3FAC] =	sst s10  }
0x35: {  	s10 =	sld [smem:$0x3FAB];
	_ =	sdelay $0x3  }
0x36: {  	p1 =	seq.s32 s10, $0x1;
	s10 =	sld [smem:$0x3FAC];
	_ =	sdelay $0x3  }
0x37: {  	[smem:$0x3FAC] =	sst s10  }
0x38: {  	s10 =	sld [smem:$0x3FAD]  }
0x39: {  	_ = 	snop;
	(pc) =	sbr.ind lr, $3  }
0x3a: {  	_ = 	snop  }
0x3b: {  	_ = 	snop  }
0x3c: {  	p2 =	seq.s32 s10, $0x1;
	s10 =	sld [smem:$0x3FAC]  }
0x3d: {  	_ =	shalt  }
0x3e: {  	_ =	shalt  }
0x3f: {  	_ =	shalt  }
0x40: {  	_ =	shalt  }
0x41: {  	_ =	shalt  }
0x42: {  	_ =	shalt  }
0x43: {  	_ =	shalt  }
0x44: {  	_ =	shalt  }
0x45: {  	_ =	shalt  }
0x46: {  	_ =	shalt  }
0x47: {  	_ =	shalt  }
0x48: {  	_ =	shalt  }
0x49: {  	_ =	shalt  }
0x4a: {  	_ =	shalt  }
0x4b: {  	_ =	shalt  }
0x4c: {  	_ =	shalt  }
0x4d: {  	_ =	shalt  }
0x4e: {  	_ =	shalt  }
0x4f: {  	_ =	shalt  }
0x50: {  	_ =	shalt  }
0x51: {  	_ =	shalt  }
0x52: {  	_ =	shalt  }
0x53: {  	_ =	shalt  }
0x54: {  	_ =	shalt  }
0x55: {  	_ =	shalt  }
0x56: {  	_ =	shalt  }
0x57: {  	_ =	shalt  }
0x58: {  	_ =	shalt  }
0x59: {  	_ =	shalt  }
0x5a: {  	_ =	shalt  }
0x5b: {  	_ =	shalt  }
0x5c: {  	_ =	shalt  }
0x5d: {  	_ =	shalt  }
0x5e: {  	_ =	shalt  }
0x5f: {  	_ =	shalt  }
0x60: {  	_ =	shalt  }
0x61: {  	_ =	shalt  }
0x62: {  	_ =	shalt  }
0x63: {  	_ =	shalt  }
0x64: {  	_ =	shalt  }
0x65: {  	_ =	shalt  }
0x66: {  	_ =	shalt  }
0x67: {  	_ =	shalt  }
0x68: {  	_ =	shalt  }
0x69: {  	_ =	shalt  }
0x6a: {  	_ =	shalt  }
0x6b: {  	_ =	shalt  }
0x6c: {  	_ =	shalt  }
0x6d: {  	_ =	shalt  }
0x6e: {  	_ =	shalt  }
0x6f: {  	_ =	shalt  }
0x70: {  	_ =	shalt  }
0x71: {  	_ =	shalt  }
0x72: {  	_ =	shalt  }
0x73: {  	_ =	shalt  }
0x74: {  	_ =	shalt  }
0x75: {  	_ =	shalt  }
0x76: {  	_ =	shalt  }
0x77: {  	_ =	shalt  }
0x78: {  	_ =	shalt  }
0x79: {  	_ =	shalt  }
0x7a: {  	_ =	shalt  }
0x7b: {  	_ =	shalt  }
0x7c: {  	_ =	shalt  }
0x7d: {  	_ =	shalt  }
0x7e: {  	_ =	shalt  }
0x7f: {  	_ =	shalt  }
0x80: {  	_ =	shalt  }
0x81: {  	_ =	shalt  }
0x82: {  	_ =	shalt  }
0x83: {  	_ =	shalt  }
0x84: {  	_ =	shalt  }
0x85: {  	_ =	shalt  }
0x86: {  	_ =	shalt  }
0x87: {  	_ =	shalt  }
.Lfunc_end0:
.L_simem_size_0:
called_computation.2_lowered:
.L_overlay_start_0:
0x88: {  	s2 =	sld [smem:$0x3FD9]  }
0x89: {  	s3 =	sld [smem:$0x3FFE];
	_ =	sdelay $0x1  }
0x8a: {  	s1 =	srdreg.scid  }
0x8b: {  	s0 =	sand.u32 $0x1, s1  }
0x8c: {  	s16 =	sshll.u32 s0, $0xA;
	s2 =	sadd.s32 s3, s2  }
0x8d: {  	s2 =	sadd.s32 s2, s16  }
0x8e: {  	[smem:$0x3FB8] =	sst s2  }
0x8f: {  	_ = 	snop  }
0x90: {  	(tm) =	ssettm $0x1  }
0x91: {  	s17 =	sld [smem:$0x3FFB];
	_ =	sdelay $0x3  }
0x92: {  	_ =	strace s17  }
0x93: {  	s2 =	sld [smem:$0x3FFC];
	_ =	sdelay $0x3  }
0x94: {  	_ =	strace s2  }
0x95: {  	s2 =	sld [smem:$0x3FFD];
	_ =	sdelay $0x3  }
0x96: {  	_ =	strace s2  }
0x97: {  	_ =	strace $0x8FFFFFFF  }
0x98: {  	s18 =	sld [smem:$0x3FDB];
	_ =	sdelay $0x1  }
0x99: {  	s19 =	simm.s32 $_scs_section_size  }
0x9a: {  	s4 =	simm.s32 $_size__tile_overlayer_lowered;
	s5 =	simm.s32 $_tile_overlayer_lowered  }
0x9b: {  	s22 =	simm.s32 $0x1BFF;
	s21 =	sshll.u32 s5, $0x1;
	s2 =	sadd.s32 s19, s18  }
0x9c: {  	s6 =	simm.s32 $0x0;
	s20 =	sshll.u32 s4, $0x1;
	s4 =	sadd.s32 s21, s2  }
0x9d: {  	[timem:s6], [sflag:s22] =	dma.local [hbm:s4], s20  }
0x9e: {  	_ =	swait.ge [sflag:s22], s20  }
0x9f: {  	s3 =	ssub.s32 $0x0, s20;
	[sflag:s22] =	ssyncset.done $0x0  }
0xa0: {  	[sflag:s22] =	ssyncadd.s32 s3;
	_ =	sdelay $0x1  }
0xa1: {  	s23 =	simm.s32 $0x1B8B  }
0xa2: {  	_ =	swait.ge [sflag:s23], $0x1  }
0xa3: {  	[sflag:s23] =	ssyncset.done $0x0  }
0xa4: {  	s25 =	simm.s32 $0x1B8E;
	s24 =	sld [smem:$0x3FFE];
	[sflag:s23] =	ssyncadd.s32 $0xFFFFFFFF  }
0xa5: {  	s26 =	simm.s32 $execute0_lowered;
	[smem:$0x3FD2] =	sst s25  }
0xa6: {  	s4 =	sshll.u32 s26, $0x1;
	_ =	strace $0x8000004C;
	[dreg:$0x1] =	wrdreg $0xFFFFFFFF  }
0xa7: {  	s28 =	simm.s32 $_size_execute0_lowered;
	s2 =	sadd.s32 s2, s4;
	[dreg:$0x0] =	wrdreg $0x0  }
0xa8: {  	s4 =	sshll.u32 s28, $0x1;
	[dreg:$0x2] =	wrdreg s2  }
0xa9: {  	[dreg:$0x3] =	wrdreg s4  }
0xaa: {  	[dreg:$0x4] =	wrdreg $0xC0  }
0xab: {  	_ =	task [dreg:s6], $0x5FFFF  }
0xac: {  	[dreg:$0x1] =	wrdreg $0xFFFFFFFF  }
0xad: {  	[dreg:$0x0] =	wrdreg $0x60  }
0xae: {  	[dreg:$0x2] =	wrdreg s24  }
0xaf: {  	[dreg:$0x3] =	wrdreg $0x9  }
0xb0: {  	_ =	task.clear_ibuf [dreg:s6], $0x4FFFF;
	_ =	strace $0x9000004C  }
0xb1: {  	s29 =	simm.s32 $0x9;
	_ =	strace $0x8000004E  }
0xb2: {  	_ =	swait.ge [sflag:s29], $0x1  }
0xb3: {  	[sflag:s29] =	ssyncadd.s32 $0xFFFFFFFF  }
0xb4: {  	_ =	strace $0x9000004E  }
0xb5: {  	_ =	sfence  }
0xb6: {  	s30 =	sld [smem:$0x0];
	_ =	sdelay $0x2  }
0xb7: {  	s31 =	sshll.u32 s1, $0xD;
	s1 =	sshrl.u32 s1, $0x2  }
0xb8: {  	s3 =	sand.u32 $0x4000, s31;
	s1 =	sadd.s32 s1, s30  }
0xb9: {  	s0 =	sor.u32 s3, s0;
	s1 =	sshll.u32 s1, $0x11  }
0xba: {  	s0 =	sor.u32 s1, s0  }
0xbb: {  	s0 =	sadd.s32 $0x8F2B, s0  }
0xbc: {  	[sflag:s0] =	ssyncadd.remote.s32 $0x1  }
0xbd: {  	_ =	sfence.sel $0xFFFF  }
0xbe: {  	[dreg:$0x0] =	wrdreg $0xFFFFFFFF;
	(pc) =	sbr.abs _section_cstart, $3  }
0xbf: {  	[dreg:$0x1] =	wrdreg $0xFFFFFFFF  }
0xc0: {  	_ =	task.clear_ibuf [dreg:s6], $0x2FFFF;
	_ =	strace $0x9FFFFFFF  }
0xc1: {  	(tm) =	ssettm $0x7FFFFFFF  }
tec
execute0_lowered:
.L_overlay_start_1:
0x0: {  	(tag) =	ssettag $0x1  }
0x1: {  	s3 =	stileid.u32  }
0x2: {  	s0 =	srdreg.scid;
	s5 =	rddreg [dreg:$0x0]  }
0x3: {  	s2 =	simm.s32 $0x0;
	s12 =	simm.s32 $0x14000;
	s13 =	simm.s32 $0x16000  }
0x4: {  	s14 =	simm.s32 $0x3;
	s15 =	simm.s32 $0x1;
	s16 =	simm.s32 $0x15000  }
0x5: {  	s17 =	simm.s32 $0x17000;
	s18 =	simm.s32 $0xA000;
	s19 =	simm.s32 $0x2800  }
0x6: {  	s20 =	simm.s32 $0xC800;
	s21 =	simm.s32 $0x5000;
	s22 =	simm.s32 $0xF000  }
0x7: {  	s23 =	simm.s32 $0x7800;
	s24 =	simm.s32 $0x11800;
	s25 =	simm.s32 $0x2  }
0x8: {  	s26 =	simm.s32 $0x4;
	s28 =	simm.s32 $0x0;
	s1 =	sshll.u32 s3, $0x1  }
0x9: {  	s0 =	sand.u32 $0x1, s0;
	s4 =	sshrl.u32 s3, $0x2;
	[smem:$0x7FF] =	sst s2  }
0xa: {  	s3 =	sadd.s32 $0x2AC00, s5;
	s1 =	sand.u32 $0x6, s1;
	s6 =	smul.u32 $0x50000, s4  }
0xb: {  	s9 =	smul.u32 $0x14000, s4;
	s1 =	sor.u32 s0, s1;
	s0 =	ssub.s32 $0x2, s0  }
0xc: {  	_ =	strace $0x8000004D;
	s1 =	smul.u32 $0xA000, s1;
	s31 =	sshrl.u32 s0, $0x1  }
0xd: {  	s4 =	sadd.s32 $0x20C00, s5;
	s8 =	sshrl.u32 s9, $0x3;
	s0 =	ssub.s32 s0, s31  }
0xe: {  	s30 =	sshrl.u32 s1, $0x3;
	s1 =	sadd.s32 s6, s1;
	s6 =	sadd.s32 s3, s8  }
0xf: {  	s11 =	smax.u32 s0, $0x1;
	s7 =	sadd.s32 s30, s5;
	s1 =	sshrl.u32 s1, $0x3  }
0x10: {  	s1 =	sadd.s32 s1, s5;
	s5 =	sadd.s32 $0xCC00, s7;
	s7 =	sadd.s32 s4, s8  }
0x11: {  	v0 =	vimm.f32 $0.0e+00;
	s8 =	sor.u32 $0x1000, s9;
	s9 =	sor.u32 $0x2000, s9;
	s10 =	sadd.s32 $0x34C00, s1  }
.LBB2_1:
0x12: {  	[tilespmem:s2], [sflag:$0x3] =	stream.linear.gather [hbm4b:s5+s2], $0xA000, $0x38;
	[tilespmem:$0x18000] =	vst v63  }
0x13: {  	_ = 	snop  }
0x14: {  	[tilespmem:s12], [sflag:$0x1] =	stream.linear.gather [hbm4b:s6+s2], $0x1000, $0x38;
	[tilespmem:$0x18000] =	vst v63  }
0x15: {  	s1 =	simm.s32 $0x40;
	s0 =	simm.s32 $0x0  }
0x16: {  	[tilespmem:s13], [sflag:$0x1] =	stream.linear.gather [hbm4b:s7+s2], $0x1000, $0x38;
	[tilespmem:$0x18000] =	vst v63  }
.LBB2_2:
0x17: {  	p0 =	sne.s32 s1, $0x9FC0;
	[tilespmem:s0+$0x11800] =	vst v0;
	s29 =	smov.u32 s1;
	s1 =	sadd.s32 $0x40, s1  }
.Ltmp0:
0x18: {  	[tilespmem:s0+$0xF000] =	vst v0;
	(pc) =	sbr.rel @p0 .LBB2_2-.Ltmp0, $3  }
0x19: {  	[tilespmem:s0+$0xA000] =	vst v0  }
0x1a: {  	[tilespmem:s0+$0xC800] =	vst v0;
	_ =	sdelay $0x1  }
0x1b: {  	s0 =	sshra.s32 s29, $0x2  }
0x1c: {  	[tilespmem:s0+$0x11800] =	vst v0  }
0x1d: {  	[tilespmem:s0+$0xF000] =	vst v0  }
0x1e: {  	[tilespmem:s0+$0xA000] =	vst v0  }
0x1f: {  	[tilespmem:s0+$0xC800] =	vst v0  }
0x20: {  	_ =	swait.ge [sflag:s14], $0xA000  }
0x21: {  	[sflag:s14] =	ssyncset.done $0x0  }
0x22: {  	s29 =	simm.s32 $0x0;
	[sflag:s14] =	ssyncadd.s32 $0xFFFF6000  }
.LBB2_4:
0x23: {  	_ =	swait.ge [sflag:s15], $0x1000  }
0x24: {  	[sflag:s15] =	ssyncset.done $0x0  }
0x25: {  	s30 =	sshll.u32 s29, $0xD;
	[sflag:s15] =	ssyncadd.s32 $0xFFFFF000  }
0x26: {  	s0 =	sadd.s32 s30, s8;
	_ =	swait.ge [sflag:s15], $0x1000  }
0x27: {  	s0 =	sshrl.u32 s0, $0x3;
	[sflag:s15] =	ssyncset.done $0x0  }
0x28: {  	s1 =	sadd.s32 s3, s0;
	[sflag:s15] =	ssyncadd.s32 $0xFFFFF000  }
0x29: {  	[tilespmem:s16], [sflag:$0x2] =	stream.linear.gather [hbm4b:s1+s2], $0x1000, $0x38;
	[tilespmem:$0x18000] =	vst v63  }
0x2a: {  	s0 =	sadd.s32 s4, s0;
	s1 =	simm.s32 $0x14020  }
0x2b: {  	[tilespmem:s17], [sflag:$0x2] =	stream.linear.gather [hbm4b:s0+s2], $0x1000, $0x38;
	[tilespmem:$0x18000] =	vst v63  }
0x2c: {  	v6 =	vld [tilespmem:s1+$0x10]  }
0x2d: {  	v7 =	vld [tilespmem:s1+$0xFFFFFFE0]  }
0x2e: {  	v2 =	vld [tilespmem:s1+$0xFFFFFFF0];
	_ =	sdelay $0x1  }
0x2f: {  	s31 =	simm.s32 $0x16020;
	v5 =	vld [tilespmem:s1+$0x0]  }
0x30: {  	v8 =	vld [tilespmem:s31+$0x10]  }
0x31: {  	v1 =	vld [tilespmem:s31+$0xFFFFFFE0]  }
0x32: {  	v3 =	vld [tilespmem:s31+$0xFFFFFFF0]  }
0x33: {  	v9 =	vld.idx.msk [tilespmem:v6+s2+$0x0], $0xffff  }
0x34: {  	v11 =	vld.idx.msk [tilespmem:v7+s2+$0x0], $0xffff  }
0x35: {  	v10 =	vld.idx.msk [tilespmem:v2+s2+$0x0], $0xffff  }
0x36: {  	v4 =	vld [tilespmem:s31+$0x0]  }
0x37: {  	v12 =	vld.idx.msk [tilespmem:v5+s2+$0x0], $0xffff  }
0x38: {  	[tilespmem:v8+s18+$0x0] =	vst.idx.add.f32.msk $0xffff, v9  }
0x39: {  	[tilespmem:v1+s18+$0x0] =	vst.idx.add.f32.msk $0xffff, v11  }
0x3a: {  	[tilespmem:v3+s18+$0x0] =	vst.idx.add.f32.msk $0xffff, v10  }
0x3b: {  	v9 =	vld.idx.msk [tilespmem:v6+s19+$0x0], $0xffff  }
0x3c: {  	v11 =	vld.idx.msk [tilespmem:v7+s19+$0x0], $0xffff  }
0x3d: {  	v10 =	vld.idx.msk [tilespmem:v2+s19+$0x0], $0xffff  }
0x3e: {  	[tilespmem:v4+s18+$0x0] =	vst.idx.add.f32.msk $0xffff, v12  }
0x3f: {  	v12 =	vld.idx.msk [tilespmem:v5+s19+$0x0], $0xffff  }
0x40: {  	[tilespmem:v8+s20+$0x0] =	vst.idx.add.f32.msk $0xffff, v9  }
0x41: {  	[tilespmem:v1+s20+$0x0] =	vst.idx.add.f32.msk $0xffff, v11  }
0x42: {  	[tilespmem:v3+s20+$0x0] =	vst.idx.add.f32.msk $0xffff, v10  }
0x43: {  	v9 =	vld.idx.msk [tilespmem:v6+s21+$0x0], $0xffff  }
0x44: {  	[tilespmem:v4+s20+$0x0] =	vst.idx.add.f32.msk $0xffff, v12  }
0x45: {  	v11 =	vld.idx.msk [tilespmem:v7+s21+$0x0], $0xffff  }
0x46: {  	v62 =	vld.idx.msk [tilespmem:v2+s21+$0x0], $0xffff  }
0x47: {  	v63 =	vld.idx.msk [tilespmem:v5+s21+$0x0], $0xffff  }
0x48: {  	[tilespmem:v8+s22+$0x0] =	vst.idx.add.f32.msk $0xffff, v9  }
0x49: {  	v6 =	vld.idx.msk [tilespmem:v6+s23+$0x0], $0xffff;
	_ =	sdelay $0x1  }
0x4a: {  	[tilespmem:v1+s22+$0x0] =	vst.idx.add.f32.msk $0xffff, v11  }
0x4b: {  	[tilespmem:v3+s22+$0x0] =	vst.idx.add.f32.msk $0xffff, v62  }
0x4c: {  	[tilespmem:v4+s22+$0x0] =	vst.idx.add.f32.msk $0xffff, v63  }
0x4d: {  	[tilespmem:v8+s24+$0x0] =	vst.idx.add.f32.msk $0xffff, v6  }
0x4e: {  	s0 =	simm.s32 $0x14060;
	s1 =	simm.s32 $0x0;
	v6 =	vld.idx.msk [tilespmem:v7+s23+$0x0], $0xffff  }
.LBB2_5:
0x4f: {  	v7 =	vld [tilespmem:s0+$0x10];
	s1 =	sadd.s32 $0x4, s1  }
0x50: {  	v8 =	vld [tilespmem:s0+$0xFFFFFFF0];
	p0 =	slt.u32 s1, $0xFC  }
0x51: {  	v9 =	vld [tilespmem:s0+$0x0]  }
0x52: {  	v10 =	vld [tilespmem:s0+$0xFFFFFFE0]  }
0x53: {  	v11 =	vld.idx.msk [tilespmem:v2+s23+$0x0], $0xffff  }
0x54: {  	s31 =	sadd.s32 $0x40, s31;
	v12 =	vld.idx.msk [tilespmem:v5+s23+$0x0], $0xffff  }
0x55: {  	v13 =	vld [tilespmem:s31+$0x10];
	v2 =	vmov v8  }
0x56: {  	v14 =	vld [tilespmem:s31+$0xFFFFFFE0];
	v5 =	vmov v9  }
0x57: {  	v15 =	vld.idx.msk [tilespmem:v7+s2+$0x0], $0xffff  }
0x58: {  	v8 =	vld.idx.msk [tilespmem:v8+s2+$0x0], $0xffff  }
0x59: {  	v9 =	vld.idx.msk [tilespmem:v9+s2+$0x0], $0xffff  }
0x5a: {  	v16 =	vld.idx.msk [tilespmem:v10+s2+$0x0], $0xffff  }
0x5b: {  	v17 =	vld [tilespmem:s31+$0xFFFFFFF0]  }
0x5c: {  	v18 =	vld [tilespmem:s31+$0x0]  }
0x5d: {  	[tilespmem:v13+s18+$0x0] =	vst.idx.add.f32.msk $0xffff, v15  }
0x5e: {  	v15 =	vld.idx.msk [tilespmem:v7+s19+$0x0], $0xffff  }
0x5f: {  	[tilespmem:v1+s24+$0x0] =	vst.idx.add.f32.msk $0xffff, v6;
	v1 =	vmov v14  }
0x60: {  	[tilespmem:v14+s18+$0x0] =	vst.idx.add.f32.msk $0xffff, v16  }
0x61: {  	v6 =	vld.idx.msk [tilespmem:v10+s19+$0x0], $0xffff  }
0x62: {  	[tilespmem:v3+s24+$0x0] =	vst.idx.add.f32.msk $0xffff, v11;
	v3 =	vmov v17  }
0x63: {  	[tilespmem:v17+s18+$0x0] =	vst.idx.add.f32.msk $0xffff, v8  }
0x64: {  	[tilespmem:v13+s20+$0x0] =	vst.idx.add.f32.msk $0xffff, v15  }
0x65: {  	v8 =	vld.idx.msk [tilespmem:v7+s21+$0x0], $0xffff  }
0x66: {  	[tilespmem:v18+s18+$0x0] =	vst.idx.add.f32.msk $0xffff, v9  }
0x67: {  	v9 =	vld.idx.msk [tilespmem:v2+s19+$0x0], $0xffff  }
0x68: {  	v11 =	vld.idx.msk [tilespmem:v5+s19+$0x0], $0xffff  }
0x69: {  	[tilespmem:v14+s20+$0x0] =	vst.idx.add.f32.msk $0xffff, v6  }
0x6a: {  	v6 =	vld.idx.msk [tilespmem:v10+s21+$0x0], $0xffff  }
0x6b: {  	[tilespmem:v13+s22+$0x0] =	vst.idx.add.f32.msk $0xffff, v8  }
0x6c: {  	v7 =	vld.idx.msk [tilespmem:v7+s23+$0x0], $0xffff  }
0x6d: {  	[tilespmem:v17+s20+$0x0] =	vst.idx.add.f32.msk $0xffff, v9  }
0x6e: {  	[tilespmem:v18+s20+$0x0] =	vst.idx.add.f32.msk $0xffff, v11  }
0x6f: {  	v8 =	vld.idx.msk [tilespmem:v2+s21+$0x0], $0xffff  }
0x70: {  	v9 =	vld.idx.msk [tilespmem:v5+s21+$0x0], $0xffff  }
0x71: {  	[tilespmem:v14+s22+$0x0] =	vst.idx.add.f32.msk $0xffff, v6  }
.Ltmp1:
0x72: {  	[tilespmem:v13+s24+$0x0] =	vst.idx.add.f32.msk $0xffff, v7;
	(pc) =	sbr.rel @p0 .LBB2_5-.Ltmp1, $4  }
0x73: {  	v6 =	vld.idx.msk [tilespmem:v10+s23+$0x0], $0xffff  }
0x74: {  	[tilespmem:v4+s24+$0x0] =	vst.idx.add.f32.msk $0xffff, v12;
	v4 =	vmov v18  }
0x75: {  	[tilespmem:v17+s22+$0x0] =	vst.idx.add.f32.msk $0xffff, v8  }
0x76: {  	s0 =	sadd.s32 $0x40, s0;
	[tilespmem:v18+s22+$0x0] =	vst.idx.add.f32.msk $0xffff, v9  }
0x77: {  	_ =	sdelay $0x3  }
0x78: {  	v2 =	vld.idx.msk [tilespmem:v2+s23+$0x0], $0xffff  }
0x79: {  	v5 =	vld.idx.msk [tilespmem:v5+s23+$0x0], $0xffff;
	_ =	sdelay $0x2  }
0x7a: {  	[tilespmem:v1+s24+$0x0] =	vst.idx.add.f32.msk $0xffff, v6  }
0x7b: {  	[tilespmem:v3+s24+$0x0] =	vst.idx.add.f32.msk $0xffff, v2  }
0x7c: {  	[tilespmem:v4+s24+$0x0] =	vst.idx.add.f32.msk $0xffff, v5  }
0x7d: {  	_ =	swait.ge [sflag:s25], $0x1000  }
0x7e: {  	[sflag:s25] =	ssyncset.done $0x0  }
0x7f: {  	p0 =	seq.s32 s29, $0x9;
	[sflag:s25] =	ssyncadd.s32 $0xFFFFF000  }
0x80: {  	s0 =	sadd.s32 @!p0 s30, s9;
	_ =	swait.ge [sflag:s25], $0x1000  }
0x81: {  	s30 =	simm.s32 @!p0 $0x0;
	s0 =	sshrl.u32 @!p0 s0, $0x3;
	[sflag:s25] =	ssyncset.done $0x0  }
0x82: {  	s31 =	simm.s32 @!p0 $0x14000;
	s1 =	sadd.s32 @!p0 s3, s0;
	[sflag:s25] =	ssyncadd.s32 $0xFFFFF000  }
0x83: {  	[tilespmem:s31], [sflag:$0x1] =	stream.linear.gather @!p0 [hbm4b:s1+s30], $0x1000, $0x38;
	[tilespmem:$0x18000] =	vst v63  }
0x84: {  	s0 =	sadd.s32 @!p0 s4, s0;
	s1 =	simm.s32 @!p0 $0x16000;
	s31 =	simm.s32 $0x15030  }
0x85: {  	[tilespmem:s1], [sflag:$0x1] =	stream.linear.gather @!p0 [hbm4b:s0+s30], $0x1000, $0x38;
	[tilespmem:$0x18000] =	vst v63  }
0x86: {  	v6 =	vld [tilespmem:s31+$0x0]  }
0x87: {  	v7 =	vld [tilespmem:s31+$0xFFFFFFD0]  }
0x88: {  	v4 =	vld [tilespmem:s31+$0xFFFFFFE0];
	_ =	sdelay $0x1  }
0x89: {  	s30 =	simm.s32 $0x17030;
	v5 =	vld [tilespmem:s31+$0xFFFFFFF0]  }
0x8a: {  	v8 =	vld [tilespmem:s30+$0x0]  }
0x8b: {  	v1 =	vld [tilespmem:s30+$0xFFFFFFD0]  }
0x8c: {  	v2 =	vld [tilespmem:s30+$0xFFFFFFE0]  }
0x8d: {  	v9 =	vld.idx.msk [tilespmem:v6+s2+$0x0], $0xffff  }
0x8e: {  	v11 =	vld.idx.msk [tilespmem:v7+s2+$0x0], $0xffff  }
0x8f: {  	v10 =	vld.idx.msk [tilespmem:v4+s2+$0x0], $0xffff  }
0x90: {  	v3 =	vld [tilespmem:s30+$0xFFFFFFF0]  }
0x91: {  	v12 =	vld.idx.msk [tilespmem:v5+s2+$0x0], $0xffff  }
0x92: {  	[tilespmem:v8+s18+$0x0] =	vst.idx.add.f32.msk $0xffff, v9  }
0x93: {  	[tilespmem:v1+s18+$0x0] =	vst.idx.add.f32.msk $0xffff, v11  }
0x94: {  	[tilespmem:v2+s18+$0x0] =	vst.idx.add.f32.msk $0xffff, v10  }
0x95: {  	v9 =	vld.idx.msk [tilespmem:v6+s19+$0x0], $0xffff  }
0x96: {  	v11 =	vld.idx.msk [tilespmem:v7+s19+$0x0], $0xffff  }
0x97: {  	v10 =	vld.idx.msk [tilespmem:v4+s19+$0x0], $0xffff  }
0x98: {  	[tilespmem:v3+s18+$0x0] =	vst.idx.add.f32.msk $0xffff, v12  }
0x99: {  	v12 =	vld.idx.msk [tilespmem:v5+s19+$0x0], $0xffff  }
0x9a: {  	[tilespmem:v8+s20+$0x0] =	vst.idx.add.f32.msk $0xffff, v9  }
0x9b: {  	[tilespmem:v1+s20+$0x0] =	vst.idx.add.f32.msk $0xffff, v11  }
0x9c: {  	[tilespmem:v2+s20+$0x0] =	vst.idx.add.f32.msk $0xffff, v10  }
0x9d: {  	v9 =	vld.idx.msk [tilespmem:v6+s21+$0x0], $0xffff  }
0x9e: {  	[tilespmem:v3+s20+$0x0] =	vst.idx.add.f32.msk $0xffff, v12  }
0x9f: {  	v11 =	vld.idx.msk [tilespmem:v7+s21+$0x0], $0xffff  }
0xa0: {  	v62 =	vld.idx.msk [tilespmem:v4+s21+$0x0], $0xffff  }
0xa1: {  	v63 =	vld.idx.msk [tilespmem:v5+s21+$0x0], $0xffff  }
0xa2: {  	[tilespmem:v8+s22+$0x0] =	vst.idx.add.f32.msk $0xffff, v9  }
0xa3: {  	v6 =	vld.idx.msk [tilespmem:v6+s23+$0x0], $0xffff;
	_ =	sdelay $0x1  }
0xa4: {  	[tilespmem:v1+s22+$0x0] =	vst.idx.add.f32.msk $0xffff, v11  }
0xa5: {  	[tilespmem:v2+s22+$0x0] =	vst.idx.add.f32.msk $0xffff, v62  }
0xa6: {  	[tilespmem:v3+s22+$0x0] =	vst.idx.add.f32.msk $0xffff, v63  }
0xa7: {  	[tilespmem:v8+s24+$0x0] =	vst.idx.add.f32.msk $0xffff, v6  }
0xa8: {  	s1 =	simm.s32 $0x0;
	s0 =	simm.s32 $0x15070;
	v6 =	vld.idx.msk [tilespmem:v7+s23+$0x0], $0xffff  }
.LBB2_7:
0xa9: {  	v7 =	vld [tilespmem:s0+$0x0];
	s1 =	sadd.s32 $0x4, s1  }
0xaa: {  	v8 =	vld [tilespmem:s0+$0xFFFFFFE0];
	p0 =	slt.u32 s1, $0xFC  }
0xab: {  	v9 =	vld [tilespmem:s0+$0xFFFFFFF0]  }
0xac: {  	v10 =	vld [tilespmem:s0+$0xFFFFFFD0]  }
0xad: {  	v11 =	vld.idx.msk [tilespmem:v4+s23+$0x0], $0xffff  }
0xae: {  	s30 =	sadd.s32 $0x40, s30;
	v12 =	vld.idx.msk [tilespmem:v5+s23+$0x0], $0xffff  }
0xaf: {  	v13 =	vld [tilespmem:s30+$0x0];
	v4 =	vmov v8  }
0xb0: {  	v14 =	vld [tilespmem:s30+$0xFFFFFFD0];
	v5 =	vmov v9  }
0xb1: {  	v15 =	vld.idx.msk [tilespmem:v7+s2+$0x0], $0xffff  }
0xb2: {  	v8 =	vld.idx.msk [tilespmem:v8+s2+$0x0], $0xffff  }
0xb3: {  	v9 =	vld.idx.msk [tilespmem:v9+s2+$0x0], $0xffff  }
0xb4: {  	v16 =	vld.idx.msk [tilespmem:v10+s2+$0x0], $0xffff  }
0xb5: {  	v17 =	vld [tilespmem:s30+$0xFFFFFFE0]  }
0xb6: {  	v18 =	vld [tilespmem:s30+$0xFFFFFFF0]  }
0xb7: {  	[tilespmem:v13+s18+$0x0] =	vst.idx.add.f32.msk $0xffff, v15  }
0xb8: {  	v15 =	vld.idx.msk [tilespmem:v7+s19+$0x0], $0xffff  }
0xb9: {  	[tilespmem:v1+s24+$0x0] =	vst.idx.add.f32.msk $0xffff, v6;
	v1 =	vmov v14  }
0xba: {  	[tilespmem:v14+s18+$0x0] =	vst.idx.add.f32.msk $0xffff, v16  }
0xbb: {  	v6 =	vld.idx.msk [tilespmem:v10+s19+$0x0], $0xffff  }
0xbc: {  	[tilespmem:v2+s24+$0x0] =	vst.idx.add.f32.msk $0xffff, v11;
	v2 =	vmov v17  }
0xbd: {  	[tilespmem:v17+s18+$0x0] =	vst.idx.add.f32.msk $0xffff, v8  }
0xbe: {  	[tilespmem:v13+s20+$0x0] =	vst.idx.add.f32.msk $0xffff, v15  }
0xbf: {  	v8 =	vld.idx.msk [tilespmem:v7+s21+$0x0], $0xffff  }
0xc0: {  	[tilespmem:v18+s18+$0x0] =	vst.idx.add.f32.msk $0xffff, v9  }
0xc1: {  	v9 =	vld.idx.msk [tilespmem:v4+s19+$0x0], $0xffff  }
0xc2: {  	v11 =	vld.idx.msk [tilespmem:v5+s19+$0x0], $0xffff  }
0xc3: {  	[tilespmem:v14+s20+$0x0] =	vst.idx.add.f32.msk $0xffff, v6  }
0xc4: {  	v6 =	vld.idx.msk [tilespmem:v10+s21+$0x0], $0xffff  }
0xc5: {  	[tilespmem:v13+s22+$0x0] =	vst.idx.add.f32.msk $0xffff, v8  }
0xc6: {  	v7 =	vld.idx.msk [tilespmem:v7+s23+$0x0], $0xffff  }
0xc7: {  	[tilespmem:v17+s20+$0x0] =	vst.idx.add.f32.msk $0xffff, v9  }
0xc8: {  	[tilespmem:v18+s20+$0x0] =	vst.idx.add.f32.msk $0xffff, v11  }
0xc9: {  	v8 =	vld.idx.msk [tilespmem:v4+s21+$0x0], $0xffff  }
0xca: {  	v9 =	vld.idx.msk [tilespmem:v5+s21+$0x0], $0xffff  }
0xcb: {  	[tilespmem:v14+s22+$0x0] =	vst.idx.add.f32.msk $0xffff, v6  }
.Ltmp2:
0xcc: {  	[tilespmem:v13+s24+$0x0] =	vst.idx.add.f32.msk $0xffff, v7;
	(pc) =	sbr.rel @p0 .LBB2_7-.Ltmp2, $4  }
0xcd: {  	v6 =	vld.idx.msk [tilespmem:v10+s23+$0x0], $0xffff  }
0xce: {  	[tilespmem:v3+s24+$0x0] =	vst.idx.add.f32.msk $0xffff, v12;
	v3 =	vmov v18  }
0xcf: {  	[tilespmem:v17+s22+$0x0] =	vst.idx.add.f32.msk $0xffff, v8  }
0xd0: {  	s0 =	sadd.s32 $0x40, s0;
	[tilespmem:v18+s22+$0x0] =	vst.idx.add.f32.msk $0xffff, v9  }
0xd1: {  	_ =	sdelay $0x3  }
0xd2: {  	v4 =	vld.idx.msk [tilespmem:v4+s23+$0x0], $0xffff;
	s29 =	sadd.s32 $0x1, s29  }
0xd3: {  	v5 =	vld.idx.msk [tilespmem:v5+s23+$0x0], $0xffff;
	p0 =	sne.s32 s29, $0xA  }
.Ltmp3:
0xd4: {  	_ = 	snop;
	(pc) =	sbr.rel @p0 .LBB2_4-.Ltmp3, $4  }
0xd5: {  	_ = 	snop  }
0xd6: {  	[tilespmem:v1+s24+$0x0] =	vst.idx.add.f32.msk $0xffff, v6  }
0xd7: {  	[tilespmem:v2+s24+$0x0] =	vst.idx.add.f32.msk $0xffff, v4  }
0xd8: {  	[tilespmem:v3+s24+$0x0] =	vst.idx.add.f32.msk $0xffff, v5  }
0xd9: {  	s28 =	sadd.s32 $0x1, s28  }
0xda: {  	p0 =	sne.s32 s28, s11  }
.Ltmp4:
0xdb: {  	_ = 	snop;
	(pc) =	sbr.rel @p0 .LBB2_1-.Ltmp4, $4  }
0xdc: {  	[hbm4b:s10+s2] =	stream.linear.scatter [tilespmem:s18], [sflag:$0x4], $0xA000, $0x38;
	[tilespmem:$0x18000] =	vst v63  }
0xdd: {  	_ =	swait.ge [sflag:s26], $0xA000  }
0xde: {  	[sflag:s26] =	ssyncset.done $0x0  }
0xdf: {  	[sflag:s26] =	ssyncadd.s32 $0xFFFF6000  }
0xe0: {  	_ =	sfence.sel $0x180000  }
0xe1: {  	[bflag:$0x0] =	sbarrier.arrive $0xFFFF  }
0xe2: {  	_ =	strace $0x9000004D  }
0xe3: {  	s0 =	stileid.u32;
	[bflag:$0x2] =	sbarrier.arrive $0xFFFF  }
0xe4: {  	p0 =	sne.s32 s0, $0x0;
	s0 =	rddreg [dreg:$0x1]  }
0xe5: {  	s0 =	sadd.s32 @!p0 $0x100000, s0  }
0xe6: {  	[sflag:s0] =	ssyncadd.tile.s32 @!p0 $0x1;
	_ =	shalt  }
.Lfunc_end2:
_tile_overlayer_lowered:
.L_overlay_start_2:
0xe7: {  	(tag) =	ssettag $0x2  }
0xe8: {  	s0 =	rddreg [dreg:$0x0];
	s2 =	stileid.u32  }
0xe9: {  	s1 =	rddreg [dreg:$0x1];
	p0 =	sne.s32 s2, $0x0  }
0xea: {  	s3 =	rddreg [dreg:$0x2];
	[bflag:$0x3] =	sbarrier.arrive $0xFFFF;
	s2 =	simm.s32 @!p0 $0x1C04  }
0xeb: {  	[timem:s3], [sflag:s2] =	dma.local @!p0 [hbm:s0], s1  }
0xec: {  	s0 =	simm.s32 @!p0 $0x4  }
0xed: {  	_ =	swait.ge @!p0 [sflag:s0], s1  }
0xee: {  	s1 =	ssub.s32 @!p0 $0x0, s1;
	[sflag:s0] =	ssyncset.done @!p0 $0x0  }
0xef: {  	[sflag:s0] =	ssyncadd.s32 @!p0 s1  }
0xf0: {  	[bflag:$0x3] =	sbarrier.arrive $0xFFFF  }
0xf1: {  	_ =	shalt  }

</sc_bundles>
